<compile_context>
chip_gen: v7x
topology: tpu7x:2x2x1
jax: 0.10.2.dev20260603
libtpu: 0.0.44.dev20260713+nightly
codegen_flags: <defaults>
</compile_context>

<pallas_src>
import dataclasses
import functools

import jax
import jax.numpy as jnp
from jax import lax
from jax.experimental import pallas as pl
from jax.experimental.pallas import tpu as pltpu
from jax.experimental.pallas import tpu_sc as plsc

_CHUNK = 128
_BE = 2000
_BN = 2000


def _matmul(x, w):
    n, d = x.shape

    def body(x_ref, w_ref, o_ref):
        o_ref[...] = jnp.dot(x_ref[...], w_ref[...],
                             preferred_element_type=jnp.float32)

    return pl.pallas_call(
        body,
        grid=(n // _BN,),
        in_specs=[
            pl.BlockSpec((_BN, d), lambda i: (i, 0)),
            pl.BlockSpec((d, d), lambda i: (0, 0)),
        ],
        out_specs=pl.BlockSpec((_BN, d), lambda i: (i, 0)),
        out_shape=jax.ShapeDtypeStruct((n, d), jnp.float32),
    )(x, w)


def _sc_gather(table_h, table_r, hidx, ridx, cidx):
    e = hidx.shape[0]
    nchunk = e // _CHUNK
    d = table_h.shape[1]
    info = plsc.get_sparse_core_info()
    nw = info.num_cores * info.num_subcores
    iters = nchunk // nw
    mesh = plsc.VectorSubcoreMesh(core_axis_name="c", subcore_axis_name="s")
    out_t = jax.ShapeDtypeStruct((e, d), jnp.float32)

    @functools.partial(
        pl.kernel, mesh=mesh,
        out_type=[out_t, out_t, out_t],
        scratch_types=[
            pltpu.VMEM((_CHUNK,), jnp.int32),
            pltpu.VMEM((_CHUNK,), jnp.int32),
            pltpu.VMEM((_CHUNK,), jnp.int32),
            pltpu.VMEM((_CHUNK, d), jnp.float32),
            pltpu.VMEM((_CHUNK, d), jnp.float32),
            pltpu.VMEM((_CHUNK, d), jnp.float32),
            pltpu.SemaphoreType.DMA,
            pltpu.SemaphoreType.DMA,
            pltpu.SemaphoreType.DMA,
        ],
    )
    def k(th_hbm, tr_hbm, hi_hbm, ri_hbm, ci_hbm, ho_hbm, ro_hbm, to_hbm,
          hi_v, ri_v, ci_v, hb, rb, tb, s0, s1, s2):
        w = lax.axis_index("s") * info.num_cores + lax.axis_index("c")

        @pl.loop(0, iters)
        def _(jj):
            j = w + jj * nw
            base = j * _CHUNK
            pltpu.sync_copy(hi_hbm.at[pl.ds(base, _CHUNK)], hi_v)
            pltpu.sync_copy(ri_hbm.at[pl.ds(base, _CHUNK)], ri_v)
            pltpu.sync_copy(ci_hbm.at[pl.ds(base, _CHUNK)], ci_v)
            c0 = pltpu.async_copy(th_hbm.at[hi_v], hb, s0)
            c1 = pltpu.async_copy(tr_hbm.at[ri_v], rb, s1)
            c2 = pltpu.async_copy(th_hbm.at[ci_v], tb, s2)
            c0.wait()
            c1.wait()
            c2.wait()
            pltpu.sync_copy(hb, ho_hbm.at[pl.ds(base, _CHUNK)])
            pltpu.sync_copy(rb, ro_hbm.at[pl.ds(base, _CHUNK)])
            pltpu.sync_copy(tb, to_hbm.at[pl.ds(base, _CHUNK)])

    return k(table_h, table_r, hidx, ridx, cidx)


_DL = 512


def _conv_l(h_ref, r_ref, t_ref, wh_ref, wr_ref, wt_ref):
    hb = h_ref[...].astype(jnp.bfloat16)
    rb = r_ref[...].astype(jnp.bfloat16)
    tb = t_ref[...].astype(jnp.bfloat16)
    return (jnp.dot(hb, wh_ref[...], preferred_element_type=jnp.float32)
            + jnp.dot(rb, wr_ref[...], preferred_element_type=jnp.float32)
            + jnp.dot(tb, wt_ref[...], preferred_element_type=jnp.float32))


def _stats_pass(H, R, T, wh, wr, wt, ne):
    d = H.shape[1]
    dc = d - 2
    nb = ne // _BE

    def body(h_ref, r_ref, t_ref, wh_ref, wr_ref, wt_ref, o_ref):
        i = pl.program_id(0)

        @pl.when(i == 0)
        def _():
            o_ref[...] = jnp.zeros_like(o_ref)

        h = h_ref[...]
        r = r_ref[...]
        t = t_ref[...]
        vals = [
            jnp.sum(h) + jnp.sum(r) + jnp.sum(t),
            jnp.sum(h * h) + jnp.sum(r * r) + jnp.sum(t * t),
        ]
        L = _conv_l(h_ref, r_ref, t_ref, wh_ref, wr_ref, wt_ref)
        cs = jnp.sum(L, axis=0, keepdims=True)
        cs2 = jnp.sum(L * L, axis=0, keepdims=True)
        ch = lax.broadcasted_iota(jnp.int32, (1, _DL), 1) // dc
        for c in range(4):
            vals.append(jnp.sum(jnp.where(ch == c, cs, 0.0)))
            vals.append(jnp.sum(jnp.where(ch == c, cs2, 0.0)))
        lane = lax.broadcasted_iota(jnp.int32, (1, 128), 1)
        p = jnp.zeros((1, 128), jnp.float32)
        for k, v in enumerate(vals):
            p = p + jnp.where(lane == k, v, 0.0)
        o_ref[...] += p

    return pl.pallas_call(
        body,
        grid=(nb,),
        in_specs=[
            pl.BlockSpec((_BE, d), lambda i: (i, 0)),
            pl.BlockSpec((_BE, d), lambda i: (i, 0)),
            pl.BlockSpec((_BE, d), lambda i: (i, 0)),
            pl.BlockSpec((d, _DL), lambda i: (0, 0)),
            pl.BlockSpec((d, _DL), lambda i: (0, 0)),
            pl.BlockSpec((d, _DL), lambda i: (0, 0)),
        ],
        out_specs=pl.BlockSpec((1, 128), lambda i: (0, 0)),
        out_shape=jax.ShapeDtypeStruct((1, 128), jnp.float32),
    )(H, R, T, wh, wr, wt)


def _score_pass(H, R, T, wh, wr, wt, scal, ne):
    d = H.shape[1]
    nb = ne // _BE

    def body(h_ref, r_ref, t_ref, wh_ref, wr_ref, wt_ref, scal_ref, o_ref):
        L = _conv_l(h_ref, r_ref, t_ref, wh_ref, wr_ref, wt_ref)
        z = L * scal_ref[0:1, :] + scal_ref[1:2, :]
        tot = jnp.maximum(z, 0.0) * scal_ref[2:3, :]
        ev = jnp.sum(tot, axis=1, keepdims=True)
        ev = jnp.where(ev >= 0.0, ev, 0.01 * ev)
        o_ref[...] = jnp.exp(ev)

    return pl.pallas_call(
        body,
        grid=(nb,),
        in_specs=[
            pl.BlockSpec((_BE, d), lambda i: (i, 0)),
            pl.BlockSpec((_BE, d), lambda i: (i, 0)),
            pl.BlockSpec((_BE, d), lambda i: (i, 0)),
            pl.BlockSpec((d, _DL), lambda i: (0, 0)),
            pl.BlockSpec((d, _DL), lambda i: (0, 0)),
            pl.BlockSpec((d, _DL), lambda i: (0, 0)),
            pl.BlockSpec((8, _DL), lambda i: (0, 0)),
        ],
        out_specs=pl.BlockSpec((_BE, 1), lambda i: (i, 0)),
        out_shape=jax.ShapeDtypeStruct((ne, 1), jnp.float32),
    )(H, R, T, wh, wr, wt, scal)


def _sc_aggregate(ex2, row2, col2, input_):
    nchunk, _ = ex2.shape
    ck = 64
    n, d = input_.shape
    info = plsc.get_sparse_core_info()
    ncores, nsub = info.num_cores, info.num_subcores
    nw = ncores * nsub
    cpw = nchunk // nw
    nck = cpw * 2
    rcp = 40
    nrchunk = n // rcp
    iters_z = (nrchunk + nsub - 1) // nsub
    ndr = -(-n // d) + (-(-n // d)) % 8
    mesh = plsc.VectorSubcoreMesh(core_axis_name="c", subcore_axis_name="s")
    cp = pltpu.CompilerParams()
    if "needs_layout_passes" in pltpu.CompilerParams.__dataclass_fields__:
        cp = dataclasses.replace(cp, needs_layout_passes=False)

    @functools.partial(
        pl.kernel, mesh=mesh, compiler_params=cp,
        out_type=[jax.ShapeDtypeStruct((ncores, n, d), jnp.float32),
                  jax.ShapeDtypeStruct((ncores, ndr, d), jnp.float32)],
        scratch_types=[
            pltpu.VMEM((cpw, 128), jnp.float32),
            pltpu.VMEM((cpw, 128), jnp.int32),
            pltpu.VMEM((cpw, 128), jnp.int32),
            pltpu.VMEM((ck,), jnp.float32),
            pltpu.VMEM((ck,), jnp.float32),
            pltpu.VMEM((ck,), jnp.int32),
            pltpu.VMEM((ck,), jnp.int32),
            pltpu.VMEM((ck,), jnp.int32),
            pltpu.VMEM((ck,), jnp.int32),
        ] + [pltpu.VMEM((ck, d), jnp.float32)] * 4 + [
            pltpu.VMEM_SHARED((n, d), jnp.float32),
            pltpu.VMEM_SHARED((ndr, d), jnp.float32),
            pltpu.SemaphoreType.DMA,
            pltpu.SemaphoreType.DMA,
            pltpu.SemaphoreType.DMA,
        ],
    )
    def k(ex_hbm, row_hbm, col_hbm, in_hbm, agg_hbm, den_hbm,
          exb, rowb, colb, ec0, ec1, rc0, rc1, rd0, rd1, r0, r1, vv, u0,
          agg_sh, den_sh, gs0, gs1, ssem):
        cid = lax.axis_index("c")
        sid = lax.axis_index("s")
        w = sid * ncores + cid
        c0 = w * cpw
        pltpu.sync_copy(ex_hbm.at[pl.ds(c0, cpw)], exb)
        pltpu.sync_copy(row_hbm.at[pl.ds(c0, cpw)], rowb)
        pltpu.sync_copy(col_hbm.at[pl.ds(c0, cpw)], colb)

        @pl.loop(0, ck)
        def _(i):
            for kk in range(d // 16):
                u0[i, pl.ds(kk * 16, 16)] = jnp.zeros((16,), jnp.float32)

        @pl.loop(0, iters_z)
        def _(z):
            c = sid + z * nsub

            @pl.when(c < nrchunk)
            def _():
                pltpu.sync_copy(u0.at[pl.ds(0, rcp)],
                                agg_sh.at[pl.ds(c * rcp, rcp)])

        @pl.when(sid == 0)
        def _():
            pltpu.sync_copy(u0.at[pl.ds(0, ndr - ck)],
                            den_sh.at[pl.ds(0, ndr - ck)])
            pltpu.sync_copy(u0.at[pl.ds(0, ck)], den_sh.at[pl.ds(ndr - ck, ck)])

        plsc.subcore_barrier()

        rows = (r0, r1)
        excs = (ec0, ec1)
        rowcs = (rc0, rc1)
        rowds = (rd0, rd1)
        gsems = (gs0, gs1)
        for jo in range(2):
            pltpu.async_copy(in_hbm.at[colb.at[0, pl.ds(jo * ck, ck)]],
                             rows[jo], gsems[jo])
        iota16 = lax.broadcasted_iota(jnp.int32, (16,), 0)

        @pl.loop(0, nck, step=2)
        def _(jj):
            for jo in range(2):
                j = jj + jo
                jh = lax.shift_right_logical(j, 1)
                off = lax.rem(j, 2) * ck
                pltpu.make_async_copy(
                    in_hbm.at[colb.at[jh, pl.ds(off, ck)]],
                    rows[jo], gsems[jo]).wait()

                for kk in range(ck // 16):
                    r16 = rowb[jh, pl.ds(off + kk * 16, 16)]
                    rowcs[jo][pl.ds(kk * 16, 16)] = r16
                    rowds[jo][pl.ds(kk * 16, 16)] = (
                        lax.shift_right_logical(r16, 7))
                    excs[jo][pl.ds(kk * 16, 16)] = (
                        exb[jh, pl.ds(off + kk * 16, 16)])

                @pl.when(j > 0)
                def _():
                    pltpu.make_async_copy(vv, agg_sh.at[pl.ds(0, ck)],
                                          ssem).wait()
                    pltpu.make_async_copy(u0, agg_sh.at[pl.ds(0, ck)],
                                          ssem).wait()

                @pl.loop(0, ck)
                def _(i):
                    splat_i = jnp.full((16,), i, jnp.int32)
                    sv = plsc.load_gather(excs[jo], [splat_i])
                    rv = plsc.load_gather(rowcs[jo], [splat_i])
                    pv = lax.rem(rv, 128)
                    for kk in range(d // 16):
                        vv[i, pl.ds(kk * 16, 16)] = (
                            rows[jo][i, pl.ds(kk * 16, 16)] * sv)
                        u0[i, pl.ds(kk * 16, 16)] = jnp.where(
                            iota16 + (kk * 16) == pv, sv,
                            jnp.zeros((16,), jnp.float32))

                pltpu.async_copy(vv, agg_sh.at[rowcs[jo]], ssem, add=True)
                pltpu.async_copy(u0, den_sh.at[rowds[jo]], ssem, add=True)

                @pl.when(j + 2 < nck)
                def _():
                    jn = j + 2
                    jhn = lax.shift_right_logical(jn, 1)
                    offn = lax.rem(jn, 2) * ck
                    pltpu.async_copy(
                        in_hbm.at[colb.at[jhn, pl.ds(offn, ck)]],
                        rows[jo], gsems[jo])

        pltpu.make_async_copy(vv, agg_sh.at[pl.ds(0, ck)], ssem).wait()
        pltpu.make_async_copy(u0, agg_sh.at[pl.ds(0, ck)], ssem).wait()

        plsc.subcore_barrier()

        @pl.loop(0, iters_z)
        def _(z):
            c = sid + z * nsub

            @pl.when(c < nrchunk)
            def _():
                pltpu.sync_copy(agg_sh.at[pl.ds(c * rcp, rcp)],
                                agg_hbm.at[cid, pl.ds(c * rcp, rcp)])

        @pl.when(sid == 0)
        def _():
            pltpu.sync_copy(den_sh, den_hbm.at[cid])

    return k(ex2, row2, col2, input_)


def _finalize(input_, agg_pair, den_pair):
    n, d = input_.shape

    def body(x_ref, a_ref, dn_ref, o_ref):
        a = a_ref[0] + a_ref[1]
        den = dn_ref[0] + dn_ref[1]
        agg = jnp.where(den > 0.0, a / den, 0.0)
        out = x_ref[...] + agg
        o_ref[...] = jnp.where(out > 0.0, out, jnp.exp(out) - 1.0)

    return pl.pallas_call(
        body,
        grid=(n // _BN,),
        in_specs=[
            pl.BlockSpec((_BN, d), lambda i: (i, 0)),
            pl.BlockSpec((2, _BN, d), lambda i: (0, i, 0)),
            pl.BlockSpec((2, _BN, 1), lambda i: (0, i, 0)),
        ],
        out_specs=pl.BlockSpec((_BN, d), lambda i: (i, 0)),
        out_shape=jax.ShapeDtypeStruct((n, d), jnp.float32),
    )(input_, agg_pair, den_pair)


def kernel(input, triple, rel_table, W, conv_w, conv_b, bn1_gamma, bn1_beta,
           bn2_gamma, bn2_beta, fc_w):
    n, d = input.shape
    e = triple.shape[0]
    dc = d - 2
    eps = 1e-5

    row = triple[:, 0]
    rel = triple[:, 1]
    col = triple[:, 2]

    info = plsc.get_sparse_core_info()
    nw = info.num_cores * info.num_subcores
    per_w = nw * _CHUNK
    epad = -(-e // per_w) * per_w
    cpw = epad // per_w
    if cpw % 2:
        cpw += 1
        epad = cpw * per_w
    padlen = epad - e
    zpad = jnp.zeros((padlen,), jnp.int32)
    rowf = jnp.concatenate([row, zpad])
    relf = jnp.concatenate([rel, zpad])
    colf = jnp.concatenate([col, zpad])
    row2 = rowf.reshape(-1, _CHUNK)
    col2 = colf.reshape(-1, _CHUNK)

    input_ = _matmul(input, W)

    Hb, Rb, Tb = _sc_gather(input_, rel_table, rowf, relf, colf)

    ar = jnp.arange(dc)
    wmats = []
    for kj in range(3):
        wm = jnp.zeros((d, _DL), jnp.float32)
        for c in range(4):
            for ki in range(3):
                wm = wm.at[ar + ki, c * dc + ar].set(conv_w[c, 0, ki, kj])
        wmats.append(wm.astype(jnp.bfloat16))
    wh, wr, wt = wmats

    stats = _stats_pass(Hb, Rb, Tb, wh, wr, wt, e)[0]

    cnt1 = 3.0 * e * d
    mu1 = stats[0] / cnt1
    v1 = stats[1] / cnt1 - mu1 * mu1
    a1 = bn1_gamma[0] / jnp.sqrt(v1 + eps)
    cnt2 = float(e * dc)
    m0 = stats[2:10:2] / cnt2
    v0 = stats[3:10:2] / cnt2 - m0 * m0
    s_c = a1 * bn2_gamma / jnp.sqrt(a1 * a1 * v0 + eps)
    o_c = bn2_beta - s_c * m0

    scal = jnp.zeros((8, _DL), jnp.float32)
    scal = scal.at[0, :4 * dc].set(jnp.repeat(s_c, dc))
    scal = scal.at[1, :4 * dc].set(jnp.repeat(o_c, dc))
    scal = scal.at[2, :4 * dc].set(fc_w)

    ex = _score_pass(Hb, Rb, Tb, wh, wr, wt, scal, e)[:, 0]
    ex2 = jnp.concatenate(
        [ex, jnp.zeros((padlen,), jnp.float32)]).reshape(-1, _CHUNK)

    agg_pair, den_out = _sc_aggregate(ex2, row2, col2, input_)
    den_pair = den_out.reshape(2, -1)[:, :n].reshape(2, n, 1)

    return _finalize(input_, agg_pair, den_pair)

# --- scband reference (transcript-rebuilt; emitter-appended) ---
"""Pipeline reference for scband-conv-attention-layer-33225867002152 (READ-ONLY COPY).

The authoritative reference and input builder live on the scoring server;
editing this copy changes nothing except your own understanding.
"""

import jax, jax.numpy as jnp
import numpy as np

N = 10000
E = 160000
D = 128
NCH = 4
K = 3
NREL = 10000


def _batchnorm(x, gamma, beta, eps=1e-5):
    # training-mode batchnorm over (N, H, W) per channel, biased variance
    mean = x.mean(axis=(0, 2, 3), keepdims=True)
    var = x.var(axis=(0, 2, 3), keepdims=True)
    xn = (x - mean) / jnp.sqrt(var + eps)
    return xn * gamma.reshape(1, -1, 1, 1) + beta.reshape(1, -1, 1, 1)


def setup_inputs(seed: int = 0) -> dict:
    key = jax.random.key(seed)
    ks = jax.random.split(key, 8)
    inp = {}
    inp["input"] = jax.random.normal(ks[0], (N, D), dtype=jnp.float32)
    inp["triple"] = jax.random.randint(ks[1], (E, 3), 0, N, dtype=jnp.int32)
    inp["rel_table"] = jax.random.normal(ks[2], (NREL, D), dtype=jnp.float32)
    inp["W"] = jax.random.normal(ks[3], (D, D), dtype=jnp.float32) * float(np.sqrt(2.0 / (D + D)))
    inp["conv_w"] = jax.random.normal(ks[4], (NCH, 1, K, K), dtype=jnp.float32) * 0.1
    inp["conv_b"] = jnp.zeros((NCH,), dtype=jnp.float32)
    inp["bn1_gamma"] = jnp.ones((1,), dtype=jnp.float32)
    inp["bn1_beta"] = jnp.zeros((1,), dtype=jnp.float32)
    inp["bn2_gamma"] = jnp.ones((NCH,), dtype=jnp.float32)
    inp["bn2_beta"] = jnp.zeros((NCH,), dtype=jnp.float32)
    fc_in = NCH * (D - K + 1) * (3 - K + 1)
    inp["fc_w"] = jax.random.normal(ks[5], (fc_in,), dtype=jnp.float32) * 0.05
    return inp


def reference(input, triple, rel_table, W, conv_w, conv_b, bn1_gamma, bn1_beta, bn2_gamma, bn2_beta, fc_w):
    input_ = input @ W
    h = input_[triple[:, 0]]
    r = rel_table[triple[:, 1]]
    t = input_[triple[:, 2]]
    # h.view(-1,1,D,1); cat([h,r,t], dim=3) -> [E,1,D,3]
    x = jnp.stack([h, r, t], axis=-1)[:, None, :, :]
    x = _batchnorm(x, bn1_gamma, bn1_beta)
    x = jax.lax.conv_general_dilated(
        x, conv_w, window_strides=(1, 1), padding="VALID",
        dimension_numbers=("NCHW", "OIHW", "NCHW"),
    ) + conv_b.reshape(1, -1, 1, 1)
    x = _batchnorm(x, bn2_gamma, bn2_beta)
    x = jax.nn.relu(x)
    x = x.reshape(x.shape[0], -1)
    e = x @ fc_w  # [E]
    e = jax.nn.leaky_relu(e, 0.01)
    row = triple[:, 0]
    col = triple[:, 2]
    # sparse softmax over dim=1 (per head row)
    row_max = jax.ops.segment_max(e, row, num_segments=N)
    row_max = jnp.where(jnp.isfinite(row_max), row_max, 0.0)
    row_max = jax.lax.stop_gradient(row_max)
    ex = jnp.exp(e - row_max[row])
    denom = jax.ops.segment_sum(ex, row, num_segments=N)
    att = ex / denom[row]
    agg = jnp.zeros((N, D), dtype=input_.dtype).at[row].add(att[:, None] * input_[col])
    out = agg + input_
    return jax.nn.elu(out)

if __name__ == "__main__":
    import jax
    _d = setup_inputs()
    print(jax.jit(kernel)(*tuple(_d.values())))

</pallas_src>

<mosaic_0001>
#map = affine_map<(d0, d1) -> (0, 0)>
#map1 = affine_map<(d0, d1) -> (0)>
module attributes {stable_mosaic.version = 14 : i64} {
  func.func @k(%arg0: i32, %arg1: i32, %arg2: memref<10000x128xf32, #tpu.memory_space<hbm>>, %arg3: memref<10000x128xf32, #tpu.memory_space<hbm>>, %arg4: memref<163840xi32, #tpu.memory_space<hbm>>, %arg5: memref<163840xi32, #tpu.memory_space<hbm>>, %arg6: memref<163840xi32, #tpu.memory_space<hbm>>, %arg7: memref<163840x128xf32, #tpu.memory_space<hbm>>, %arg8: memref<163840x128xf32, #tpu.memory_space<hbm>>, %arg9: memref<163840x128xf32, #tpu.memory_space<hbm>>, %arg10: memref<128xi32, #tpu.memory_space<vmem>>, %arg11: memref<128xi32, #tpu.memory_space<vmem>>, %arg12: memref<128xi32, #tpu.memory_space<vmem>>, %arg13: memref<128x128xf32, #tpu.memory_space<vmem>>, %arg14: memref<128x128xf32, #tpu.memory_space<vmem>>, %arg15: memref<128x128xf32, #tpu.memory_space<vmem>>, %arg16: memref<!tpu.dma_semaphore, #tpu.memory_space<semaphore_mem>>, %arg17: memref<!tpu.dma_semaphore, #tpu.memory_space<semaphore_mem>>, %arg18: memref<!tpu.dma_semaphore, #tpu.memory_space<semaphore_mem>>) attributes {dimension_semantics = [#tpu.dimension_semantics<core_parallel>, #tpu.dimension_semantics<subcore_parallel>], iteration_bounds = array<i64: 2, 16>, scalar_prefetch = 0 : i64, scratch_operands = 9 : i64, tpu.core_type = #tpu.core_type<sc_vector_subcore>, window_params = [{transform_indices = #map}, {transform_indices = #map}, {transform_indices = #map1}, {transform_indices = #map1}, {transform_indices = #map1}, {transform_indices = #map}, {transform_indices = #map}, {transform_indices = #map}]} {
    %mul3A = arith.constant 2 : i32
    %mul3A_0 = arith.muli %arg1, %mul3A : i32
    %add3A = arith.addi %mul3A_0, %arg0 : i32
    %scan3A = arith.constant 0 : i32
    %scan3A_1 = arith.constant 40 : i32
    %scan3A_2 = arith.addi %scan3A, %scan3A_1 : i32
    %scan3A_3 = arith.constant 1 : i32
    scf.for %scan3A_5 = %scan3A to %scan3A_2 step %scan3A_3  : i32 {
      %mul3A_6 = arith.constant 1 : i32
      %mul3A_7 = arith.muli %scan3A_5, %mul3A_6 : i32
      %add3A_8 = arith.constant 0 : i32
      %add3A_9 = arith.addi %add3A_8, %mul3A_7 : i32
      %mul3A_10 = arith.constant 32 : i32
      %mul3A_11 = arith.muli %add3A_9, %mul3A_10 : i32
      %add3A_12 = arith.addi %add3A, %mul3A_11 : i32
      %mul3A_13 = arith.constant 128 : i32
      %mul3A_14 = arith.muli %add3A_12, %mul3A_13 : i32
      "tpu.region"() ({
        %run_scoped3A = tpu.sem_alloc : memref<!tpu.dma_semaphore, #tpu.memory_space<semaphore_mem>>
        %dma_start3A_31 = tpu.memref_slice %arg4[%mul3A_14] : memref<163840xi32, #tpu.memory_space<hbm>> -> memref<128xi32, #tpu.memory_space<hbm>>
        %dma_start3A_32 = tpu.memref_slice %arg4[%mul3A_14] : memref<163840xi32, #tpu.memory_space<hbm>> -> memref<128xi32, #tpu.memory_space<hbm>>
        tpu.enqueue_dma source(%dma_start3A_32 : memref<128xi32, #tpu.memory_space<hbm>>) target(%arg10 : memref<128xi32, #tpu.memory_space<vmem>>) target_semaphore(%run_scoped3A : memref<!tpu.dma_semaphore, #tpu.memory_space<semaphore_mem>>)
        %dma_wait3A_33 = tpu.memref_slice %arg4[%mul3A_14] : memref<163840xi32, #tpu.memory_space<hbm>> -> memref<128xi32, #tpu.memory_space<hbm>>
        %dma_wait3A_34 = tpu.memref_slice %arg4[%mul3A_14] : memref<163840xi32, #tpu.memory_space<hbm>> -> memref<128xi32, #tpu.memory_space<hbm>>
        tpu.wait_dma2 semaphore(%run_scoped3A : memref<!tpu.dma_semaphore, #tpu.memory_space<semaphore_mem>>) src(%dma_wait3A_34 : memref<128xi32, #tpu.memory_space<hbm>>) dst(%arg10 : memref<128xi32, #tpu.memory_space<vmem>>)
        tpu.yield
      }) : () -> ()
      "tpu.region"() ({
        %run_scoped3A = tpu.sem_alloc : memref<!tpu.dma_semaphore, #tpu.memory_space<semaphore_mem>>
        %dma_start3A_31 = tpu.memref_slice %arg5[%mul3A_14] : memref<163840xi32, #tpu.memory_space<hbm>> -> memref<128xi32, #tpu.memory_space<hbm>>
        %dma_start3A_32 = tpu.memref_slice %arg5[%mul3A_14] : memref<163840xi32, #tpu.memory_space<hbm>> -> memref<128xi32, #tpu.memory_space<hbm>>
        tpu.enqueue_dma source(%dma_start3A_32 : memref<128xi32, #tpu.memory_space<hbm>>) target(%arg11 : memref<128xi32, #tpu.memory_space<vmem>>) target_semaphore(%run_scoped3A : memref<!tpu.dma_semaphore, #tpu.memory_space<semaphore_mem>>)
        %dma_wait3A_33 = tpu.memref_slice %arg5[%mul3A_14] : memref<163840xi32, #tpu.memory_space<hbm>> -> memref<128xi32, #tpu.memory_space<hbm>>
        %dma_wait3A_34 = tpu.memref_slice %arg5[%mul3A_14] : memref<163840xi32, #tpu.memory_space<hbm>> -> memref<128xi32, #tpu.memory_space<hbm>>
        tpu.wait_dma2 semaphore(%run_scoped3A : memref<!tpu.dma_semaphore, #tpu.memory_space<semaphore_mem>>) src(%dma_wait3A_34 : memref<128xi32, #tpu.memory_space<hbm>>) dst(%arg11 : memref<128xi32, #tpu.memory_space<vmem>>)
        tpu.yield
      }) : () -> ()
      "tpu.region"() ({
        %run_scoped3A = tpu.sem_alloc : memref<!tpu.dma_semaphore, #tpu.memory_space<semaphore_mem>>
        %dma_start3A_31 = tpu.memref_slice %arg6[%mul3A_14] : memref<163840xi32, #tpu.memory_space<hbm>> -> memref<128xi32, #tpu.memory_space<hbm>>
        %dma_start3A_32 = tpu.memref_slice %arg6[%mul3A_14] : memref<163840xi32, #tpu.memory_space<hbm>> -> memref<128xi32, #tpu.memory_space<hbm>>
        tpu.enqueue_dma source(%dma_start3A_32 : memref<128xi32, #tpu.memory_space<hbm>>) target(%arg12 : memref<128xi32, #tpu.memory_space<vmem>>) target_semaphore(%run_scoped3A : memref<!tpu.dma_semaphore, #tpu.memory_space<semaphore_mem>>)
        %dma_wait3A_33 = tpu.memref_slice %arg6[%mul3A_14] : memref<163840xi32, #tpu.memory_space<hbm>> -> memref<128xi32, #tpu.memory_space<hbm>>
        %dma_wait3A_34 = tpu.memref_slice %arg6[%mul3A_14] : memref<163840xi32, #tpu.memory_space<hbm>> -> memref<128xi32, #tpu.memory_space<hbm>>
        tpu.wait_dma2 semaphore(%run_scoped3A : memref<!tpu.dma_semaphore, #tpu.memory_space<semaphore_mem>>) src(%dma_wait3A_34 : memref<128xi32, #tpu.memory_space<hbm>>) dst(%arg12 : memref<128xi32, #tpu.memory_space<vmem>>)
        tpu.yield
      }) : () -> ()
      %dma_start3A = arith.constant 0 : i32
      %dma_start3A_15 = arith.constant 0 : i32
      %dma_start3A_16 = tpu.memref_slice %arg2[%dma_start3A, %dma_start3A_15] : memref<10000x128xf32, #tpu.memory_space<hbm>> -> memref<10000x128xf32, #tpu.memory_space<hbm>>
      tpu.enqueue_indirect_dma source(%dma_start3A_16 : memref<10000x128xf32, #tpu.memory_space<hbm>>) target(%arg13 : memref<128x128xf32, #tpu.memory_space<vmem>>) offsets(%arg10 : memref<128xi32, #tpu.memory_space<vmem>>) semaphore(%arg16 : memref<!tpu.dma_semaphore, #tpu.memory_space<semaphore_mem>>)
      %dma_start3A_17 = arith.constant 0 : i32
      %dma_start3A_18 = arith.constant 0 : i32
      %dma_start3A_19 = tpu.memref_slice %arg3[%dma_start3A_17, %dma_start3A_18] : memref<10000x128xf32, #tpu.memory_space<hbm>> -> memref<10000x128xf32, #tpu.memory_space<hbm>>
      tpu.enqueue_indirect_dma source(%dma_start3A_19 : memref<10000x128xf32, #tpu.memory_space<hbm>>) target(%arg14 : memref<128x128xf32, #tpu.memory_space<vmem>>) offsets(%arg11 : memref<128xi32, #tpu.memory_space<vmem>>) semaphore(%arg17 : memref<!tpu.dma_semaphore, #tpu.memory_space<semaphore_mem>>)
      %dma_start3A_20 = arith.constant 0 : i32
      %dma_start3A_21 = arith.constant 0 : i32
      %dma_start3A_22 = tpu.memref_slice %arg2[%dma_start3A_20, %dma_start3A_21] : memref<10000x128xf32, #tpu.memory_space<hbm>> -> memref<10000x128xf32, #tpu.memory_space<hbm>>
      tpu.enqueue_indirect_dma source(%dma_start3A_22 : memref<10000x128xf32, #tpu.memory_space<hbm>>) target(%arg15 : memref<128x128xf32, #tpu.memory_space<vmem>>) offsets(%arg12 : memref<128xi32, #tpu.memory_space<vmem>>) semaphore(%arg18 : memref<!tpu.dma_semaphore, #tpu.memory_space<semaphore_mem>>)
      %dma_wait3A = arith.constant 0 : i32
      %dma_wait3A_23 = arith.constant 0 : i32
      %dma_wait3A_24 = tpu.memref_slice %arg2[%dma_wait3A, %dma_wait3A_23] : memref<10000x128xf32, #tpu.memory_space<hbm>> -> memref<10000x128xf32, #tpu.memory_space<hbm>>
      tpu.wait_indirect_dma semaphore(%arg16 : memref<!tpu.dma_semaphore, #tpu.memory_space<semaphore_mem>>) src(%dma_wait3A_24 : memref<10000x128xf32, #tpu.memory_space<hbm>>) dst(%arg13 : memref<128x128xf32, #tpu.memory_space<vmem>>)
      %dma_wait3A_25 = arith.constant 0 : i32
      %dma_wait3A_26 = arith.constant 0 : i32
      %dma_wait3A_27 = tpu.memref_slice %arg3[%dma_wait3A_25, %dma_wait3A_26] : memref<10000x128xf32, #tpu.memory_space<hbm>> -> memref<10000x128xf32, #tpu.memory_space<hbm>>
      tpu.wait_indirect_dma semaphore(%arg17 : memref<!tpu.dma_semaphore, #tpu.memory_space<semaphore_mem>>) src(%dma_wait3A_27 : memref<10000x128xf32, #tpu.memory_space<hbm>>) dst(%arg14 : memref<128x128xf32, #tpu.memory_space<vmem>>)
      %dma_wait3A_28 = arith.constant 0 : i32
      %dma_wait3A_29 = arith.constant 0 : i32
      %dma_wait3A_30 = tpu.memref_slice %arg2[%dma_wait3A_28, %dma_wait3A_29] : memref<10000x128xf32, #tpu.memory_space<hbm>> -> memref<10000x128xf32, #tpu.memory_space<hbm>>
      tpu.wait_indirect_dma semaphore(%arg18 : memref<!tpu.dma_semaphore, #tpu.memory_space<semaphore_mem>>) src(%dma_wait3A_30 : memref<10000x128xf32, #tpu.memory_space<hbm>>) dst(%arg15 : memref<128x128xf32, #tpu.memory_space<vmem>>)
      "tpu.region"() ({
        %run_scoped3A = tpu.sem_alloc : memref<!tpu.dma_semaphore, #tpu.memory_space<semaphore_mem>>
        %dma_start3A_31 = arith.constant 0 : i32
        %dma_start3A_32 = tpu.memref_slice %arg7[%mul3A_14, %dma_start3A_31] : memref<163840x128xf32, #tpu.memory_space<hbm>> -> memref<128x128xf32, #tpu.memory_space<hbm>>
        %dma_start3A_33 = arith.constant 0 : i32
        %dma_start3A_34 = tpu.memref_slice %arg7[%mul3A_14, %dma_start3A_33] : memref<163840x128xf32, #tpu.memory_space<hbm>> -> memref<128x128xf32, #tpu.memory_space<hbm>>
        tpu.enqueue_dma source(%arg13 : memref<128x128xf32, #tpu.memory_space<vmem>>) target(%dma_start3A_34 : memref<128x128xf32, #tpu.memory_space<hbm>>) target_semaphore(%run_scoped3A : memref<!tpu.dma_semaphore, #tpu.memory_space<semaphore_mem>>)
        %dma_wait3A_35 = arith.constant 0 : i32
        %dma_wait3A_36 = tpu.memref_slice %arg7[%mul3A_14, %dma_wait3A_35] : memref<163840x128xf32, #tpu.memory_space<hbm>> -> memref<128x128xf32, #tpu.memory_space<hbm>>
        %dma_wait3A_37 = arith.constant 0 : i32
        %dma_wait3A_38 = tpu.memref_slice %arg7[%mul3A_14, %dma_wait3A_37] : memref<163840x128xf32, #tpu.memory_space<hbm>> -> memref<128x128xf32, #tpu.memory_space<hbm>>
        tpu.wait_dma2 semaphore(%run_scoped3A : memref<!tpu.dma_semaphore, #tpu.memory_space<semaphore_mem>>) src(%arg13 : memref<128x128xf32, #tpu.memory_space<vmem>>) dst(%dma_wait3A_38 : memref<128x128xf32, #tpu.memory_space<hbm>>)
        tpu.yield
      }) : () -> ()
      "tpu.region"() ({
        %run_scoped3A = tpu.sem_alloc : memref<!tpu.dma_semaphore, #tpu.memory_space<semaphore_mem>>
        %dma_start3A_31 = arith.constant 0 : i32
        %dma_start3A_32 = tpu.memref_slice %arg8[%mul3A_14, %dma_start3A_31] : memref<163840x128xf32, #tpu.memory_space<hbm>> -> memref<128x128xf32, #tpu.memory_space<hbm>>
        %dma_start3A_33 = arith.constant 0 : i32
        %dma_start3A_34 = tpu.memref_slice %arg8[%mul3A_14, %dma_start3A_33] : memref<163840x128xf32, #tpu.memory_space<hbm>> -> memref<128x128xf32, #tpu.memory_space<hbm>>
        tpu.enqueue_dma source(%arg14 : memref<128x128xf32, #tpu.memory_space<vmem>>) target(%dma_start3A_34 : memref<128x128xf32, #tpu.memory_space<hbm>>) target_semaphore(%run_scoped3A : memref<!tpu.dma_semaphore, #tpu.memory_space<semaphore_mem>>)
        %dma_wait3A_35 = arith.constant 0 : i32
        %dma_wait3A_36 = tpu.memref_slice %arg8[%mul3A_14, %dma_wait3A_35] : memref<163840x128xf32, #tpu.memory_space<hbm>> -> memref<128x128xf32, #tpu.memory_space<hbm>>
        %dma_wait3A_37 = arith.constant 0 : i32
        %dma_wait3A_38 = tpu.memref_slice %arg8[%mul3A_14, %dma_wait3A_37] : memref<163840x128xf32, #tpu.memory_space<hbm>> -> memref<128x128xf32, #tpu.memory_space<hbm>>
        tpu.wait_dma2 semaphore(%run_scoped3A : memref<!tpu.dma_semaphore, #tpu.memory_space<semaphore_mem>>) src(%arg14 : memref<128x128xf32, #tpu.memory_space<vmem>>) dst(%dma_wait3A_38 : memref<128x128xf32, #tpu.memory_space<hbm>>)
        tpu.yield
      }) : () -> ()
      "tpu.region"() ({
        %run_scoped3A = tpu.sem_alloc : memref<!tpu.dma_semaphore, #tpu.memory_space<semaphore_mem>>
        %dma_start3A_31 = arith.constant 0 : i32
        %dma_start3A_32 = tpu.memref_slice %arg9[%mul3A_14, %dma_start3A_31] : memref<163840x128xf32, #tpu.memory_space<hbm>> -> memref<128x128xf32, #tpu.memory_space<hbm>>
        %dma_start3A_33 = arith.constant 0 : i32
        %dma_start3A_34 = tpu.memref_slice %arg9[%mul3A_14, %dma_start3A_33] : memref<163840x128xf32, #tpu.memory_space<hbm>> -> memref<128x128xf32, #tpu.memory_space<hbm>>
        tpu.enqueue_dma source(%arg15 : memref<128x128xf32, #tpu.memory_space<vmem>>) target(%dma_start3A_34 : memref<128x128xf32, #tpu.memory_space<hbm>>) target_semaphore(%run_scoped3A : memref<!tpu.dma_semaphore, #tpu.memory_space<semaphore_mem>>)
        %dma_wait3A_35 = arith.constant 0 : i32
        %dma_wait3A_36 = tpu.memref_slice %arg9[%mul3A_14, %dma_wait3A_35] : memref<163840x128xf32, #tpu.memory_space<hbm>> -> memref<128x128xf32, #tpu.memory_space<hbm>>
        %dma_wait3A_37 = arith.constant 0 : i32
        %dma_wait3A_38 = tpu.memref_slice %arg9[%mul3A_14, %dma_wait3A_37] : memref<163840x128xf32, #tpu.memory_space<hbm>> -> memref<128x128xf32, #tpu.memory_space<hbm>>
        tpu.wait_dma2 semaphore(%run_scoped3A : memref<!tpu.dma_semaphore, #tpu.memory_space<semaphore_mem>>) src(%arg15 : memref<128x128xf32, #tpu.memory_space<vmem>>) dst(%dma_wait3A_38 : memref<128x128xf32, #tpu.memory_space<hbm>>)
        tpu.yield
      }) : () -> ()
    }
    %scan3A_4 = arith.constant 40 : i32
    return
  }
}

#map = affine_map<(d0, d1) -> (0, 0)>
#map1 = affine_map<(d0, d1) -> (0, 0, 0)>
module attributes {stable_mosaic.version = 14 : i64} {
  func.func @k(%arg0: i32, %arg1: i32, %arg2: memref<1280x128xf32, #tpu.memory_space<hbm>>, %arg3: memref<1280x128xi32, #tpu.memory_space<hbm>>, %arg4: memref<1280x128xi32, #tpu.memory_space<hbm>>, %arg5: memref<10000x128xf32, #tpu.memory_space<hbm>>, %arg6: memref<2x10000x128xf32, #tpu.memory_space<hbm>>, %arg7: memref<2x86x128xf32, #tpu.memory_space<hbm>>, %arg8: memref<40x128xf32, #tpu.memory_space<vmem>>, %arg9: memref<40x128xi32, #tpu.memory_space<vmem>>, %arg10: memref<40x128xi32, #tpu.memory_space<vmem>>, %arg11: memref<64xf32, #tpu.memory_space<vmem>>, %arg12: memref<64xf32, #tpu.memory_space<vmem>>, %arg13: memref<64xi32, #tpu.memory_space<vmem>>, %arg14: memref<64xi32, #tpu.memory_space<vmem>>, %arg15: memref<64xi32, #tpu.memory_space<vmem>>, %arg16: memref<64xi32, #tpu.memory_space<vmem>>, %arg17: memref<64x128xf32, #tpu.memory_space<vmem>>, %arg18: memref<64x128xf32, #tpu.memory_space<vmem>>, %arg19: memref<64x128xf32, #tpu.memory_space<vmem>>, %arg20: memref<64x128xf32, #tpu.memory_space<vmem>>, %arg21: memref<10000x128xf32, #tpu.memory_space<vmem_shared>>, %arg22: memref<86x128xf32, #tpu.memory_space<vmem_shared>>, %arg23: memref<!tpu.dma_semaphore, #tpu.memory_space<semaphore_mem>>, %arg24: memref<!tpu.dma_semaphore, #tpu.memory_space<semaphore_mem>>, %arg25: memref<!tpu.dma_semaphore, #tpu.memory_space<semaphore_mem>>) attributes {dimension_semantics = [#tpu.dimension_semantics<core_parallel>, #tpu.dimension_semantics<subcore_parallel>], iteration_bounds = array<i64: 2, 16>, scalar_prefetch = 0 : i64, scratch_operands = 18 : i64, tpu.core_type = #tpu.core_type<sc_vector_subcore>, window_params = [{transform_indices = #map}, {transform_indices = #map}, {transform_indices = #map}, {transform_indices = #map}, {transform_indices = #map1}, {transform_indices = #map1}]} {
    %mul3A = arith.constant 2 : i32
    %mul3A_0 = arith.muli %arg1, %mul3A : i32
    %add3A = arith.addi %mul3A_0, %arg0 : i32
    %mul3A_1 = arith.constant 40 : i32
    %mul3A_2 = arith.muli %add3A, %mul3A_1 : i32
    "tpu.region"() ({
      %run_scoped3A = tpu.sem_alloc : memref<!tpu.dma_semaphore, #tpu.memory_space<semaphore_mem>>
      %dma_start3A_54 = arith.constant 0 : i32
      %dma_start3A_55 = tpu.memref_slice %arg2[%mul3A_2, %dma_start3A_54] : memref<1280x128xf32, #tpu.memory_space<hbm>> -> memref<40x128xf32, #tpu.memory_space<hbm>>
      %dma_start3A_56 = arith.constant 0 : i32
      %dma_start3A_57 = tpu.memref_slice %arg2[%mul3A_2, %dma_start3A_56] : memref<1280x128xf32, #tpu.memory_space<hbm>> -> memref<40x128xf32, #tpu.memory_space<hbm>>
      tpu.enqueue_dma source(%dma_start3A_57 : memref<40x128xf32, #tpu.memory_space<hbm>>) target(%arg8 : memref<40x128xf32, #tpu.memory_space<vmem>>) target_semaphore(%run_scoped3A : memref<!tpu.dma_semaphore, #tpu.memory_space<semaphore_mem>>)
      %dma_wait3A_58 = arith.constant 0 : i32
      %dma_wait3A_59 = tpu.memref_slice %arg2[%mul3A_2, %dma_wait3A_58] : memref<1280x128xf32, #tpu.memory_space<hbm>> -> memref<40x128xf32, #tpu.memory_space<hbm>>
      %dma_wait3A_60 = arith.constant 0 : i32
      %dma_wait3A_61 = tpu.memref_slice %arg2[%mul3A_2, %dma_wait3A_60] : memref<1280x128xf32, #tpu.memory_space<hbm>> -> memref<40x128xf32, #tpu.memory_space<hbm>>
      tpu.wait_dma2 semaphore(%run_scoped3A : memref<!tpu.dma_semaphore, #tpu.memory_space<semaphore_mem>>) src(%dma_wait3A_61 : memref<40x128xf32, #tpu.memory_space<hbm>>) dst(%arg8 : memref<40x128xf32, #tpu.memory_space<vmem>>)
      tpu.yield
    }) : () -> ()
    "tpu.region"() ({
      %run_scoped3A = tpu.sem_alloc : memref<!tpu.dma_semaphore, #tpu.memory_space<semaphore_mem>>
      %dma_start3A_54 = arith.constant 0 : i32
      %dma_start3A_55 = tpu.memref_slice %arg3[%mul3A_2, %dma_start3A_54] : memref<1280x128xi32, #tpu.memory_space<hbm>> -> memref<40x128xi32, #tpu.memory_space<hbm>>
      %dma_start3A_56 = arith.constant 0 : i32
      %dma_start3A_57 = tpu.memref_slice %arg3[%mul3A_2, %dma_start3A_56] : memref<1280x128xi32, #tpu.memory_space<hbm>> -> memref<40x128xi32, #tpu.memory_space<hbm>>
      tpu.enqueue_dma source(%dma_start3A_57 : memref<40x128xi32, #tpu.memory_space<hbm>>) target(%arg9 : memref<40x128xi32, #tpu.memory_space<vmem>>) target_semaphore(%run_scoped3A : memref<!tpu.dma_semaphore, #tpu.memory_space<semaphore_mem>>)
      %dma_wait3A_58 = arith.constant 0 : i32
      %dma_wait3A_59 = tpu.memref_slice %arg3[%mul3A_2, %dma_wait3A_58] : memref<1280x128xi32, #tpu.memory_space<hbm>> -> memref<40x128xi32, #tpu.memory_space<hbm>>
      %dma_wait3A_60 = arith.constant 0 : i32
      %dma_wait3A_61 = tpu.memref_slice %arg3[%mul3A_2, %dma_wait3A_60] : memref<1280x128xi32, #tpu.memory_space<hbm>> -> memref<40x128xi32, #tpu.memory_space<hbm>>
      tpu.wait_dma2 semaphore(%run_scoped3A : memref<!tpu.dma_semaphore, #tpu.memory_space<semaphore_mem>>) src(%dma_wait3A_61 : memref<40x128xi32, #tpu.memory_space<hbm>>) dst(%arg9 : memref<40x128xi32, #tpu.memory_space<vmem>>)
      tpu.yield
    }) : () -> ()
    "tpu.region"() ({
      %run_scoped3A = tpu.sem_alloc : memref<!tpu.dma_semaphore, #tpu.memory_space<semaphore_mem>>
      %dma_start3A_54 = arith.constant 0 : i32
      %dma_start3A_55 = tpu.memref_slice %arg4[%mul3A_2, %dma_start3A_54] : memref<1280x128xi32, #tpu.memory_space<hbm>> -> memref<40x128xi32, #tpu.memory_space<hbm>>
      %dma_start3A_56 = arith.constant 0 : i32
      %dma_start3A_57 = tpu.memref_slice %arg4[%mul3A_2, %dma_start3A_56] : memref<1280x128xi32, #tpu.memory_space<hbm>> -> memref<40x128xi32, #tpu.memory_space<hbm>>
      tpu.enqueue_dma source(%dma_start3A_57 : memref<40x128xi32, #tpu.memory_space<hbm>>) target(%arg10 : memref<40x128xi32, #tpu.memory_space<vmem>>) target_semaphore(%run_scoped3A : memref<!tpu.dma_semaphore, #tpu.memory_space<semaphore_mem>>)
      %dma_wait3A_58 = arith.constant 0 : i32
      %dma_wait3A_59 = tpu.memref_slice %arg4[%mul3A_2, %dma_wait3A_58] : memref<1280x128xi32, #tpu.memory_space<hbm>> -> memref<40x128xi32, #tpu.memory_space<hbm>>
      %dma_wait3A_60 = arith.constant 0 : i32
      %dma_wait3A_61 = tpu.memref_slice %arg4[%mul3A_2, %dma_wait3A_60] : memref<1280x128xi32, #tpu.memory_space<hbm>> -> memref<40x128xi32, #tpu.memory_space<hbm>>
      tpu.wait_dma2 semaphore(%run_scoped3A : memref<!tpu.dma_semaphore, #tpu.memory_space<semaphore_mem>>) src(%dma_wait3A_61 : memref<40x128xi32, #tpu.memory_space<hbm>>) dst(%arg10 : memref<40x128xi32, #tpu.memory_space<vmem>>)
      tpu.yield
    }) : () -> ()
    %scan3A = arith.constant 0 : i32
    %scan3A_3 = arith.constant 64 : i32
    %scan3A_4 = arith.addi %scan3A, %scan3A_3 : i32
    %scan3A_5 = arith.constant 1 : i32
    scf.for %scan3A_54 = %scan3A to %scan3A_4 step %scan3A_5  : i32 {
      %mul3A_55 = arith.constant 1 : i32
      %mul3A_56 = arith.muli %scan3A_54, %mul3A_55 : i32
      %add3A_57 = arith.constant 0 : i32
      %add3A_58 = arith.addi %add3A_57, %mul3A_56 : i32
      %broadcast_in_dim3A = arith.constant 0.000000e+00 : f32
      %broadcast_in_dim3A_59 = vector.broadcast %broadcast_in_dim3A : f32 to vector<16xf32>
      %swap3A = arith.index_cast %add3A_58 : i32 to index
      %swap3A_60 = arith.constant 0 : index
      %swap3A_61 = tpu.vector_load %arg20[%swap3A, %swap3A_60] {strides = array<i32>} : memref<64x128xf32, #tpu.memory_space<vmem>>, vector<16xf32>,
      tpu.vector_store %arg20[%swap3A, %swap3A_60], %broadcast_in_dim3A_59 {strides = array<i32>} : memref<64x128xf32, #tpu.memory_space<vmem>>, vector<16xf32>,
      %broadcast_in_dim3A_62 = arith.constant 0.000000e+00 : f32
      %broadcast_in_dim3A_63 = vector.broadcast %broadcast_in_dim3A_62 : f32 to vector<16xf32>
      %swap3A_64 = arith.index_cast %add3A_58 : i32 to index
      %swap3A_65 = arith.constant 16 : index
      %swap3A_66 = tpu.vector_load %arg20[%swap3A_64, %swap3A_65] {strides = array<i32>} : memref<64x128xf32, #tpu.memory_space<vmem>>, vector<16xf32>,
      tpu.vector_store %arg20[%swap3A_64, %swap3A_65], %broadcast_in_dim3A_63 {strides = array<i32>} : memref<64x128xf32, #tpu.memory_space<vmem>>, vector<16xf32>,
      %broadcast_in_dim3A_67 = arith.constant 0.000000e+00 : f32
      %broadcast_in_dim3A_68 = vector.broadcast %broadcast_in_dim3A_67 : f32 to vector<16xf32>
      %swap3A_69 = arith.index_cast %add3A_58 : i32 to index
      %swap3A_70 = arith.constant 32 : index
      %swap3A_71 = tpu.vector_load %arg20[%swap3A_69, %swap3A_70] {strides = array<i32>} : memref<64x128xf32, #tpu.memory_space<vmem>>, vector<16xf32>,
      tpu.vector_store %arg20[%swap3A_69, %swap3A_70], %broadcast_in_dim3A_68 {strides = array<i32>} : memref<64x128xf32, #tpu.memory_space<vmem>>, vector<16xf32>,
      %broadcast_in_dim3A_72 = arith.constant 0.000000e+00 : f32
      %broadcast_in_dim3A_73 = vector.broadcast %broadcast_in_dim3A_72 : f32 to vector<16xf32>
      %swap3A_74 = arith.index_cast %add3A_58 : i32 to index
      %swap3A_75 = arith.constant 48 : index
      %swap3A_76 = tpu.vector_load %arg20[%swap3A_74, %swap3A_75] {strides = array<i32>} : memref<64x128xf32, #tpu.memory_space<vmem>>, vector<16xf32>,
      tpu.vector_store %arg20[%swap3A_74, %swap3A_75], %broadcast_in_dim3A_73 {strides = array<i32>} : memref<64x128xf32, #tpu.memory_space<vmem>>, vector<16xf32>,
      %broadcast_in_dim3A_77 = arith.constant 0.000000e+00 : f32
      %broadcast_in_dim3A_78 = vector.broadcast %broadcast_in_dim3A_77 : f32 to vector<16xf32>
      %swap3A_79 = arith.index_cast %add3A_58 : i32 to index
      %swap3A_80 = arith.constant 64 : index
      %swap3A_81 = tpu.vector_load %arg20[%swap3A_79, %swap3A_80] {strides = array<i32>} : memref<64x128xf32, #tpu.memory_space<vmem>>, vector<16xf32>,
      tpu.vector_store %arg20[%swap3A_79, %swap3A_80], %broadcast_in_dim3A_78 {strides = array<i32>} : memref<64x128xf32, #tpu.memory_space<vmem>>, vector<16xf32>,
      %broadcast_in_dim3A_82 = arith.constant 0.000000e+00 : f32
      %broadcast_in_dim3A_83 = vector.broadcast %broadcast_in_dim3A_82 : f32 to vector<16xf32>
      %swap3A_84 = arith.index_cast %add3A_58 : i32 to index
      %swap3A_85 = arith.constant 80 : index
      %swap3A_86 = tpu.vector_load %arg20[%swap3A_84, %swap3A_85] {strides = array<i32>} : memref<64x128xf32, #tpu.memory_space<vmem>>, vector<16xf32>,
      tpu.vector_store %arg20[%swap3A_84, %swap3A_85], %broadcast_in_dim3A_83 {strides = array<i32>} : memref<64x128xf32, #tpu.memory_space<vmem>>, vector<16xf32>,
      %broadcast_in_dim3A_87 = arith.constant 0.000000e+00 : f32
      %broadcast_in_dim3A_88 = vector.broadcast %broadcast_in_dim3A_87 : f32 to vector<16xf32>
      %swap3A_89 = arith.index_cast %add3A_58 : i32 to index
      %swap3A_90 = arith.constant 96 : index
      %swap3A_91 = tpu.vector_load %arg20[%swap3A_89, %swap3A_90] {strides = array<i32>} : memref<64x128xf32, #tpu.memory_space<vmem>>, vector<16xf32>,
      tpu.vector_store %arg20[%swap3A_89, %swap3A_90], %broadcast_in_dim3A_88 {strides = array<i32>} : memref<64x128xf32, #tpu.memory_space<vmem>>, vector<16xf32>,
      %broadcast_in_dim3A_92 = arith.constant 0.000000e+00 : f32
      %broadcast_in_dim3A_93 = vector.broadcast %broadcast_in_dim3A_92 : f32 to vector<16xf32>
      %swap3A_94 = arith.index_cast %add3A_58 : i32 to index
      %swap3A_95 = arith.constant 112 : index
      %swap3A_96 = tpu.vector_load %arg20[%swap3A_94, %swap3A_95] {strides = array<i32>} : memref<64x128xf32, #tpu.memory_space<vmem>>, vector<16xf32>,
      tpu.vector_store %arg20[%swap3A_94, %swap3A_95], %broadcast_in_dim3A_93 {strides = array<i32>} : memref<64x128xf32, #tpu.memory_space<vmem>>, vector<16xf32>,
    }
    %scan3A_6 = arith.constant 64 : i32
    %scan3A_7 = arith.constant 0 : i32
    %scan3A_8 = arith.constant 16 : i32
    %scan3A_9 = arith.addi %scan3A_7, %scan3A_8 : i32
    %scan3A_10 = arith.constant 1 : i32
    scf.for %scan3A_54 = %scan3A_7 to %scan3A_9 step %scan3A_10  : i32 {
      %mul3A_55 = arith.constant 1 : i32
      %mul3A_56 = arith.muli %scan3A_54, %mul3A_55 : i32
      %add3A_57 = arith.constant 0 : i32
      %add3A_58 = arith.addi %add3A_57, %mul3A_56 : i32
      %mul3A_59 = arith.constant 16 : i32
      %mul3A_60 = arith.muli %add3A_58, %mul3A_59 : i32
      %add3A_61 = arith.addi %arg1, %mul3A_60 : i32
      %lt3A = arith.constant 250 : i32
      %lt3A_62 = arith.cmpi slt, %add3A_61, %lt3A : i32
      %convert_element_type3A_63 = arith.extui %lt3A_62 : i1 to i32
      %cond3A_64 = arith.constant 0 : i32
      %cond3A_65 = arith.cmpi ne, %convert_element_type3A_63, %cond3A_64 : i32
      scf.if %cond3A_65 {
        %mul3A_66 = arith.constant 40 : i32
        %mul3A_67 = arith.muli %add3A_61, %mul3A_66 : i32
        "tpu.region"() ({
          %run_scoped3A = tpu.sem_alloc : memref<!tpu.dma_semaphore, #tpu.memory_space<semaphore_mem>>
          %dma_start3A_68 = arith.constant 0 : i32
          %dma_start3A_69 = arith.constant 0 : i32
          %dma_start3A_70 = tpu.memref_slice %arg20[%dma_start3A_68, %dma_start3A_69] : memref<64x128xf32, #tpu.memory_space<vmem>> -> memref<40x128xf32, #tpu.memory_space<vmem>>
          %dma_start3A_71 = arith.constant 0 : i32
          %dma_start3A_72 = tpu.memref_slice %arg21[%mul3A_67, %dma_start3A_71] : memref<10000x128xf32, #tpu.memory_space<vmem_shared>> -> memref<40x128xf32, #tpu.memory_space<vmem_shared>>
          %dma_start3A_73 = arith.constant 0 : i32
          %dma_start3A_74 = tpu.memref_slice %arg21[%mul3A_67, %dma_start3A_73] : memref<10000x128xf32, #tpu.memory_space<vmem_shared>> -> memref<40x128xf32, #tpu.memory_space<vmem_shared>>
          %dma_start3A_75 = arith.constant 0 : i32
          %dma_start3A_76 = arith.constant 0 : i32
          %dma_start3A_77 = tpu.memref_slice %arg20[%dma_start3A_75, %dma_start3A_76] : memref<64x128xf32, #tpu.memory_space<vmem>> -> memref<40x128xf32, #tpu.memory_space<vmem>>
          tpu.enqueue_dma source(%dma_start3A_77 : memref<40x128xf32, #tpu.memory_space<vmem>>) target(%dma_start3A_74 : memref<40x128xf32, #tpu.memory_space<vmem_shared>>) target_semaphore(%run_scoped3A : memref<!tpu.dma_semaphore, #tpu.memory_space<semaphore_mem>>)
          %dma_wait3A_78 = arith.constant 0 : i32
          %dma_wait3A_79 = arith.constant 0 : i32
          %dma_wait3A_80 = tpu.memref_slice %arg20[%dma_wait3A_78, %dma_wait3A_79] : memref<64x128xf32, #tpu.memory_space<vmem>> -> memref<40x128xf32, #tpu.memory_space<vmem>>
          %dma_wait3A_81 = arith.constant 0 : i32
          %dma_wait3A_82 = tpu.memref_slice %arg21[%mul3A_67, %dma_wait3A_81] : memref<10000x128xf32, #tpu.memory_space<vmem_shared>> -> memref<40x128xf32, #tpu.memory_space<vmem_shared>>
          %dma_wait3A_83 = arith.constant 0 : i32
          %dma_wait3A_84 = tpu.memref_slice %arg21[%mul3A_67, %dma_wait3A_83] : memref<10000x128xf32, #tpu.memory_space<vmem_shared>> -> memref<40x128xf32, #tpu.memory_space<vmem_shared>>
          %dma_wait3A_85 = arith.constant 0 : i32
          %dma_wait3A_86 = arith.constant 0 : i32
          %dma_wait3A_87 = tpu.memref_slice %arg20[%dma_wait3A_85, %dma_wait3A_86] : memref<64x128xf32, #tpu.memory_space<vmem>> -> memref<40x128xf32, #tpu.memory_space<vmem>>
          tpu.wait_dma2 semaphore(%run_scoped3A : memref<!tpu.dma_semaphore, #tpu.memory_space<semaphore_mem>>) src(%dma_wait3A_87 : memref<40x128xf32, #tpu.memory_space<vmem>>) dst(%dma_wait3A_84 : memref<40x128xf32, #tpu.memory_space<vmem_shared>>)
          tpu.yield
        }) : () -> ()
      } else {
      }
    }
    %scan3A_11 = arith.constant 16 : i32
    %eq3A = arith.constant 0 : i32
    %eq3A_12 = arith.cmpi eq, %arg1, %eq3A : i32
    %convert_element_type3A = arith.extui %eq3A_12 : i1 to i32
    %cond3A = arith.constant 0 : i32
    %cond3A_13 = arith.cmpi ne, %convert_element_type3A, %cond3A : i32
    scf.if %cond3A_13 {
      "tpu.region"() ({
        %run_scoped3A = tpu.sem_alloc : memref<!tpu.dma_semaphore, #tpu.memory_space<semaphore_mem>>
        %dma_start3A_54 = arith.constant 0 : i32
        %dma_start3A_55 = arith.constant 0 : i32
        %dma_start3A_56 = tpu.memref_slice %arg20[%dma_start3A_54, %dma_start3A_55] : memref<64x128xf32, #tpu.memory_space<vmem>> -> memref<22x128xf32, #tpu.memory_space<vmem>>
        %dma_start3A_57 = arith.constant 0 : i32
        %dma_start3A_58 = arith.constant 0 : i32
        %dma_start3A_59 = tpu.memref_slice %arg22[%dma_start3A_57, %dma_start3A_58] : memref<86x128xf32, #tpu.memory_space<vmem_shared>> -> memref<22x128xf32, #tpu.memory_space<vmem_shared>>
        %dma_start3A_60 = arith.constant 0 : i32
        %dma_start3A_61 = arith.constant 0 : i32
        %dma_start3A_62 = tpu.memref_slice %arg22[%dma_start3A_60, %dma_start3A_61] : memref<86x128xf32, #tpu.memory_space<vmem_shared>> -> memref<22x128xf32, #tpu.memory_space<vmem_shared>>
        %dma_start3A_63 = arith.constant 0 : i32
        %dma_start3A_64 = arith.constant 0 : i32
        %dma_start3A_65 = tpu.memref_slice %arg20[%dma_start3A_63, %dma_start3A_64] : memref<64x128xf32, #tpu.memory_space<vmem>> -> memref<22x128xf32, #tpu.memory_space<vmem>>
        tpu.enqueue_dma source(%dma_start3A_65 : memref<22x128xf32, #tpu.memory_space<vmem>>) target(%dma_start3A_62 : memref<22x128xf32, #tpu.memory_space<vmem_shared>>) target_semaphore(%run_scoped3A : memref<!tpu.dma_semaphore, #tpu.memory_space<semaphore_mem>>)
        %dma_wait3A_66 = arith.constant 0 : i32
        %dma_wait3A_67 = arith.constant 0 : i32
        %dma_wait3A_68 = tpu.memref_slice %arg20[%dma_wait3A_66, %dma_wait3A_67] : memref<64x128xf32, #tpu.memory_space<vmem>> -> memref<22x128xf32, #tpu.memory_space<vmem>>
        %dma_wait3A_69 = arith.constant 0 : i32
        %dma_wait3A_70 = arith.constant 0 : i32
        %dma_wait3A_71 = tpu.memref_slice %arg22[%dma_wait3A_69, %dma_wait3A_70] : memref<86x128xf32, #tpu.memory_space<vmem_shared>> -> memref<22x128xf32, #tpu.memory_space<vmem_shared>>
        %dma_wait3A_72 = arith.constant 0 : i32
        %dma_wait3A_73 = arith.constant 0 : i32
        %dma_wait3A_74 = tpu.memref_slice %arg22[%dma_wait3A_72, %dma_wait3A_73] : memref<86x128xf32, #tpu.memory_space<vmem_shared>> -> memref<22x128xf32, #tpu.memory_space<vmem_shared>>
        %dma_wait3A_75 = arith.constant 0 : i32
        %dma_wait3A_76 = arith.constant 0 : i32
        %dma_wait3A_77 = tpu.memref_slice %arg20[%dma_wait3A_75, %dma_wait3A_76] : memref<64x128xf32, #tpu.memory_space<vmem>> -> memref<22x128xf32, #tpu.memory_space<vmem>>
        tpu.wait_dma2 semaphore(%run_scoped3A : memref<!tpu.dma_semaphore, #tpu.memory_space<semaphore_mem>>) src(%dma_wait3A_77 : memref<22x128xf32, #tpu.memory_space<vmem>>) dst(%dma_wait3A_74 : memref<22x128xf32, #tpu.memory_space<vmem_shared>>)
        tpu.yield
      }) : () -> ()
      "tpu.region"() ({
        %run_scoped3A = tpu.sem_alloc : memref<!tpu.dma_semaphore, #tpu.memory_space<semaphore_mem>>
        %dma_start3A_54 = arith.constant 0 : i32
        %dma_start3A_55 = arith.constant 0 : i32
        %dma_start3A_56 = tpu.memref_slice %arg20[%dma_start3A_54, %dma_start3A_55] : memref<64x128xf32, #tpu.memory_space<vmem>> -> memref<64x128xf32, #tpu.memory_space<vmem>>
        %dma_start3A_57 = arith.constant 22 : i32
        %dma_start3A_58 = arith.constant 0 : i32
        %dma_start3A_59 = tpu.memref_slice %arg22[%dma_start3A_57, %dma_start3A_58] : memref<86x128xf32, #tpu.memory_space<vmem_shared>> -> memref<64x128xf32, #tpu.memory_space<vmem_shared>>
        %dma_start3A_60 = arith.constant 22 : i32
        %dma_start3A_61 = arith.constant 0 : i32
        %dma_start3A_62 = tpu.memref_slice %arg22[%dma_start3A_60, %dma_start3A_61] : memref<86x128xf32, #tpu.memory_space<vmem_shared>> -> memref<64x128xf32, #tpu.memory_space<vmem_shared>>
        %dma_start3A_63 = arith.constant 0 : i32
        %dma_start3A_64 = arith.constant 0 : i32
        %dma_start3A_65 = tpu.memref_slice %arg20[%dma_start3A_63, %dma_start3A_64] : memref<64x128xf32, #tpu.memory_space<vmem>> -> memref<64x128xf32, #tpu.memory_space<vmem>>
        tpu.enqueue_dma source(%dma_start3A_65 : memref<64x128xf32, #tpu.memory_space<vmem>>) target(%dma_start3A_62 : memref<64x128xf32, #tpu.memory_space<vmem_shared>>) target_semaphore(%run_scoped3A : memref<!tpu.dma_semaphore, #tpu.memory_space<semaphore_mem>>)
        %dma_wait3A_66 = arith.constant 0 : i32
        %dma_wait3A_67 = arith.constant 0 : i32
        %dma_wait3A_68 = tpu.memref_slice %arg20[%dma_wait3A_66, %dma_wait3A_67] : memref<64x128xf32, #tpu.memory_space<vmem>> -> memref<64x128xf32, #tpu.memory_space<vmem>>
        %dma_wait3A_69 = arith.constant 22 : i32
        %dma_wait3A_70 = arith.constant 0 : i32
        %dma_wait3A_71 = tpu.memref_slice %arg22[%dma_wait3A_69, %dma_wait3A_70] : memref<86x128xf32, #tpu.memory_space<vmem_shared>> -> memref<64x128xf32, #tpu.memory_space<vmem_shared>>
        %dma_wait3A_72 = arith.constant 22 : i32
        %dma_wait3A_73 = arith.constant 0 : i32
        %dma_wait3A_74 = tpu.memref_slice %arg22[%dma_wait3A_72, %dma_wait3A_73] : memref<86x128xf32, #tpu.memory_space<vmem_shared>> -> memref<64x128xf32, #tpu.memory_space<vmem_shared>>
        %dma_wait3A_75 = arith.constant 0 : i32
        %dma_wait3A_76 = arith.constant 0 : i32
        %dma_wait3A_77 = tpu.memref_slice %arg20[%dma_wait3A_75, %dma_wait3A_76] : memref<64x128xf32, #tpu.memory_space<vmem>> -> memref<64x128xf32, #tpu.memory_space<vmem>>
        tpu.wait_dma2 semaphore(%run_scoped3A : memref<!tpu.dma_semaphore, #tpu.memory_space<semaphore_mem>>) src(%dma_wait3A_77 : memref<64x128xf32, #tpu.memory_space<vmem>>) dst(%dma_wait3A_74 : memref<64x128xf32, #tpu.memory_space<vmem_shared>>)
        tpu.yield
      }) : () -> ()
    } else {
    }
    %barrier3A = arith.constant 0 : index
    tpu.barrier barrier_id(%barrier3A)
    %dma_start3A = arith.constant 0 : i32
    %dma_start3A_14 = arith.constant 0 : i32
    %dma_start3A_15 = tpu.memref_slice %arg10[%dma_start3A, %dma_start3A_14] : memref<40x128xi32, #tpu.memory_space<vmem>> -> memref<1x64xi32, #tpu.memory_space<vmem>>
    %dma_start3A_16 = tpu.memref_squeeze %dma_start3A_15 : memref<1x64xi32, #tpu.memory_space<vmem>> -> memref<64xi32, #tpu.memory_space<vmem>>
    %dma_start3A_17 = arith.constant 0 : i32
    %dma_start3A_18 = arith.constant 0 : i32
    %dma_start3A_19 = tpu.memref_slice %arg5[%dma_start3A_17, %dma_start3A_18] : memref<10000x128xf32, #tpu.memory_space<hbm>> -> memref<10000x128xf32, #tpu.memory_space<hbm>>
    tpu.enqueue_indirect_dma source(%dma_start3A_19 : memref<10000x128xf32, #tpu.memory_space<hbm>>) target(%arg17 : memref<64x128xf32, #tpu.memory_space<vmem>>) offsets(%dma_start3A_16 : memref<64xi32, #tpu.memory_space<vmem>>) semaphore(%arg23 : memref<!tpu.dma_semaphore, #tpu.memory_space<semaphore_mem>>)
    %dma_start3A_20 = arith.constant 0 : i32
    %dma_start3A_21 = arith.constant 64 : i32
    %dma_start3A_22 = tpu.memref_slice %arg10[%dma_start3A_20, %dma_start3A_21] : memref<40x128xi32, #tpu.memory_space<vmem>> -> memref<1x64xi32, #tpu.memory_space<vmem>>
    %dma_start3A_23 = tpu.memref_squeeze %dma_start3A_22 : memref<1x64xi32, #tpu.memory_space<vmem>> -> memref<64xi32, #tpu.memory_space<vmem>>
    %dma_start3A_24 = arith.constant 0 : i32
    %dma_start3A_25 = arith.constant 0 : i32
    %dma_start3A_26 = tpu.memref_slice %arg5[%dma_start3A_24, %dma_start3A_25] : memref<10000x128xf32, #tpu.memory_space<hbm>> -> memref<10000x128xf32, #tpu.memory_space<hbm>>
    tpu.enqueue_indirect_dma source(%dma_start3A_26 : memref<10000x128xf32, #tpu.memory_space<hbm>>) target(%arg18 : memref<64x128xf32, #tpu.memory_space<vmem>>) offsets(%dma_start3A_23 : memref<64xi32, #tpu.memory_space<vmem>>) semaphore(%arg24 : memref<!tpu.dma_semaphore, #tpu.memory_space<semaphore_mem>>)
    %iota3A = tpu.iota {dimensions = array<i32: 0>} : vector<16xi32>
    %scan3A_27 = arith.constant 0 : i32
    %scan3A_28 = arith.constant 40 : i32
    %scan3A_29 = arith.addi %scan3A_27, %scan3A_28 : i32
    %scan3A_30 = arith.constant 1 : i32
    scf.for %scan3A_54 = %scan3A_27 to %scan3A_29 step %scan3A_30  : i32 {
      %mul3A_55 = arith.constant 2 : i32
      %mul3A_56 = arith.muli %scan3A_54, %mul3A_55 : i32
      %add3A_57 = arith.constant 0 : i32
      %add3A_58 = arith.addi %add3A_57, %mul3A_56 : i32
      %add3A_59 = arith.constant 0 : i32
      %add3A_60 = arith.addi %add3A_58, %add3A_59 : i32
      %shift_right_logical3A = arith.constant 1 : i32
      %shift_right_logical3A_61 = arith.shrui %add3A_60, %shift_right_logical3A : i32
      %rem3A = arith.constant 2 : i32
      %rem3A_62 = arith.remsi %add3A_60, %rem3A : i32
      %mul3A_63 = arith.constant 64 : i32
      %mul3A_64 = arith.muli %rem3A_62, %mul3A_63 : i32
      %dma_wait3A_65 = tpu.memref_slice %arg10[%shift_right_logical3A_61, %mul3A_64] : memref<40x128xi32, #tpu.memory_space<vmem>> -> memref<1x64xi32, #tpu.memory_space<vmem>>
      %dma_wait3A_66 = tpu.memref_squeeze %dma_wait3A_65 : memref<1x64xi32, #tpu.memory_space<vmem>> -> memref<64xi32, #tpu.memory_space<vmem>>
      %dma_wait3A_67 = arith.constant 0 : i32
      %dma_wait3A_68 = arith.constant 0 : i32
      %dma_wait3A_69 = tpu.memref_slice %arg5[%dma_wait3A_67, %dma_wait3A_68] : memref<10000x128xf32, #tpu.memory_space<hbm>> -> memref<10000x128xf32, #tpu.memory_space<hbm>>
      tpu.wait_indirect_dma semaphore(%arg23 : memref<!tpu.dma_semaphore, #tpu.memory_space<semaphore_mem>>) src(%dma_wait3A_69 : memref<10000x128xf32, #tpu.memory_space<hbm>>) dst(%arg17 : memref<64x128xf32, #tpu.memory_space<vmem>>)
      %add3A_70 = arith.constant 0 : i32
      %add3A_71 = arith.addi %mul3A_64, %add3A_70 : i32
      %get3A = arith.index_cast %shift_right_logical3A_61 : i32 to index
      %get3A_72 = arith.index_cast %add3A_71 : i32 to index
      %get3A_73 = tpu.vector_load %arg9[%get3A, %get3A_72] {strides = array<i32>} : memref<40x128xi32, #tpu.memory_space<vmem>>, vector<16xi32>,
      %swap3A = arith.constant 0 : index
      %swap3A_74 = tpu.vector_load %arg13[%swap3A] {strides = array<i32>} : memref<64xi32, #tpu.memory_space<vmem>>, vector<16xi32>,
      tpu.vector_store %arg13[%swap3A], %get3A_73 {strides = array<i32>} : memref<64xi32, #tpu.memory_space<vmem>>, vector<16xi32>,
      %shift_right_logical3A_75 = arith.constant 7 : i32
      %shift_right_logical3A_76 = vector.broadcast %shift_right_logical3A_75 : i32 to vector<16xi32>
      %shift_right_logical3A_77 = arith.shrui %get3A_73, %shift_right_logical3A_76 : vector<16xi32>
      %swap3A_78 = arith.constant 0 : index
      %swap3A_79 = tpu.vector_load %arg15[%swap3A_78] {strides = array<i32>} : memref<64xi32, #tpu.memory_space<vmem>>, vector<16xi32>,
      tpu.vector_store %arg15[%swap3A_78], %shift_right_logical3A_77 {strides = array<i32>} : memref<64xi32, #tpu.memory_space<vmem>>, vector<16xi32>,
      %add3A_80 = arith.constant 0 : i32
      %add3A_81 = arith.addi %mul3A_64, %add3A_80 : i32
      %get3A_82 = arith.index_cast %shift_right_logical3A_61 : i32 to index
      %get3A_83 = arith.index_cast %add3A_81 : i32 to index
      %get3A_84 = tpu.vector_load %arg8[%get3A_82, %get3A_83] {strides = array<i32>} : memref<40x128xf32, #tpu.memory_space<vmem>>, vector<16xf32>,
      %swap3A_85 = arith.constant 0 : index
      %swap3A_86 = tpu.vector_load %arg11[%swap3A_85] {strides = array<i32>} : memref<64xf32, #tpu.memory_space<vmem>>, vector<16xf32>,
      tpu.vector_store %arg11[%swap3A_85], %get3A_84 {strides = array<i32>} : memref<64xf32, #tpu.memory_space<vmem>>, vector<16xf32>,
      %add3A_87 = arith.constant 16 : i32
      %add3A_88 = arith.addi %mul3A_64, %add3A_87 : i32
      %get3A_89 = arith.index_cast %shift_right_logical3A_61 : i32 to index
      %get3A_90 = arith.index_cast %add3A_88 : i32 to index
      %get3A_91 = tpu.vector_load %arg9[%get3A_89, %get3A_90] {strides = array<i32>} : memref<40x128xi32, #tpu.memory_space<vmem>>, vector<16xi32>,
      %swap3A_92 = arith.constant 16 : index
      %swap3A_93 = tpu.vector_load %arg13[%swap3A_92] {strides = array<i32>} : memref<64xi32, #tpu.memory_space<vmem>>, vector<16xi32>,
      tpu.vector_store %arg13[%swap3A_92], %get3A_91 {strides = array<i32>} : memref<64xi32, #tpu.memory_space<vmem>>, vector<16xi32>,
      %shift_right_logical3A_94 = arith.constant 7 : i32
      %shift_right_logical3A_95 = vector.broadcast %shift_right_logical3A_94 : i32 to vector<16xi32>
      %shift_right_logical3A_96 = arith.shrui %get3A_91, %shift_right_logical3A_95 : vector<16xi32>
      %swap3A_97 = arith.constant 16 : index
      %swap3A_98 = tpu.vector_load %arg15[%swap3A_97] {strides = array<i32>} : memref<64xi32, #tpu.memory_space<vmem>>, vector<16xi32>,
      tpu.vector_store %arg15[%swap3A_97], %shift_right_logical3A_96 {strides = array<i32>} : memref<64xi32, #tpu.memory_space<vmem>>, vector<16xi32>,
      %add3A_99 = arith.constant 16 : i32
      %add3A_100 = arith.addi %mul3A_64, %add3A_99 : i32
      %get3A_101 = arith.index_cast %shift_right_logical3A_61 : i32 to index
      %get3A_102 = arith.index_cast %add3A_100 : i32 to index
      %get3A_103 = tpu.vector_load %arg8[%get3A_101, %get3A_102] {strides = array<i32>} : memref<40x128xf32, #tpu.memory_space<vmem>>, vector<16xf32>,
      %swap3A_104 = arith.constant 16 : index
      %swap3A_105 = tpu.vector_load %arg11[%swap3A_104] {strides = array<i32>} : memref<64xf32, #tpu.memory_space<vmem>>, vector<16xf32>,
      tpu.vector_store %arg11[%swap3A_104], %get3A_103 {strides = array<i32>} : memref<64xf32, #tpu.memory_space<vmem>>, vector<16xf32>,
      %add3A_106 = arith.constant 32 : i32
      %add3A_107 = arith.addi %mul3A_64, %add3A_106 : i32
      %get3A_108 = arith.index_cast %shift_right_logical3A_61 : i32 to index
      %get3A_109 = arith.index_cast %add3A_107 : i32 to index
      %get3A_110 = tpu.vector_load %arg9[%get3A_108, %get3A_109] {strides = array<i32>} : memref<40x128xi32, #tpu.memory_space<vmem>>, vector<16xi32>,
      %swap3A_111 = arith.constant 32 : index
      %swap3A_112 = tpu.vector_load %arg13[%swap3A_111] {strides = array<i32>} : memref<64xi32, #tpu.memory_space<vmem>>, vector<16xi32>,
      tpu.vector_store %arg13[%swap3A_111], %get3A_110 {strides = array<i32>} : memref<64xi32, #tpu.memory_space<vmem>>, vector<16xi32>,
      %shift_right_logical3A_113 = arith.constant 7 : i32
      %shift_right_logical3A_114 = vector.broadcast %shift_right_logical3A_113 : i32 to vector<16xi32>
      %shift_right_logical3A_115 = arith.shrui %get3A_110, %shift_right_logical3A_114 : vector<16xi32>
      %swap3A_116 = arith.constant 32 : index
      %swap3A_117 = tpu.vector_load %arg15[%swap3A_116] {strides = array<i32>} : memref<64xi32, #tpu.memory_space<vmem>>, vector<16xi32>,
      tpu.vector_store %arg15[%swap3A_116], %shift_right_logical3A_115 {strides = array<i32>} : memref<64xi32, #tpu.memory_space<vmem>>, vector<16xi32>,
      %add3A_118 = arith.constant 32 : i32
      %add3A_119 = arith.addi %mul3A_64, %add3A_118 : i32
      %get3A_120 = arith.index_cast %shift_right_logical3A_61 : i32 to index
      %get3A_121 = arith.index_cast %add3A_119 : i32 to index
      %get3A_122 = tpu.vector_load %arg8[%get3A_120, %get3A_121] {strides = array<i32>} : memref<40x128xf32, #tpu.memory_space<vmem>>, vector<16xf32>,
      %swap3A_123 = arith.constant 32 : index
      %swap3A_124 = tpu.vector_load %arg11[%swap3A_123] {strides = array<i32>} : memref<64xf32, #tpu.memory_space<vmem>>, vector<16xf32>,
      tpu.vector_store %arg11[%swap3A_123], %get3A_122 {strides = array<i32>} : memref<64xf32, #tpu.memory_space<vmem>>, vector<16xf32>,
      %add3A_125 = arith.constant 48 : i32
      %add3A_126 = arith.addi %mul3A_64, %add3A_125 : i32
      %get3A_127 = arith.index_cast %shift_right_logical3A_61 : i32 to index
      %get3A_128 = arith.index_cast %add3A_126 : i32 to index
      %get3A_129 = tpu.vector_load %arg9[%get3A_127, %get3A_128] {strides = array<i32>} : memref<40x128xi32, #tpu.memory_space<vmem>>, vector<16xi32>,
      %swap3A_130 = arith.constant 48 : index
      %swap3A_131 = tpu.vector_load %arg13[%swap3A_130] {strides = array<i32>} : memref<64xi32, #tpu.memory_space<vmem>>, vector<16xi32>,
      tpu.vector_store %arg13[%swap3A_130], %get3A_129 {strides = array<i32>} : memref<64xi32, #tpu.memory_space<vmem>>, vector<16xi32>,
      %shift_right_logical3A_132 = arith.constant 7 : i32
      %shift_right_logical3A_133 = vector.broadcast %shift_right_logical3A_132 : i32 to vector<16xi32>
      %shift_right_logical3A_134 = arith.shrui %get3A_129, %shift_right_logical3A_133 : vector<16xi32>
      %swap3A_135 = arith.constant 48 : index
      %swap3A_136 = tpu.vector_load %arg15[%swap3A_135] {strides = array<i32>} : memref<64xi32, #tpu.memory_space<vmem>>, vector<16xi32>,
      tpu.vector_store %arg15[%swap3A_135], %shift_right_logical3A_134 {strides = array<i32>} : memref<64xi32, #tpu.memory_space<vmem>>, vector<16xi32>,
      %add3A_137 = arith.constant 48 : i32
      %add3A_138 = arith.addi %mul3A_64, %add3A_137 : i32
      %get3A_139 = arith.index_cast %shift_right_logical3A_61 : i32 to index
      %get3A_140 = arith.index_cast %add3A_138 : i32 to index
      %get3A_141 = tpu.vector_load %arg8[%get3A_139, %get3A_140] {strides = array<i32>} : memref<40x128xf32, #tpu.memory_space<vmem>>, vector<16xf32>,
      %swap3A_142 = arith.constant 48 : index
      %swap3A_143 = tpu.vector_load %arg11[%swap3A_142] {strides = array<i32>} : memref<64xf32, #tpu.memory_space<vmem>>, vector<16xf32>,
      tpu.vector_store %arg11[%swap3A_142], %get3A_141 {strides = array<i32>} : memref<64xf32, #tpu.memory_space<vmem>>, vector<16xf32>,
      %gt3A = arith.constant 0 : i32
      %gt3A_144 = arith.cmpi sgt, %add3A_60, %gt3A : i32
      %convert_element_type3A_145 = arith.extui %gt3A_144 : i1 to i32
      %cond3A_146 = arith.constant 0 : i32
      %cond3A_147 = arith.cmpi ne, %convert_element_type3A_145, %cond3A_146 : i32
      scf.if %cond3A_147 {
        %dma_wait3A_277 = arith.constant 0 : i32
        %dma_wait3A_278 = arith.constant 0 : i32
        %dma_wait3A_279 = tpu.memref_slice %arg21[%dma_wait3A_277, %dma_wait3A_278] : memref<10000x128xf32, #tpu.memory_space<vmem_shared>> -> memref<64x128xf32, #tpu.memory_space<vmem_shared>>
        %dma_wait3A_280 = arith.constant 0 : i32
        %dma_wait3A_281 = arith.constant 0 : i32
        %dma_wait3A_282 = tpu.memref_slice %arg21[%dma_wait3A_280, %dma_wait3A_281] : memref<10000x128xf32, #tpu.memory_space<vmem_shared>> -> memref<64x128xf32, #tpu.memory_space<vmem_shared>>
        tpu.wait_dma2 semaphore(%arg25 : memref<!tpu.dma_semaphore, #tpu.memory_space<semaphore_mem>>) src(%arg19 : memref<64x128xf32, #tpu.memory_space<vmem>>) dst(%dma_wait3A_282 : memref<64x128xf32, #tpu.memory_space<vmem_shared>>)
        %dma_wait3A_283 = arith.constant 0 : i32
        %dma_wait3A_284 = arith.constant 0 : i32
        %dma_wait3A_285 = tpu.memref_slice %arg21[%dma_wait3A_283, %dma_wait3A_284] : memref<10000x128xf32, #tpu.memory_space<vmem_shared>> -> memref<64x128xf32, #tpu.memory_space<vmem_shared>>
        %dma_wait3A_286 = arith.constant 0 : i32
        %dma_wait3A_287 = arith.constant 0 : i32
        %dma_wait3A_288 = tpu.memref_slice %arg21[%dma_wait3A_286, %dma_wait3A_287] : memref<10000x128xf32, #tpu.memory_space<vmem_shared>> -> memref<64x128xf32, #tpu.memory_space<vmem_shared>>
        tpu.wait_dma2 semaphore(%arg25 : memref<!tpu.dma_semaphore, #tpu.memory_space<semaphore_mem>>) src(%arg20 : memref<64x128xf32, #tpu.memory_space<vmem>>) dst(%dma_wait3A_288 : memref<64x128xf32, #tpu.memory_space<vmem_shared>>)
      } else {
      }
      %scan3A_148 = arith.constant 0 : i32
      %scan3A_149 = arith.constant 64 : i32
      %scan3A_150 = arith.addi %scan3A_148, %scan3A_149 : i32
      %scan3A_151 = arith.constant 1 : i32
      scf.for %scan3A_277 = %scan3A_148 to %scan3A_150 step %scan3A_151  : i32 {
        %mul3A_278 = arith.constant 1 : i32
        %mul3A_279 = arith.muli %scan3A_277, %mul3A_278 : i32
        %add3A_280 = arith.constant 0 : i32
        %add3A_281 = arith.addi %add3A_280, %mul3A_279 : i32
        %broadcast_in_dim3A = vector.broadcast %add3A_281 : i32 to vector<16xi32>
        %gather3A = tpu.vector_load_idx %arg11[%broadcast_in_dim3A] : memref<64xf32, #tpu.memory_space<vmem>>[vector<16xi32>], vector<16xf32>,
        %gather3A_282 = tpu.vector_load_idx %arg13[%broadcast_in_dim3A] : memref<64xi32, #tpu.memory_space<vmem>>[vector<16xi32>], vector<16xi32>,
        %rem3A_283 = arith.constant 128 : i32
        %rem3A_284 = vector.broadcast %rem3A_283 : i32 to vector<16xi32>
        %rem3A_285 = arith.remsi %gather3A_282, %rem3A_284 : vector<16xi32>
        %get3A_286 = arith.index_cast %add3A_281 : i32 to index
        %get3A_287 = arith.constant 0 : index
        %get3A_288 = tpu.vector_load %arg17[%get3A_286, %get3A_287] {strides = array<i32>} : memref<64x128xf32, #tpu.memory_space<vmem>>, vector<16xf32>,
        %mul3A_289 = arith.mulf %get3A_288, %gather3A : vector<16xf32>
        %swap3A_290 = arith.index_cast %add3A_281 : i32 to index
        %swap3A_291 = arith.constant 0 : index
        %swap3A_292 = tpu.vector_load %arg19[%swap3A_290, %swap3A_291] {strides = array<i32>} : memref<64x128xf32, #tpu.memory_space<vmem>>, vector<16xf32>,
        tpu.vector_store %arg19[%swap3A_290, %swap3A_291], %mul3A_289 {strides = array<i32>} : memref<64x128xf32, #tpu.memory_space<vmem>>, vector<16xf32>,
        %add3A_293 = arith.constant 0 : i32
        %add3A_294 = vector.broadcast %add3A_293 : i32 to vector<16xi32>
        %add3A_295 = arith.addi %iota3A, %add3A_294 : vector<16xi32>
        %eq3A_296 = arith.cmpi eq, %add3A_295, %rem3A_285 : vector<16xi32>
        %broadcast_in_dim3A_297 = arith.constant 0.000000e+00 : f32
        %broadcast_in_dim3A_298 = vector.broadcast %broadcast_in_dim3A_297 : f32 to vector<16xf32>
        %select_n3A = arith.select %eq3A_296, %gather3A, %broadcast_in_dim3A_298 : vector<16xi1>, vector<16xf32>
        %swap3A_299 = arith.index_cast %add3A_281 : i32 to index
        %swap3A_300 = arith.constant 0 : index
        %swap3A_301 = tpu.vector_load %arg20[%swap3A_299, %swap3A_300] {strides = array<i32>} : memref<64x128xf32, #tpu.memory_space<vmem>>, vector<16xf32>,
        tpu.vector_store %arg20[%swap3A_299, %swap3A_300], %select_n3A {strides = array<i32>} : memref<64x128xf32, #tpu.memory_space<vmem>>, vector<16xf32>,
        %get3A_302 = arith.index_cast %add3A_281 : i32 to index
        %get3A_303 = arith.constant 16 : index
        %get3A_304 = tpu.vector_load %arg17[%get3A_302, %get3A_303] {strides = array<i32>} : memref<64x128xf32, #tpu.memory_space<vmem>>, vector<16xf32>,
        %mul3A_305 = arith.mulf %get3A_304, %gather3A : vector<16xf32>
        %swap3A_306 = arith.index_cast %add3A_281 : i32 to index
        %swap3A_307 = arith.constant 16 : index
        %swap3A_308 = tpu.vector_load %arg19[%swap3A_306, %swap3A_307] {strides = array<i32>} : memref<64x128xf32, #tpu.memory_space<vmem>>, vector<16xf32>,
        tpu.vector_store %arg19[%swap3A_306, %swap3A_307], %mul3A_305 {strides = array<i32>} : memref<64x128xf32, #tpu.memory_space<vmem>>, vector<16xf32>,
        %add3A_309 = arith.constant 16 : i32
        %add3A_310 = vector.broadcast %add3A_309 : i32 to vector<16xi32>
        %add3A_311 = arith.addi %iota3A, %add3A_310 : vector<16xi32>
        %eq3A_312 = arith.cmpi eq, %add3A_311, %rem3A_285 : vector<16xi32>
        %broadcast_in_dim3A_313 = arith.constant 0.000000e+00 : f32
        %broadcast_in_dim3A_314 = vector.broadcast %broadcast_in_dim3A_313 : f32 to vector<16xf32>
        %select_n3A_315 = arith.select %eq3A_312, %gather3A, %broadcast_in_dim3A_314 : vector<16xi1>, vector<16xf32>
        %swap3A_316 = arith.index_cast %add3A_281 : i32 to index
        %swap3A_317 = arith.constant 16 : index
        %swap3A_318 = tpu.vector_load %arg20[%swap3A_316, %swap3A_317] {strides = array<i32>} : memref<64x128xf32, #tpu.memory_space<vmem>>, vector<16xf32>,
        tpu.vector_store %arg20[%swap3A_316, %swap3A_317], %select_n3A_315 {strides = array<i32>} : memref<64x128xf32, #tpu.memory_space<vmem>>, vector<16xf32>,
        %get3A_319 = arith.index_cast %add3A_281 : i32 to index
        %get3A_320 = arith.constant 32 : index
        %get3A_321 = tpu.vector_load %arg17[%get3A_319, %get3A_320] {strides = array<i32>} : memref<64x128xf32, #tpu.memory_space<vmem>>, vector<16xf32>,
        %mul3A_322 = arith.mulf %get3A_321, %gather3A : vector<16xf32>
        %swap3A_323 = arith.index_cast %add3A_281 : i32 to index
        %swap3A_324 = arith.constant 32 : index
        %swap3A_325 = tpu.vector_load %arg19[%swap3A_323, %swap3A_324] {strides = array<i32>} : memref<64x128xf32, #tpu.memory_space<vmem>>, vector<16xf32>,
        tpu.vector_store %arg19[%swap3A_323, %swap3A_324], %mul3A_322 {strides = array<i32>} : memref<64x128xf32, #tpu.memory_space<vmem>>, vector<16xf32>,
        %add3A_326 = arith.constant 32 : i32
        %add3A_327 = vector.broadcast %add3A_326 : i32 to vector<16xi32>
        %add3A_328 = arith.addi %iota3A, %add3A_327 : vector<16xi32>
        %eq3A_329 = arith.cmpi eq, %add3A_328, %rem3A_285 : vector<16xi32>
        %broadcast_in_dim3A_330 = arith.constant 0.000000e+00 : f32
        %broadcast_in_dim3A_331 = vector.broadcast %broadcast_in_dim3A_330 : f32 to vector<16xf32>
        %select_n3A_332 = arith.select %eq3A_329, %gather3A, %broadcast_in_dim3A_331 : vector<16xi1>, vector<16xf32>
        %swap3A_333 = arith.index_cast %add3A_281 : i32 to index
        %swap3A_334 = arith.constant 32 : index
        %swap3A_335 = tpu.vector_load %arg20[%swap3A_333, %swap3A_334] {strides = array<i32>} : memref<64x128xf32, #tpu.memory_space<vmem>>, vector<16xf32>,
        tpu.vector_store %arg20[%swap3A_333, %swap3A_334], %select_n3A_332 {strides = array<i32>} : memref<64x128xf32, #tpu.memory_space<vmem>>, vector<16xf32>,
        %get3A_336 = arith.index_cast %add3A_281 : i32 to index
        %get3A_337 = arith.constant 48 : index
        %get3A_338 = tpu.vector_load %arg17[%get3A_336, %get3A_337] {strides = array<i32>} : memref<64x128xf32, #tpu.memory_space<vmem>>, vector<16xf32>,
        %mul3A_339 = arith.mulf %get3A_338, %gather3A : vector<16xf32>
        %swap3A_340 = arith.index_cast %add3A_281 : i32 to index
        %swap3A_341 = arith.constant 48 : index
        %swap3A_342 = tpu.vector_load %arg19[%swap3A_340, %swap3A_341] {strides = array<i32>} : memref<64x128xf32, #tpu.memory_space<vmem>>, vector<16xf32>,
        tpu.vector_store %arg19[%swap3A_340, %swap3A_341], %mul3A_339 {strides = array<i32>} : memref<64x128xf32, #tpu.memory_space<vmem>>, vector<16xf32>,
        %add3A_343 = arith.constant 48 : i32
        %add3A_344 = vector.broadcast %add3A_343 : i32 to vector<16xi32>
        %add3A_345 = arith.addi %iota3A, %add3A_344 : vector<16xi32>
        %eq3A_346 = arith.cmpi eq, %add3A_345, %rem3A_285 : vector<16xi32>
        %broadcast_in_dim3A_347 = arith.constant 0.000000e+00 : f32
        %broadcast_in_dim3A_348 = vector.broadcast %broadcast_in_dim3A_347 : f32 to vector<16xf32>
        %select_n3A_349 = arith.select %eq3A_346, %gather3A, %broadcast_in_dim3A_348 : vector<16xi1>, vector<16xf32>
        %swap3A_350 = arith.index_cast %add3A_281 : i32 to index
        %swap3A_351 = arith.constant 48 : index
        %swap3A_352 = tpu.vector_load %arg20[%swap3A_350, %swap3A_351] {strides = array<i32>} : memref<64x128xf32, #tpu.memory_space<vmem>>, vector<16xf32>,
        tpu.vector_store %arg20[%swap3A_350, %swap3A_351], %select_n3A_349 {strides = array<i32>} : memref<64x128xf32, #tpu.memory_space<vmem>>, vector<16xf32>,
        %get3A_353 = arith.index_cast %add3A_281 : i32 to index
        %get3A_354 = arith.constant 64 : index
        %get3A_355 = tpu.vector_load %arg17[%get3A_353, %get3A_354] {strides = array<i32>} : memref<64x128xf32, #tpu.memory_space<vmem>>, vector<16xf32>,
        %mul3A_356 = arith.mulf %get3A_355, %gather3A : vector<16xf32>
        %swap3A_357 = arith.index_cast %add3A_281 : i32 to index
        %swap3A_358 = arith.constant 64 : index
        %swap3A_359 = tpu.vector_load %arg19[%swap3A_357, %swap3A_358] {strides = array<i32>} : memref<64x128xf32, #tpu.memory_space<vmem>>, vector<16xf32>,
        tpu.vector_store %arg19[%swap3A_357, %swap3A_358], %mul3A_356 {strides = array<i32>} : memref<64x128xf32, #tpu.memory_space<vmem>>, vector<16xf32>,
        %add3A_360 = arith.constant 64 : i32
        %add3A_361 = vector.broadcast %add3A_360 : i32 to vector<16xi32>
        %add3A_362 = arith.addi %iota3A, %add3A_361 : vector<16xi32>
        %eq3A_363 = arith.cmpi eq, %add3A_362, %rem3A_285 : vector<16xi32>
        %broadcast_in_dim3A_364 = arith.constant 0.000000e+00 : f32
        %broadcast_in_dim3A_365 = vector.broadcast %broadcast_in_dim3A_364 : f32 to vector<16xf32>
        %select_n3A_366 = arith.select %eq3A_363, %gather3A, %broadcast_in_dim3A_365 : vector<16xi1>, vector<16xf32>
        %swap3A_367 = arith.index_cast %add3A_281 : i32 to index
        %swap3A_368 = arith.constant 64 : index
        %swap3A_369 = tpu.vector_load %arg20[%swap3A_367, %swap3A_368] {strides = array<i32>} : memref<64x128xf32, #tpu.memory_space<vmem>>, vector<16xf32>,
        tpu.vector_store %arg20[%swap3A_367, %swap3A_368], %select_n3A_366 {strides = array<i32>} : memref<64x128xf32, #tpu.memory_space<vmem>>, vector<16xf32>,
        %get3A_370 = arith.index_cast %add3A_281 : i32 to index
        %get3A_371 = arith.constant 80 : index
        %get3A_372 = tpu.vector_load %arg17[%get3A_370, %get3A_371] {strides = array<i32>} : memref<64x128xf32, #tpu.memory_space<vmem>>, vector<16xf32>,
        %mul3A_373 = arith.mulf %get3A_372, %gather3A : vector<16xf32>
        %swap3A_374 = arith.index_cast %add3A_281 : i32 to index
        %swap3A_375 = arith.constant 80 : index
        %swap3A_376 = tpu.vector_load %arg19[%swap3A_374, %swap3A_375] {strides = array<i32>} : memref<64x128xf32, #tpu.memory_space<vmem>>, vector<16xf32>,
        tpu.vector_store %arg19[%swap3A_374, %swap3A_375], %mul3A_373 {strides = array<i32>} : memref<64x128xf32, #tpu.memory_space<vmem>>, vector<16xf32>,
        %add3A_377 = arith.constant 80 : i32
        %add3A_378 = vector.broadcast %add3A_377 : i32 to vector<16xi32>
        %add3A_379 = arith.addi %iota3A, %add3A_378 : vector<16xi32>
        %eq3A_380 = arith.cmpi eq, %add3A_379, %rem3A_285 : vector<16xi32>
        %broadcast_in_dim3A_381 = arith.constant 0.000000e+00 : f32
        %broadcast_in_dim3A_382 = vector.broadcast %broadcast_in_dim3A_381 : f32 to vector<16xf32>
        %select_n3A_383 = arith.select %eq3A_380, %gather3A, %broadcast_in_dim3A_382 : vector<16xi1>, vector<16xf32>
        %swap3A_384 = arith.index_cast %add3A_281 : i32 to index
        %swap3A_385 = arith.constant 80 : index
        %swap3A_386 = tpu.vector_load %arg20[%swap3A_384, %swap3A_385] {strides = array<i32>} : memref<64x128xf32, #tpu.memory_space<vmem>>, vector<16xf32>,
        tpu.vector_store %arg20[%swap3A_384, %swap3A_385], %select_n3A_383 {strides = array<i32>} : memref<64x128xf32, #tpu.memory_space<vmem>>, vector<16xf32>,
        %get3A_387 = arith.index_cast %add3A_281 : i32 to index
        %get3A_388 = arith.constant 96 : index
        %get3A_389 = tpu.vector_load %arg17[%get3A_387, %get3A_388] {strides = array<i32>} : memref<64x128xf32, #tpu.memory_space<vmem>>, vector<16xf32>,
        %mul3A_390 = arith.mulf %get3A_389, %gather3A : vector<16xf32>
        %swap3A_391 = arith.index_cast %add3A_281 : i32 to index
        %swap3A_392 = arith.constant 96 : index
        %swap3A_393 = tpu.vector_load %arg19[%swap3A_391, %swap3A_392] {strides = array<i32>} : memref<64x128xf32, #tpu.memory_space<vmem>>, vector<16xf32>,
        tpu.vector_store %arg19[%swap3A_391, %swap3A_392], %mul3A_390 {strides = array<i32>} : memref<64x128xf32, #tpu.memory_space<vmem>>, vector<16xf32>,
        %add3A_394 = arith.constant 96 : i32
        %add3A_395 = vector.broadcast %add3A_394 : i32 to vector<16xi32>
        %add3A_396 = arith.addi %iota3A, %add3A_395 : vector<16xi32>
        %eq3A_397 = arith.cmpi eq, %add3A_396, %rem3A_285 : vector<16xi32>
        %broadcast_in_dim3A_398 = arith.constant 0.000000e+00 : f32
        %broadcast_in_dim3A_399 = vector.broadcast %broadcast_in_dim3A_398 : f32 to vector<16xf32>
        %select_n3A_400 = arith.select %eq3A_397, %gather3A, %broadcast_in_dim3A_399 : vector<16xi1>, vector<16xf32>
        %swap3A_401 = arith.index_cast %add3A_281 : i32 to index
        %swap3A_402 = arith.constant 96 : index
        %swap3A_403 = tpu.vector_load %arg20[%swap3A_401, %swap3A_402] {strides = array<i32>} : memref<64x128xf32, #tpu.memory_space<vmem>>, vector<16xf32>,
        tpu.vector_store %arg20[%swap3A_401, %swap3A_402], %select_n3A_400 {strides = array<i32>} : memref<64x128xf32, #tpu.memory_space<vmem>>, vector<16xf32>,
        %get3A_404 = arith.index_cast %add3A_281 : i32 to index
        %get3A_405 = arith.constant 112 : index
        %get3A_406 = tpu.vector_load %arg17[%get3A_404, %get3A_405] {strides = array<i32>} : memref<64x128xf32, #tpu.memory_space<vmem>>, vector<16xf32>,
        %mul3A_407 = arith.mulf %get3A_406, %gather3A : vector<16xf32>
        %swap3A_408 = arith.index_cast %add3A_281 : i32 to index
        %swap3A_409 = arith.constant 112 : index
        %swap3A_410 = tpu.vector_load %arg19[%swap3A_408, %swap3A_409] {strides = array<i32>} : memref<64x128xf32, #tpu.memory_space<vmem>>, vector<16xf32>,
        tpu.vector_store %arg19[%swap3A_408, %swap3A_409], %mul3A_407 {strides = array<i32>} : memref<64x128xf32, #tpu.memory_space<vmem>>, vector<16xf32>,
        %add3A_411 = arith.constant 112 : i32
        %add3A_412 = vector.broadcast %add3A_411 : i32 to vector<16xi32>
        %add3A_413 = arith.addi %iota3A, %add3A_412 : vector<16xi32>
        %eq3A_414 = arith.cmpi eq, %add3A_413, %rem3A_285 : vector<16xi32>
        %broadcast_in_dim3A_415 = arith.constant 0.000000e+00 : f32
        %broadcast_in_dim3A_416 = vector.broadcast %broadcast_in_dim3A_415 : f32 to vector<16xf32>
        %select_n3A_417 = arith.select %eq3A_414, %gather3A, %broadcast_in_dim3A_416 : vector<16xi1>, vector<16xf32>
        %swap3A_418 = arith.index_cast %add3A_281 : i32 to index
        %swap3A_419 = arith.constant 112 : index
        %swap3A_420 = tpu.vector_load %arg20[%swap3A_418, %swap3A_419] {strides = array<i32>} : memref<64x128xf32, #tpu.memory_space<vmem>>, vector<16xf32>,
        tpu.vector_store %arg20[%swap3A_418, %swap3A_419], %select_n3A_417 {strides = array<i32>} : memref<64x128xf32, #tpu.memory_space<vmem>>, vector<16xf32>,
      }
      %scan3A_152 = arith.constant 64 : i32
      %dma_start3A_153 = arith.constant 0 : i32
      %dma_start3A_154 = arith.constant 0 : i32
      %dma_start3A_155 = tpu.memref_slice %arg21[%dma_start3A_153, %dma_start3A_154] : memref<10000x128xf32, #tpu.memory_space<vmem_shared>> -> memref<10000x128xf32, #tpu.memory_space<vmem_shared>>
      tpu.enqueue_indirect_dma source(%arg19 : memref<64x128xf32, #tpu.memory_space<vmem>>) target(%dma_start3A_155 : memref<10000x128xf32, #tpu.memory_space<vmem_shared>>) offsets(%arg13 : memref<64xi32, #tpu.memory_space<vmem>>) semaphore(%arg25 : memref<!tpu.dma_semaphore, #tpu.memory_space<semaphore_mem>>) {add = true}
      %dma_start3A_156 = arith.constant 0 : i32
      %dma_start3A_157 = arith.constant 0 : i32
      %dma_start3A_158 = tpu.memref_slice %arg22[%dma_start3A_156, %dma_start3A_157] : memref<86x128xf32, #tpu.memory_space<vmem_shared>> -> memref<86x128xf32, #tpu.memory_space<vmem_shared>>
      tpu.enqueue_indirect_dma source(%arg20 : memref<64x128xf32, #tpu.memory_space<vmem>>) target(%dma_start3A_158 : memref<86x128xf32, #tpu.memory_space<vmem_shared>>) offsets(%arg15 : memref<64xi32, #tpu.memory_space<vmem>>) semaphore(%arg25 : memref<!tpu.dma_semaphore, #tpu.memory_space<semaphore_mem>>) {add = true}
      %add3A_159 = arith.constant 2 : i32
      %add3A_160 = arith.addi %add3A_60, %add3A_159 : i32
      %lt3A = arith.constant 80 : i32
      %lt3A_161 = arith.cmpi slt, %add3A_160, %lt3A : i32
      %convert_element_type3A_162 = arith.extui %lt3A_161 : i1 to i32
      %cond3A_163 = arith.constant 0 : i32
      %cond3A_164 = arith.cmpi ne, %convert_element_type3A_162, %cond3A_163 : i32
      scf.if %cond3A_164 {
        %add3A_277 = arith.constant 2 : i32
        %add3A_278 = arith.addi %add3A_60, %add3A_277 : i32
        %shift_right_logical3A_279 = arith.constant 1 : i32
        %shift_right_logical3A_280 = arith.shrui %add3A_278, %shift_right_logical3A_279 : i32
        %rem3A_281 = arith.constant 2 : i32
        %rem3A_282 = arith.remsi %add3A_278, %rem3A_281 : i32
        %mul3A_283 = arith.constant 64 : i32
        %mul3A_284 = arith.muli %rem3A_282, %mul3A_283 : i32
        %dma_start3A_285 = tpu.memref_slice %arg10[%shift_right_logical3A_280, %mul3A_284] : memref<40x128xi32, #tpu.memory_space<vmem>> -> memref<1x64xi32, #tpu.memory_space<vmem>>
        %dma_start3A_286 = tpu.memref_squeeze %dma_start3A_285 : memref<1x64xi32, #tpu.memory_space<vmem>> -> memref<64xi32, #tpu.memory_space<vmem>>
        %dma_start3A_287 = arith.constant 0 : i32
        %dma_start3A_288 = arith.constant 0 : i32
        %dma_start3A_289 = tpu.memref_slice %arg5[%dma_start3A_287, %dma_start3A_288] : memref<10000x128xf32, #tpu.memory_space<hbm>> -> memref<10000x128xf32, #tpu.memory_space<hbm>>
        tpu.enqueue_indirect_dma source(%dma_start3A_289 : memref<10000x128xf32, #tpu.memory_space<hbm>>) target(%arg17 : memref<64x128xf32, #tpu.memory_space<vmem>>) offsets(%dma_start3A_286 : memref<64xi32, #tpu.memory_space<vmem>>) semaphore(%arg23 : memref<!tpu.dma_semaphore, #tpu.memory_space<semaphore_mem>>)
      } else {
      }
      %add3A_165 = arith.constant 1 : i32
      %add3A_166 = arith.addi %add3A_58, %add3A_165 : i32
      %shift_right_logical3A_167 = arith.constant 1 : i32
      %shift_right_logical3A_168 = arith.shrui %add3A_166, %shift_right_logical3A_167 : i32
      %rem3A_169 = arith.constant 2 : i32
      %rem3A_170 = arith.remsi %add3A_166, %rem3A_169 : i32
      %mul3A_171 = arith.constant 64 : i32
      %mul3A_172 = arith.muli %rem3A_170, %mul3A_171 : i32
      %dma_wait3A_173 = tpu.memref_slice %arg10[%shift_right_logical3A_168, %mul3A_172] : memref<40x128xi32, #tpu.memory_space<vmem>> -> memref<1x64xi32, #tpu.memory_space<vmem>>
      %dma_wait3A_174 = tpu.memref_squeeze %dma_wait3A_173 : memref<1x64xi32, #tpu.memory_space<vmem>> -> memref<64xi32, #tpu.memory_space<vmem>>
      %dma_wait3A_175 = arith.constant 0 : i32
      %dma_wait3A_176 = arith.constant 0 : i32
      %dma_wait3A_177 = tpu.memref_slice %arg5[%dma_wait3A_175, %dma_wait3A_176] : memref<10000x128xf32, #tpu.memory_space<hbm>> -> memref<10000x128xf32, #tpu.memory_space<hbm>>
      tpu.wait_indirect_dma semaphore(%arg24 : memref<!tpu.dma_semaphore, #tpu.memory_space<semaphore_mem>>) src(%dma_wait3A_177 : memref<10000x128xf32, #tpu.memory_space<hbm>>) dst(%arg18 : memref<64x128xf32, #tpu.memory_space<vmem>>)
      %add3A_178 = arith.constant 0 : i32
      %add3A_179 = arith.addi %mul3A_172, %add3A_178 : i32
      %get3A_180 = arith.index_cast %shift_right_logical3A_168 : i32 to index
      %get3A_181 = arith.index_cast %add3A_179 : i32 to index
      %get3A_182 = tpu.vector_load %arg9[%get3A_180, %get3A_181] {strides = array<i32>} : memref<40x128xi32, #tpu.memory_space<vmem>>, vector<16xi32>,
      %swap3A_183 = arith.constant 0 : index
      %swap3A_184 = tpu.vector_load %arg14[%swap3A_183] {strides = array<i32>} : memref<64xi32, #tpu.memory_space<vmem>>, vector<16xi32>,
      tpu.vector_store %arg14[%swap3A_183], %get3A_182 {strides = array<i32>} : memref<64xi32, #tpu.memory_space<vmem>>, vector<16xi32>,
      %shift_right_logical3A_185 = arith.constant 7 : i32
      %shift_right_logical3A_186 = vector.broadcast %shift_right_logical3A_185 : i32 to vector<16xi32>
      %shift_right_logical3A_187 = arith.shrui %get3A_182, %shift_right_logical3A_186 : vector<16xi32>
      %swap3A_188 = arith.constant 0 : index
      %swap3A_189 = tpu.vector_load %arg16[%swap3A_188] {strides = array<i32>} : memref<64xi32, #tpu.memory_space<vmem>>, vector<16xi32>,
      tpu.vector_store %arg16[%swap3A_188], %shift_right_logical3A_187 {strides = array<i32>} : memref<64xi32, #tpu.memory_space<vmem>>, vector<16xi32>,
      %add3A_190 = arith.constant 0 : i32
      %add3A_191 = arith.addi %mul3A_172, %add3A_190 : i32
      %get3A_192 = arith.index_cast %shift_right_logical3A_168 : i32 to index
      %get3A_193 = arith.index_cast %add3A_191 : i32 to index
      %get3A_194 = tpu.vector_load %arg8[%get3A_192, %get3A_193] {strides = array<i32>} : memref<40x128xf32, #tpu.memory_space<vmem>>, vector<16xf32>,
      %swap3A_195 = arith.constant 0 : index
      %swap3A_196 = tpu.vector_load %arg12[%swap3A_195] {strides = array<i32>} : memref<64xf32, #tpu.memory_space<vmem>>, vector<16xf32>,
      tpu.vector_store %arg12[%swap3A_195], %get3A_194 {strides = array<i32>} : memref<64xf32, #tpu.memory_space<vmem>>, vector<16xf32>,
      %add3A_197 = arith.constant 16 : i32
      %add3A_198 = arith.addi %mul3A_172, %add3A_197 : i32
      %get3A_199 = arith.index_cast %shift_right_logical3A_168 : i32 to index
      %get3A_200 = arith.index_cast %add3A_198 : i32 to index
      %get3A_201 = tpu.vector_load %arg9[%get3A_199, %get3A_200] {strides = array<i32>} : memref<40x128xi32, #tpu.memory_space<vmem>>, vector<16xi32>,
      %swap3A_202 = arith.constant 16 : index
      %swap3A_203 = tpu.vector_load %arg14[%swap3A_202] {strides = array<i32>} : memref<64xi32, #tpu.memory_space<vmem>>, vector<16xi32>,
      tpu.vector_store %arg14[%swap3A_202], %get3A_201 {strides = array<i32>} : memref<64xi32, #tpu.memory_space<vmem>>, vector<16xi32>,
      %shift_right_logical3A_204 = arith.constant 7 : i32
      %shift_right_logical3A_205 = vector.broadcast %shift_right_logical3A_204 : i32 to vector<16xi32>
      %shift_right_logical3A_206 = arith.shrui %get3A_201, %shift_right_logical3A_205 : vector<16xi32>
      %swap3A_207 = arith.constant 16 : index
      %swap3A_208 = tpu.vector_load %arg16[%swap3A_207] {strides = array<i32>} : memref<64xi32, #tpu.memory_space<vmem>>, vector<16xi32>,
      tpu.vector_store %arg16[%swap3A_207], %shift_right_logical3A_206 {strides = array<i32>} : memref<64xi32, #tpu.memory_space<vmem>>, vector<16xi32>,
      %add3A_209 = arith.constant 16 : i32
      %add3A_210 = arith.addi %mul3A_172, %add3A_209 : i32
      %get3A_211 = arith.index_cast %shift_right_logical3A_168 : i32 to index
      %get3A_212 = arith.index_cast %add3A_210 : i32 to index
      %get3A_213 = tpu.vector_load %arg8[%get3A_211, %get3A_212] {strides = array<i32>} : memref<40x128xf32, #tpu.memory_space<vmem>>, vector<16xf32>,
      %swap3A_214 = arith.constant 16 : index
      %swap3A_215 = tpu.vector_load %arg12[%swap3A_214] {strides = array<i32>} : memref<64xf32, #tpu.memory_space<vmem>>, vector<16xf32>,
      tpu.vector_store %arg12[%swap3A_214], %get3A_213 {strides = array<i32>} : memref<64xf32, #tpu.memory_space<vmem>>, vector<16xf32>,
      %add3A_216 = arith.constant 32 : i32
      %add3A_217 = arith.addi %mul3A_172, %add3A_216 : i32
      %get3A_218 = arith.index_cast %shift_right_logical3A_168 : i32 to index
      %get3A_219 = arith.index_cast %add3A_217 : i32 to index
      %get3A_220 = tpu.vector_load %arg9[%get3A_218, %get3A_219] {strides = array<i32>} : memref<40x128xi32, #tpu.memory_space<vmem>>, vector<16xi32>,
      %swap3A_221 = arith.constant 32 : index
      %swap3A_222 = tpu.vector_load %arg14[%swap3A_221] {strides = array<i32>} : memref<64xi32, #tpu.memory_space<vmem>>, vector<16xi32>,
      tpu.vector_store %arg14[%swap3A_221], %get3A_220 {strides = array<i32>} : memref<64xi32, #tpu.memory_space<vmem>>, vector<16xi32>,
      %shift_right_logical3A_223 = arith.constant 7 : i32
      %shift_right_logical3A_224 = vector.broadcast %shift_right_logical3A_223 : i32 to vector<16xi32>
      %shift_right_logical3A_225 = arith.shrui %get3A_220, %shift_right_logical3A_224 : vector<16xi32>
      %swap3A_226 = arith.constant 32 : index
      %swap3A_227 = tpu.vector_load %arg16[%swap3A_226] {strides = array<i32>} : memref<64xi32, #tpu.memory_space<vmem>>, vector<16xi32>,
      tpu.vector_store %arg16[%swap3A_226], %shift_right_logical3A_225 {strides = array<i32>} : memref<64xi32, #tpu.memory_space<vmem>>, vector<16xi32>,
      %add3A_228 = arith.constant 32 : i32
      %add3A_229 = arith.addi %mul3A_172, %add3A_228 : i32
      %get3A_230 = arith.index_cast %shift_right_logical3A_168 : i32 to index
      %get3A_231 = arith.index_cast %add3A_229 : i32 to index
      %get3A_232 = tpu.vector_load %arg8[%get3A_230, %get3A_231] {strides = array<i32>} : memref<40x128xf32, #tpu.memory_space<vmem>>, vector<16xf32>,
      %swap3A_233 = arith.constant 32 : index
      %swap3A_234 = tpu.vector_load %arg12[%swap3A_233] {strides = array<i32>} : memref<64xf32, #tpu.memory_space<vmem>>, vector<16xf32>,
      tpu.vector_store %arg12[%swap3A_233], %get3A_232 {strides = array<i32>} : memref<64xf32, #tpu.memory_space<vmem>>, vector<16xf32>,
      %add3A_235 = arith.constant 48 : i32
      %add3A_236 = arith.addi %mul3A_172, %add3A_235 : i32
      %get3A_237 = arith.index_cast %shift_right_logical3A_168 : i32 to index
      %get3A_238 = arith.index_cast %add3A_236 : i32 to index
      %get3A_239 = tpu.vector_load %arg9[%get3A_237, %get3A_238] {strides = array<i32>} : memref<40x128xi32, #tpu.memory_space<vmem>>, vector<16xi32>,
      %swap3A_240 = arith.constant 48 : index
      %swap3A_241 = tpu.vector_load %arg14[%swap3A_240] {strides = array<i32>} : memref<64xi32, #tpu.memory_space<vmem>>, vector<16xi32>,
      tpu.vector_store %arg14[%swap3A_240], %get3A_239 {strides = array<i32>} : memref<64xi32, #tpu.memory_space<vmem>>, vector<16xi32>,
      %shift_right_logical3A_242 = arith.constant 7 : i32
      %shift_right_logical3A_243 = vector.broadcast %shift_right_logical3A_242 : i32 to vector<16xi32>
      %shift_right_logical3A_244 = arith.shrui %get3A_239, %shift_right_logical3A_243 : vector<16xi32>
      %swap3A_245 = arith.constant 48 : index
      %swap3A_246 = tpu.vector_load %arg16[%swap3A_245] {strides = array<i32>} : memref<64xi32, #tpu.memory_space<vmem>>, vector<16xi32>,
      tpu.vector_store %arg16[%swap3A_245], %shift_right_logical3A_244 {strides = array<i32>} : memref<64xi32, #tpu.memory_space<vmem>>, vector<16xi32>,
      %add3A_247 = arith.constant 48 : i32
      %add3A_248 = arith.addi %mul3A_172, %add3A_247 : i32
      %get3A_249 = arith.index_cast %shift_right_logical3A_168 : i32 to index
      %get3A_250 = arith.index_cast %add3A_248 : i32 to index
      %get3A_251 = tpu.vector_load %arg8[%get3A_249, %get3A_250] {strides = array<i32>} : memref<40x128xf32, #tpu.memory_space<vmem>>, vector<16xf32>,
      %swap3A_252 = arith.constant 48 : index
      %swap3A_253 = tpu.vector_load %arg12[%swap3A_252] {strides = array<i32>} : memref<64xf32, #tpu.memory_space<vmem>>, vector<16xf32>,
      tpu.vector_store %arg12[%swap3A_252], %get3A_251 {strides = array<i32>} : memref<64xf32, #tpu.memory_space<vmem>>, vector<16xf32>,
      %gt3A_254 = arith.constant 0 : i32
      %gt3A_255 = arith.cmpi sgt, %add3A_166, %gt3A_254 : i32
      %convert_element_type3A_256 = arith.extui %gt3A_255 : i1 to i32
      %cond3A_257 = arith.constant 0 : i32
      %cond3A_258 = arith.cmpi ne, %convert_element_type3A_256, %cond3A_257 : i32
      scf.if %cond3A_258 {
        %dma_wait3A_277 = arith.constant 0 : i32
        %dma_wait3A_278 = arith.constant 0 : i32
        %dma_wait3A_279 = tpu.memref_slice %arg21[%dma_wait3A_277, %dma_wait3A_278] : memref<10000x128xf32, #tpu.memory_space<vmem_shared>> -> memref<64x128xf32, #tpu.memory_space<vmem_shared>>
        %dma_wait3A_280 = arith.constant 0 : i32
        %dma_wait3A_281 = arith.constant 0 : i32
        %dma_wait3A_282 = tpu.memref_slice %arg21[%dma_wait3A_280, %dma_wait3A_281] : memref<10000x128xf32, #tpu.memory_space<vmem_shared>> -> memref<64x128xf32, #tpu.memory_space<vmem_shared>>
        tpu.wait_dma2 semaphore(%arg25 : memref<!tpu.dma_semaphore, #tpu.memory_space<semaphore_mem>>) src(%arg19 : memref<64x128xf32, #tpu.memory_space<vmem>>) dst(%dma_wait3A_282 : memref<64x128xf32, #tpu.memory_space<vmem_shared>>)
        %dma_wait3A_283 = arith.constant 0 : i32
        %dma_wait3A_284 = arith.constant 0 : i32
        %dma_wait3A_285 = tpu.memref_slice %arg21[%dma_wait3A_283, %dma_wait3A_284] : memref<10000x128xf32, #tpu.memory_space<vmem_shared>> -> memref<64x128xf32, #tpu.memory_space<vmem_shared>>
        %dma_wait3A_286 = arith.constant 0 : i32
        %dma_wait3A_287 = arith.constant 0 : i32
        %dma_wait3A_288 = tpu.memref_slice %arg21[%dma_wait3A_286, %dma_wait3A_287] : memref<10000x128xf32, #tpu.memory_space<vmem_shared>> -> memref<64x128xf32, #tpu.memory_space<vmem_shared>>
        tpu.wait_dma2 semaphore(%arg25 : memref<!tpu.dma_semaphore, #tpu.memory_space<semaphore_mem>>) src(%arg20 : memref<64x128xf32, #tpu.memory_space<vmem>>) dst(%dma_wait3A_288 : memref<64x128xf32, #tpu.memory_space<vmem_shared>>)
      } else {
      }
      %scan3A_259 = arith.constant 0 : i32
      %scan3A_260 = arith.constant 64 : i32
      %scan3A_261 = arith.addi %scan3A_259, %scan3A_260 : i32
      %scan3A_262 = arith.constant 1 : i32
      scf.for %scan3A_277 = %scan3A_259 to %scan3A_261 step %scan3A_262  : i32 {
        %mul3A_278 = arith.constant 1 : i32
        %mul3A_279 = arith.muli %scan3A_277, %mul3A_278 : i32
        %add3A_280 = arith.constant 0 : i32
        %add3A_281 = arith.addi %add3A_280, %mul3A_279 : i32
        %broadcast_in_dim3A = vector.broadcast %add3A_281 : i32 to vector<16xi32>
        %gather3A = tpu.vector_load_idx %arg12[%broadcast_in_dim3A] : memref<64xf32, #tpu.memory_space<vmem>>[vector<16xi32>], vector<16xf32>,
        %gather3A_282 = tpu.vector_load_idx %arg14[%broadcast_in_dim3A] : memref<64xi32, #tpu.memory_space<vmem>>[vector<16xi32>], vector<16xi32>,
        %rem3A_283 = arith.constant 128 : i32
        %rem3A_284 = vector.broadcast %rem3A_283 : i32 to vector<16xi32>
        %rem3A_285 = arith.remsi %gather3A_282, %rem3A_284 : vector<16xi32>
        %get3A_286 = arith.index_cast %add3A_281 : i32 to index
        %get3A_287 = arith.constant 0 : index
        %get3A_288 = tpu.vector_load %arg18[%get3A_286, %get3A_287] {strides = array<i32>} : memref<64x128xf32, #tpu.memory_space<vmem>>, vector<16xf32>,
        %mul3A_289 = arith.mulf %get3A_288, %gather3A : vector<16xf32>
        %swap3A_290 = arith.index_cast %add3A_281 : i32 to index
        %swap3A_291 = arith.constant 0 : index
        %swap3A_292 = tpu.vector_load %arg19[%swap3A_290, %swap3A_291] {strides = array<i32>} : memref<64x128xf32, #tpu.memory_space<vmem>>, vector<16xf32>,
        tpu.vector_store %arg19[%swap3A_290, %swap3A_291], %mul3A_289 {strides = array<i32>} : memref<64x128xf32, #tpu.memory_space<vmem>>, vector<16xf32>,
        %add3A_293 = arith.constant 0 : i32
        %add3A_294 = vector.broadcast %add3A_293 : i32 to vector<16xi32>
        %add3A_295 = arith.addi %iota3A, %add3A_294 : vector<16xi32>
        %eq3A_296 = arith.cmpi eq, %add3A_295, %rem3A_285 : vector<16xi32>
        %broadcast_in_dim3A_297 = arith.constant 0.000000e+00 : f32
        %broadcast_in_dim3A_298 = vector.broadcast %broadcast_in_dim3A_297 : f32 to vector<16xf32>
        %select_n3A = arith.select %eq3A_296, %gather3A, %broadcast_in_dim3A_298 : vector<16xi1>, vector<16xf32>
        %swap3A_299 = arith.index_cast %add3A_281 : i32 to index
        %swap3A_300 = arith.constant 0 : index
        %swap3A_301 = tpu.vector_load %arg20[%swap3A_299, %swap3A_300] {strides = array<i32>} : memref<64x128xf32, #tpu.memory_space<vmem>>, vector<16xf32>,
        tpu.vector_store %arg20[%swap3A_299, %swap3A_300], %select_n3A {strides = array<i32>} : memref<64x128xf32, #tpu.memory_space<vmem>>, vector<16xf32>,
        %get3A_302 = arith.index_cast %add3A_281 : i32 to index
        %get3A_303 = arith.constant 16 : index
        %get3A_304 = tpu.vector_load %arg18[%get3A_302, %get3A_303] {strides = array<i32>} : memref<64x128xf32, #tpu.memory_space<vmem>>, vector<16xf32>,
        %mul3A_305 = arith.mulf %get3A_304, %gather3A : vector<16xf32>
        %swap3A_306 = arith.index_cast %add3A_281 : i32 to index
        %swap3A_307 = arith.constant 16 : index
        %swap3A_308 = tpu.vector_load %arg19[%swap3A_306, %swap3A_307] {strides = array<i32>} : memref<64x128xf32, #tpu.memory_space<vmem>>, vector<16xf32>,
        tpu.vector_store %arg19[%swap3A_306, %swap3A_307], %mul3A_305 {strides = array<i32>} : memref<64x128xf32, #tpu.memory_space<vmem>>, vector<16xf32>,
        %add3A_309 = arith.constant 16 : i32
        %add3A_310 = vector.broadcast %add3A_309 : i32 to vector<16xi32>
        %add3A_311 = arith.addi %iota3A, %add3A_310 : vector<16xi32>
        %eq3A_312 = arith.cmpi eq, %add3A_311, %rem3A_285 : vector<16xi32>
        %broadcast_in_dim3A_313 = arith.constant 0.000000e+00 : f32
        %broadcast_in_dim3A_314 = vector.broadcast %broadcast_in_dim3A_313 : f32 to vector<16xf32>
        %select_n3A_315 = arith.select %eq3A_312, %gather3A, %broadcast_in_dim3A_314 : vector<16xi1>, vector<16xf32>
        %swap3A_316 = arith.index_cast %add3A_281 : i32 to index
        %swap3A_317 = arith.constant 16 : index
        %swap3A_318 = tpu.vector_load %arg20[%swap3A_316, %swap3A_317] {strides = array<i32>} : memref<64x128xf32, #tpu.memory_space<vmem>>, vector<16xf32>,
        tpu.vector_store %arg20[%swap3A_316, %swap3A_317], %select_n3A_315 {strides = array<i32>} : memref<64x128xf32, #tpu.memory_space<vmem>>, vector<16xf32>,
        %get3A_319 = arith.index_cast %add3A_281 : i32 to index
        %get3A_320 = arith.constant 32 : index
        %get3A_321 = tpu.vector_load %arg18[%get3A_319, %get3A_320] {strides = array<i32>} : memref<64x128xf32, #tpu.memory_space<vmem>>, vector<16xf32>,
        %mul3A_322 = arith.mulf %get3A_321, %gather3A : vector<16xf32>
        %swap3A_323 = arith.index_cast %add3A_281 : i32 to index
        %swap3A_324 = arith.constant 32 : index
        %swap3A_325 = tpu.vector_load %arg19[%swap3A_323, %swap3A_324] {strides = array<i32>} : memref<64x128xf32, #tpu.memory_space<vmem>>, vector<16xf32>,
        tpu.vector_store %arg19[%swap3A_323, %swap3A_324], %mul3A_322 {strides = array<i32>} : memref<64x128xf32, #tpu.memory_space<vmem>>, vector<16xf32>,
        %add3A_326 = arith.constant 32 : i32
        %add3A_327 = vector.broadcast %add3A_326 : i32 to vector<16xi32>
        %add3A_328 = arith.addi %iota3A, %add3A_327 : vector<16xi32>
        %eq3A_329 = arith.cmpi eq, %add3A_328, %rem3A_285 : vector<16xi32>
        %broadcast_in_dim3A_330 = arith.constant 0.000000e+00 : f32
        %broadcast_in_dim3A_331 = vector.broadcast %broadcast_in_dim3A_330 : f32 to vector<16xf32>
        %select_n3A_332 = arith.select %eq3A_329, %gather3A, %broadcast_in_dim3A_331 : vector<16xi1>, vector<16xf32>
        %swap3A_333 = arith.index_cast %add3A_281 : i32 to index
        %swap3A_334 = arith.constant 32 : index
        %swap3A_335 = tpu.vector_load %arg20[%swap3A_333, %swap3A_334] {strides = array<i32>} : memref<64x128xf32, #tpu.memory_space<vmem>>, vector<16xf32>,
        tpu.vector_store %arg20[%swap3A_333, %swap3A_334], %select_n3A_332 {strides = array<i32>} : memref<64x128xf32, #tpu.memory_space<vmem>>, vector<16xf32>,
        %get3A_336 = arith.index_cast %add3A_281 : i32 to index
        %get3A_337 = arith.constant 48 : index
        %get3A_338 = tpu.vector_load %arg18[%get3A_336, %get3A_337] {strides = array<i32>} : memref<64x128xf32, #tpu.memory_space<vmem>>, vector<16xf32>,
        %mul3A_339 = arith.mulf %get3A_338, %gather3A : vector<16xf32>
        %swap3A_340 = arith.index_cast %add3A_281 : i32 to index
        %swap3A_341 = arith.constant 48 : index
        %swap3A_342 = tpu.vector_load %arg19[%swap3A_340, %swap3A_341] {strides = array<i32>} : memref<64x128xf32, #tpu.memory_space<vmem>>, vector<16xf32>,
        tpu.vector_store %arg19[%swap3A_340, %swap3A_341], %mul3A_339 {strides = array<i32>} : memref<64x128xf32, #tpu.memory_space<vmem>>, vector<16xf32>,
        %add3A_343 = arith.constant 48 : i32
        %add3A_344 = vector.broadcast %add3A_343 : i32 to vector<16xi32>
        %add3A_345 = arith.addi %iota3A, %add3A_344 : vector<16xi32>
        %eq3A_346 = arith.cmpi eq, %add3A_345, %rem3A_285 : vector<16xi32>
        %broadcast_in_dim3A_347 = arith.constant 0.000000e+00 : f32
        %broadcast_in_dim3A_348 = vector.broadcast %broadcast_in_dim3A_347 : f32 to vector<16xf32>
        %select_n3A_349 = arith.select %eq3A_346, %gather3A, %broadcast_in_dim3A_348 : vector<16xi1>, vector<16xf32>
        %swap3A_350 = arith.index_cast %add3A_281 : i32 to index
        %swap3A_351 = arith.constant 48 : index
        %swap3A_352 = tpu.vector_load %arg20[%swap3A_350, %swap3A_351] {strides = array<i32>} : memref<64x128xf32, #tpu.memory_space<vmem>>, vector<16xf32>,
        tpu.vector_store %arg20[%swap3A_350, %swap3A_351], %select_n3A_349 {strides = array<i32>} : memref<64x128xf32, #tpu.memory_space<vmem>>, vector<16xf32>,
        %get3A_353 = arith.index_cast %add3A_281 : i32 to index
        %get3A_354 = arith.constant 64 : index
        %get3A_355 = tpu.vector_load %arg18[%get3A_353, %get3A_354] {strides = array<i32>} : memref<64x128xf32, #tpu.memory_space<vmem>>, vector<16xf32>,
        %mul3A_356 = arith.mulf %get3A_355, %gather3A : vector<16xf32>
        %swap3A_357 = arith.index_cast %add3A_281 : i32 to index
        %swap3A_358 = arith.constant 64 : index
        %swap3A_359 = tpu.vector_load %arg19[%swap3A_357, %swap3A_358] {strides = array<i32>} : memref<64x128xf32, #tpu.memory_space<vmem>>, vector<16xf32>,
        tpu.vector_store %arg19[%swap3A_357, %swap3A_358], %mul3A_356 {strides = array<i32>} : memref<64x128xf32, #tpu.memory_space<vmem>>, vector<16xf32>,
        %add3A_360 = arith.constant 64 : i32
        %add3A_361 = vector.broadcast %add3A_360 : i32 to vector<16xi32>
        %add3A_362 = arith.addi %iota3A, %add3A_361 : vector<16xi32>
        %eq3A_363 = arith.cmpi eq, %add3A_362, %rem3A_285 : vector<16xi32>
        %broadcast_in_dim3A_364 = arith.constant 0.000000e+00 : f32
        %broadcast_in_dim3A_365 = vector.broadcast %broadcast_in_dim3A_364 : f32 to vector<16xf32>
        %select_n3A_366 = arith.select %eq3A_363, %gather3A, %broadcast_in_dim3A_365 : vector<16xi1>, vector<16xf32>
        %swap3A_367 = arith.index_cast %add3A_281 : i32 to index
        %swap3A_368 = arith.constant 64 : index
        %swap3A_369 = tpu.vector_load %arg20[%swap3A_367, %swap3A_368] {strides = array<i32>} : memref<64x128xf32, #tpu.memory_space<vmem>>, vector<16xf32>,
        tpu.vector_store %arg20[%swap3A_367, %swap3A_368], %select_n3A_366 {strides = array<i32>} : memref<64x128xf32, #tpu.memory_space<vmem>>, vector<16xf32>,
        %get3A_370 = arith.index_cast %add3A_281 : i32 to index
        %get3A_371 = arith.constant 80 : index
        %get3A_372 = tpu.vector_load %arg18[%get3A_370, %get3A_371] {strides = array<i32>} : memref<64x128xf32, #tpu.memory_space<vmem>>, vector<16xf32>,
        %mul3A_373 = arith.mulf %get3A_372, %gather3A : vector<16xf32>
        %swap3A_374 = arith.index_cast %add3A_281 : i32 to index
        %swap3A_375 = arith.constant 80 : index
        %swap3A_376 = tpu.vector_load %arg19[%swap3A_374, %swap3A_375] {strides = array<i32>} : memref<64x128xf32, #tpu.memory_space<vmem>>, vector<16xf32>,
        tpu.vector_store %arg19[%swap3A_374, %swap3A_375], %mul3A_373 {strides = array<i32>} : memref<64x128xf32, #tpu.memory_space<vmem>>, vector<16xf32>,
        %add3A_377 = arith.constant 80 : i32
        %add3A_378 = vector.broadcast %add3A_377 : i32 to vector<16xi32>
        %add3A_379 = arith.addi %iota3A, %add3A_378 : vector<16xi32>
        %eq3A_380 = arith.cmpi eq, %add3A_379, %rem3A_285 : vector<16xi32>
        %broadcast_in_dim3A_381 = arith.constant 0.000000e+00 : f32
        %broadcast_in_dim3A_382 = vector.broadcast %broadcast_in_dim3A_381 : f32 to vector<16xf32>
        %select_n3A_383 = arith.select %eq3A_380, %gather3A, %broadcast_in_dim3A_382 : vector<16xi1>, vector<16xf32>
        %swap3A_384 = arith.index_cast %add3A_281 : i32 to index
        %swap3A_385 = arith.constant 80 : index
        %swap3A_386 = tpu.vector_load %arg20[%swap3A_384, %swap3A_385] {strides = array<i32>} : memref<64x128xf32, #tpu.memory_space<vmem>>, vector<16xf32>,
        tpu.vector_store %arg20[%swap3A_384, %swap3A_385], %select_n3A_383 {strides = array<i32>} : memref<64x128xf32, #tpu.memory_space<vmem>>, vector<16xf32>,
        %get3A_387 = arith.index_cast %add3A_281 : i32 to index
        %get3A_388 = arith.constant 96 : index
        %get3A_389 = tpu.vector_load %arg18[%get3A_387, %get3A_388] {strides = array<i32>} : memref<64x128xf32, #tpu.memory_space<vmem>>, vector<16xf32>,
        %mul3A_390 = arith.mulf %get3A_389, %gather3A : vector<16xf32>
        %swap3A_391 = arith.index_cast %add3A_281 : i32 to index
        %swap3A_392 = arith.constant 96 : index
        %swap3A_393 = tpu.vector_load %arg19[%swap3A_391, %swap3A_392] {strides = array<i32>} : memref<64x128xf32, #tpu.memory_space<vmem>>, vector<16xf32>,
        tpu.vector_store %arg19[%swap3A_391, %swap3A_392], %mul3A_390 {strides = array<i32>} : memref<64x128xf32, #tpu.memory_space<vmem>>, vector<16xf32>,
        %add3A_394 = arith.constant 96 : i32
        %add3A_395 = vector.broadcast %add3A_394 : i32 to vector<16xi32>
        %add3A_396 = arith.addi %iota3A, %add3A_395 : vector<16xi32>
        %eq3A_397 = arith.cmpi eq, %add3A_396, %rem3A_285 : vector<16xi32>
        %broadcast_in_dim3A_398 = arith.constant 0.000000e+00 : f32
        %broadcast_in_dim3A_399 = vector.broadcast %broadcast_in_dim3A_398 : f32 to vector<16xf32>
        %select_n3A_400 = arith.select %eq3A_397, %gather3A, %broadcast_in_dim3A_399 : vector<16xi1>, vector<16xf32>
        %swap3A_401 = arith.index_cast %add3A_281 : i32 to index
        %swap3A_402 = arith.constant 96 : index
        %swap3A_403 = tpu.vector_load %arg20[%swap3A_401, %swap3A_402] {strides = array<i32>} : memref<64x128xf32, #tpu.memory_space<vmem>>, vector<16xf32>,
        tpu.vector_store %arg20[%swap3A_401, %swap3A_402], %select_n3A_400 {strides = array<i32>} : memref<64x128xf32, #tpu.memory_space<vmem>>, vector<16xf32>,
        %get3A_404 = arith.index_cast %add3A_281 : i32 to index
        %get3A_405 = arith.constant 112 : index
        %get3A_406 = tpu.vector_load %arg18[%get3A_404, %get3A_405] {strides = array<i32>} : memref<64x128xf32, #tpu.memory_space<vmem>>, vector<16xf32>,
        %mul3A_407 = arith.mulf %get3A_406, %gather3A : vector<16xf32>
        %swap3A_408 = arith.index_cast %add3A_281 : i32 to index
        %swap3A_409 = arith.constant 112 : index
        %swap3A_410 = tpu.vector_load %arg19[%swap3A_408, %swap3A_409] {strides = array<i32>} : memref<64x128xf32, #tpu.memory_space<vmem>>, vector<16xf32>,
        tpu.vector_store %arg19[%swap3A_408, %swap3A_409], %mul3A_407 {strides = array<i32>} : memref<64x128xf32, #tpu.memory_space<vmem>>, vector<16xf32>,
        %add3A_411 = arith.constant 112 : i32
        %add3A_412 = vector.broadcast %add3A_411 : i32 to vector<16xi32>
        %add3A_413 = arith.addi %iota3A, %add3A_412 : vector<16xi32>
        %eq3A_414 = arith.cmpi eq, %add3A_413, %rem3A_285 : vector<16xi32>
        %broadcast_in_dim3A_415 = arith.constant 0.000000e+00 : f32
        %broadcast_in_dim3A_416 = vector.broadcast %broadcast_in_dim3A_415 : f32 to vector<16xf32>
        %select_n3A_417 = arith.select %eq3A_414, %gather3A, %broadcast_in_dim3A_416 : vector<16xi1>, vector<16xf32>
        %swap3A_418 = arith.index_cast %add3A_281 : i32 to index
        %swap3A_419 = arith.constant 112 : index
        %swap3A_420 = tpu.vector_load %arg20[%swap3A_418, %swap3A_419] {strides = array<i32>} : memref<64x128xf32, #tpu.memory_space<vmem>>, vector<16xf32>,
        tpu.vector_store %arg20[%swap3A_418, %swap3A_419], %select_n3A_417 {strides = array<i32>} : memref<64x128xf32, #tpu.memory_space<vmem>>, vector<16xf32>,
      }
      %scan3A_263 = arith.constant 64 : i32
      %dma_start3A_264 = arith.constant 0 : i32
      %dma_start3A_265 = arith.constant 0 : i32
      %dma_start3A_266 = tpu.memref_slice %arg21[%dma_start3A_264, %dma_start3A_265] : memref<10000x128xf32, #tpu.memory_space<vmem_shared>> -> memref<10000x128xf32, #tpu.memory_space<vmem_shared>>
      tpu.enqueue_indirect_dma source(%arg19 : memref<64x128xf32, #tpu.memory_space<vmem>>) target(%dma_start3A_266 : memref<10000x128xf32, #tpu.memory_space<vmem_shared>>) offsets(%arg14 : memref<64xi32, #tpu.memory_space<vmem>>) semaphore(%arg25 : memref<!tpu.dma_semaphore, #tpu.memory_space<semaphore_mem>>) {add = true}
      %dma_start3A_267 = arith.constant 0 : i32
      %dma_start3A_268 = arith.constant 0 : i32
      %dma_start3A_269 = tpu.memref_slice %arg22[%dma_start3A_267, %dma_start3A_268] : memref<86x128xf32, #tpu.memory_space<vmem_shared>> -> memref<86x128xf32, #tpu.memory_space<vmem_shared>>
      tpu.enqueue_indirect_dma source(%arg20 : memref<64x128xf32, #tpu.memory_space<vmem>>) target(%dma_start3A_269 : memref<86x128xf32, #tpu.memory_space<vmem_shared>>) offsets(%arg16 : memref<64xi32, #tpu.memory_space<vmem>>) semaphore(%arg25 : memref<!tpu.dma_semaphore, #tpu.memory_space<semaphore_mem>>) {add = true}
      %add3A_270 = arith.constant 2 : i32
      %add3A_271 = arith.addi %add3A_166, %add3A_270 : i32
      %lt3A_272 = arith.constant 80 : i32
      %lt3A_273 = arith.cmpi slt, %add3A_271, %lt3A_272 : i32
      %convert_element_type3A_274 = arith.extui %lt3A_273 : i1 to i32
      %cond3A_275 = arith.constant 0 : i32
      %cond3A_276 = arith.cmpi ne, %convert_element_type3A_274, %cond3A_275 : i32
      scf.if %cond3A_276 {
        %add3A_277 = arith.constant 2 : i32
        %add3A_278 = arith.addi %add3A_166, %add3A_277 : i32
        %shift_right_logical3A_279 = arith.constant 1 : i32
        %shift_right_logical3A_280 = arith.shrui %add3A_278, %shift_right_logical3A_279 : i32
        %rem3A_281 = arith.constant 2 : i32
        %rem3A_282 = arith.remsi %add3A_278, %rem3A_281 : i32
        %mul3A_283 = arith.constant 64 : i32
        %mul3A_284 = arith.muli %rem3A_282, %mul3A_283 : i32
        %dma_start3A_285 = tpu.memref_slice %arg10[%shift_right_logical3A_280, %mul3A_284] : memref<40x128xi32, #tpu.memory_space<vmem>> -> memref<1x64xi32, #tpu.memory_space<vmem>>
        %dma_start3A_286 = tpu.memref_squeeze %dma_start3A_285 : memref<1x64xi32, #tpu.memory_space<vmem>> -> memref<64xi32, #tpu.memory_space<vmem>>
        %dma_start3A_287 = arith.constant 0 : i32
        %dma_start3A_288 = arith.constant 0 : i32
        %dma_start3A_289 = tpu.memref_slice %arg5[%dma_start3A_287, %dma_start3A_288] : memref<10000x128xf32, #tpu.memory_space<hbm>> -> memref<10000x128xf32, #tpu.memory_space<hbm>>
        tpu.enqueue_indirect_dma source(%dma_start3A_289 : memref<10000x128xf32, #tpu.memory_space<hbm>>) target(%arg18 : memref<64x128xf32, #tpu.memory_space<vmem>>) offsets(%dma_start3A_286 : memref<64xi32, #tpu.memory_space<vmem>>) semaphore(%arg24 : memref<!tpu.dma_semaphore, #tpu.memory_space<semaphore_mem>>)
      } else {
      }
    }
    %scan3A_31 = arith.constant 40 : i32
    %dma_wait3A = arith.constant 0 : i32
    %dma_wait3A_32 = arith.constant 0 : i32
    %dma_wait3A_33 = tpu.memref_slice %arg21[%dma_wait3A, %dma_wait3A_32] : memref<10000x128xf32, #tpu.memory_space<vmem_shared>> -> memref<64x128xf32, #tpu.memory_space<vmem_shared>>
    %dma_wait3A_34 = arith.constant 0 : i32
    %dma_wait3A_35 = arith.constant 0 : i32
    %dma_wait3A_36 = tpu.memref_slice %arg21[%dma_wait3A_34, %dma_wait3A_35] : memref<10000x128xf32, #tpu.memory_space<vmem_shared>> -> memref<64x128xf32, #tpu.memory_space<vmem_shared>>
    tpu.wait_dma2 semaphore(%arg25 : memref<!tpu.dma_semaphore, #tpu.memory_space<semaphore_mem>>) src(%arg19 : memref<64x128xf32, #tpu.memory_space<vmem>>) dst(%dma_wait3A_36 : memref<64x128xf32, #tpu.memory_space<vmem_shared>>)
    %dma_wait3A_37 = arith.constant 0 : i32
    %dma_wait3A_38 = arith.constant 0 : i32
    %dma_wait3A_39 = tpu.memref_slice %arg21[%dma_wait3A_37, %dma_wait3A_38] : memref<10000x128xf32, #tpu.memory_space<vmem_shared>> -> memref<64x128xf32, #tpu.memory_space<vmem_shared>>
    %dma_wait3A_40 = arith.constant 0 : i32
    %dma_wait3A_41 = arith.constant 0 : i32
    %dma_wait3A_42 = tpu.memref_slice %arg21[%dma_wait3A_40, %dma_wait3A_41] : memref<10000x128xf32, #tpu.memory_space<vmem_shared>> -> memref<64x128xf32, #tpu.memory_space<vmem_shared>>
    tpu.wait_dma2 semaphore(%arg25 : memref<!tpu.dma_semaphore, #tpu.memory_space<semaphore_mem>>) src(%arg20 : memref<64x128xf32, #tpu.memory_space<vmem>>) dst(%dma_wait3A_42 : memref<64x128xf32, #tpu.memory_space<vmem_shared>>)
    %barrier3A_43 = arith.constant 0 : index
    tpu.barrier barrier_id(%barrier3A_43)
    %scan3A_44 = arith.constant 0 : i32
    %scan3A_45 = arith.constant 16 : i32
    %scan3A_46 = arith.addi %scan3A_44, %scan3A_45 : i32
    %scan3A_47 = arith.constant 1 : i32
    scf.for %scan3A_54 = %scan3A_44 to %scan3A_46 step %scan3A_47  : i32 {
      %mul3A_55 = arith.constant 1 : i32
      %mul3A_56 = arith.muli %scan3A_54, %mul3A_55 : i32
      %add3A_57 = arith.constant 0 : i32
      %add3A_58 = arith.addi %add3A_57, %mul3A_56 : i32
      %mul3A_59 = arith.constant 16 : i32
      %mul3A_60 = arith.muli %add3A_58, %mul3A_59 : i32
      %add3A_61 = arith.addi %arg1, %mul3A_60 : i32
      %lt3A = arith.constant 250 : i32
      %lt3A_62 = arith.cmpi slt, %add3A_61, %lt3A : i32
      %convert_element_type3A_63 = arith.extui %lt3A_62 : i1 to i32
      %cond3A_64 = arith.constant 0 : i32
      %cond3A_65 = arith.cmpi ne, %convert_element_type3A_63, %cond3A_64 : i32
      scf.if %cond3A_65 {
        %mul3A_66 = arith.constant 40 : i32
        %mul3A_67 = arith.muli %add3A_61, %mul3A_66 : i32
        %mul3A_68 = arith.constant 40 : i32
        %mul3A_69 = arith.muli %add3A_61, %mul3A_68 : i32
        "tpu.region"() ({
          %run_scoped3A = tpu.sem_alloc : memref<!tpu.dma_semaphore, #tpu.memory_space<semaphore_mem>>
          %dma_start3A_70 = arith.constant 0 : i32
          %dma_start3A_71 = tpu.memref_slice %arg6[%arg0, %mul3A_69, %dma_start3A_70] : memref<2x10000x128xf32, #tpu.memory_space<hbm>> -> memref<1x40x128xf32, #tpu.memory_space<hbm>>
          %dma_start3A_72 = tpu.memref_squeeze %dma_start3A_71 : memref<1x40x128xf32, #tpu.memory_space<hbm>> -> memref<40x128xf32, #tpu.memory_space<hbm>>
          %dma_start3A_73 = arith.constant 0 : i32
          %dma_start3A_74 = tpu.memref_slice %arg21[%mul3A_67, %dma_start3A_73] : memref<10000x128xf32, #tpu.memory_space<vmem_shared>> -> memref<40x128xf32, #tpu.memory_space<vmem_shared>>
          tpu.enqueue_dma source(%dma_start3A_74 : memref<40x128xf32, #tpu.memory_space<vmem_shared>>) target(%dma_start3A_72 : memref<40x128xf32, #tpu.memory_space<hbm>>) target_semaphore(%run_scoped3A : memref<!tpu.dma_semaphore, #tpu.memory_space<semaphore_mem>>)
          %dma_wait3A_75 = arith.constant 0 : i32
          %dma_wait3A_76 = tpu.memref_slice %arg6[%arg0, %mul3A_69, %dma_wait3A_75] : memref<2x10000x128xf32, #tpu.memory_space<hbm>> -> memref<1x40x128xf32, #tpu.memory_space<hbm>>
          %dma_wait3A_77 = tpu.memref_squeeze %dma_wait3A_76 : memref<1x40x128xf32, #tpu.memory_space<hbm>> -> memref<40x128xf32, #tpu.memory_space<hbm>>
          %dma_wait3A_78 = arith.constant 0 : i32
          %dma_wait3A_79 = tpu.memref_slice %arg21[%mul3A_67, %dma_wait3A_78] : memref<10000x128xf32, #tpu.memory_space<vmem_shared>> -> memref<40x128xf32, #tpu.memory_space<vmem_shared>>
          tpu.wait_dma2 semaphore(%run_scoped3A : memref<!tpu.dma_semaphore, #tpu.memory_space<semaphore_mem>>) src(%dma_wait3A_79 : memref<40x128xf32, #tpu.memory_space<vmem_shared>>) dst(%dma_wait3A_77 : memref<40x128xf32, #tpu.memory_space<hbm>>)
          tpu.yield
        }) : () -> ()
      } else {
      }
    }
    %scan3A_48 = arith.constant 16 : i32
    %eq3A_49 = arith.constant 0 : i32
    %eq3A_50 = arith.cmpi eq, %arg1, %eq3A_49 : i32
    %convert_element_type3A_51 = arith.extui %eq3A_50 : i1 to i32
    %cond3A_52 = arith.constant 0 : i32
    %cond3A_53 = arith.cmpi ne, %convert_element_type3A_51, %cond3A_52 : i32
    scf.if %cond3A_53 {
      "tpu.region"() ({
        %run_scoped3A = tpu.sem_alloc : memref<!tpu.dma_semaphore, #tpu.memory_space<semaphore_mem>>
        %dma_start3A_54 = arith.constant 0 : i32
        %dma_start3A_55 = arith.constant 0 : i32
        %dma_start3A_56 = tpu.memref_slice %arg7[%arg0, %dma_start3A_54, %dma_start3A_55] : memref<2x86x128xf32, #tpu.memory_space<hbm>> -> memref<1x86x128xf32, #tpu.memory_space<hbm>>
        %dma_start3A_57 = tpu.memref_squeeze %dma_start3A_56 : memref<1x86x128xf32, #tpu.memory_space<hbm>> -> memref<86x128xf32, #tpu.memory_space<hbm>>
        tpu.enqueue_dma source(%arg22 : memref<86x128xf32, #tpu.memory_space<vmem_shared>>) target(%dma_start3A_57 : memref<86x128xf32, #tpu.memory_space<hbm>>) target_semaphore(%run_scoped3A : memref<!tpu.dma_semaphore, #tpu.memory_space<semaphore_mem>>)
        %dma_wait3A_58 = arith.constant 0 : i32
        %dma_wait3A_59 = arith.constant 0 : i32
        %dma_wait3A_60 = tpu.memref_slice %arg7[%arg0, %dma_wait3A_58, %dma_wait3A_59] : memref<2x86x128xf32, #tpu.memory_space<hbm>> -> memref<1x86x128xf32, #tpu.memory_space<hbm>>
        %dma_wait3A_61 = tpu.memref_squeeze %dma_wait3A_60 : memref<1x86x128xf32, #tpu.memory_space<hbm>> -> memref<86x128xf32, #tpu.memory_space<hbm>>
        tpu.wait_dma2 semaphore(%run_scoped3A : memref<!tpu.dma_semaphore, #tpu.memory_space<semaphore_mem>>) src(%arg22 : memref<86x128xf32, #tpu.memory_space<vmem_shared>>) dst(%dma_wait3A_61 : memref<86x128xf32, #tpu.memory_space<hbm>>)
        tpu.yield
      }) : () -> ()
    } else {
    }
    return
  }
}

module attributes {stable_mosaic.version = 14 : i64} {
  func.func @body(%arg0: i32, %arg1: memref<2000x128xf32, #tpu.memory_space<vmem>>, %arg2: memref<128x128xf32, #tpu.memory_space<vmem>>, %arg3: memref<2000x128xf32, #tpu.memory_space<vmem>>) attributes {dimension_semantics = [#tpu.dimension_semantics<arbitrary>], iteration_bounds = array<i64: 5>, scalar_prefetch = 0 : i64, scratch_operands = 0 : i64, tpu.core_type = #tpu.core_type<tc>, window_params = [{transform_indices = @transform_0, window_bounds = array<i64: 2000, 128>}, {pipeline_mode = #tpu.pipeline_mode<synchronous>, transform_indices = @transform_1, window_bounds = array<i64: 128, 128>}, {transform_indices = @transform_2, window_bounds = array<i64: 2000, 128>}]} {
    %get3A = arith.constant 0 : index
    %get3A_0 = arith.constant 0 : index
    %get3A_1 = vector.load %arg1[%get3A, %get3A_0] : memref<2000x128xf32, #tpu.memory_space<vmem>>, vector<2000x128xf32>
    %get3A_2 = arith.constant 0 : index
    %get3A_3 = arith.constant 0 : index
    %get3A_4 = vector.load %arg2[%get3A_2, %get3A_3] : memref<128x128xf32, #tpu.memory_space<vmem>>, vector<128x128xf32>
    %dot_general3A = arith.constant dense<0.000000e+00> : vector<2000x128xf32>
    %dot_general3A_5 = tpu.matmul %get3A_1, %get3A_4, %dot_general3A {dimension_numbers = #tpu.dot_dimension_numbers<[1], [0], [0], [1], [0, 0, 1, 1], [], []>, transpose_lhs_hint = false} : vector<2000x128xf32>, vector<128x128xf32>, vector<2000x128xf32> -> vector<2000x128xf32>
    %swap3A = arith.constant 0 : index
    %swap3A_6 = arith.constant 0 : index
    %swap3A_7 = vector.load %arg3[%swap3A, %swap3A_6] : memref<2000x128xf32, #tpu.memory_space<vmem>>, vector<2000x128xf32>
    tpu.vector_store %arg3[%swap3A, %swap3A_6], %dot_general3A_5 {strides = array<i32>} : memref<2000x128xf32, #tpu.memory_space<vmem>>, vector<2000x128xf32>,
    return
  }
  func.func @transform_0(%arg0: i32) -> (i32, i32) {
    %c0_i32 = arith.constant 0 : i32
    %c0_i32_0 = arith.constant 0 : i32
    return %arg0, %c0_i32 : i32, i32
  }
  func.func @transform_1(%arg0: i32) -> (i32, i32) {
    %c0_i32 = arith.constant 0 : i32
    %c0_i32_0 = arith.constant 0 : i32
    %c0_i32_1 = arith.constant 0 : i32
    return %c0_i32, %c0_i32_0 : i32, i32
  }
  func.func @transform_2(%arg0: i32) -> (i32, i32) {
    %c0_i32 = arith.constant 0 : i32
    %c0_i32_0 = arith.constant 0 : i32
    return %arg0, %c0_i32 : i32, i32
  }
}

module attributes {stable_mosaic.version = 14 : i64} {
  func.func @body(%arg0: i32, %arg1: memref<2000x128xf32, #tpu.memory_space<vmem>>, %arg2: memref<2000x128xf32, #tpu.memory_space<vmem>>, %arg3: memref<2000x128xf32, #tpu.memory_space<vmem>>, %arg4: memref<128x512xbf16, #tpu.memory_space<vmem>>, %arg5: memref<128x512xbf16, #tpu.memory_space<vmem>>, %arg6: memref<128x512xbf16, #tpu.memory_space<vmem>>, %arg7: memref<1x128xf32, #tpu.memory_space<vmem>>) attributes {dimension_semantics = [#tpu.dimension_semantics<arbitrary>], iteration_bounds = array<i64: 80>, scalar_prefetch = 0 : i64, scratch_operands = 0 : i64, tpu.core_type = #tpu.core_type<tc>, window_params = [{transform_indices = @transform_0, window_bounds = array<i64: 2000, 128>}, {transform_indices = @transform_1, window_bounds = array<i64: 2000, 128>}, {transform_indices = @transform_2, window_bounds = array<i64: 2000, 128>}, {pipeline_mode = #tpu.pipeline_mode<synchronous>, transform_indices = @transform_3, window_bounds = array<i64: 128, 512>}, {pipeline_mode = #tpu.pipeline_mode<synchronous>, transform_indices = @transform_4, window_bounds = array<i64: 128, 512>}, {pipeline_mode = #tpu.pipeline_mode<synchronous>, transform_indices = @transform_5, window_bounds = array<i64: 128, 512>}, {pipeline_mode = #tpu.pipeline_mode<synchronous>, transform_indices = @transform_6, window_bounds = array<i64: 1, 128>}]} {
    %eq3A = arith.constant 0 : i32
    %eq3A_0 = arith.cmpi eq, %arg0, %eq3A : i32
    %convert_element_type3A = arith.extui %eq3A_0 : i1 to i32
    %cond3A = arith.constant 0 : i32
    %cond3A_1 = arith.cmpi ne, %convert_element_type3A, %cond3A : i32
    scf.if %cond3A_1 {
      %broadcast_in_dim3A_278 = arith.constant 0.000000e+00 : f32
      %broadcast_in_dim3A_279 = vector.broadcast %broadcast_in_dim3A_278 : f32 to vector<1x128xf32>
      %swap3A_280 = arith.constant 0 : index
      %swap3A_281 = arith.constant 0 : index
      %swap3A_282 = vector.load %arg7[%swap3A_280, %swap3A_281] : memref<1x128xf32, #tpu.memory_space<vmem>>, vector<1x128xf32>
      tpu.vector_store %arg7[%swap3A_280, %swap3A_281], %broadcast_in_dim3A_279 {strides = array<i32>} : memref<1x128xf32, #tpu.memory_space<vmem>>, vector<1x128xf32>,
    } else {
    }
    %get3A = arith.constant 0 : index
    %get3A_2 = arith.constant 0 : index
    %get3A_3 = vector.load %arg1[%get3A, %get3A_2] : memref<2000x128xf32, #tpu.memory_space<vmem>>, vector<2000x128xf32>
    %get3A_4 = arith.constant 0 : index
    %get3A_5 = arith.constant 0 : index
    %get3A_6 = vector.load %arg2[%get3A_4, %get3A_5] : memref<2000x128xf32, #tpu.memory_space<vmem>>, vector<2000x128xf32>
    %get3A_7 = arith.constant 0 : index
    %get3A_8 = arith.constant 0 : index
    %get3A_9 = vector.load %arg3[%get3A_7, %get3A_8] : memref<2000x128xf32, #tpu.memory_space<vmem>>, vector<2000x128xf32>
    %reduce_sum3A = vector.shape_cast %get3A_3 : vector<2000x128xf32> to vector<1x2000x128xf32>
    %reduce_sum3A_10 = arith.constant dense<0.000000e+00> : vector<1xf32>
    %reduce_sum3A_11 = vector.multi_reduction <add>, %reduce_sum3A, %reduce_sum3A_10 [1, 2] : vector<1x2000x128xf32> to vector<1xf32>
    %reduce_sum3A_12 = vector.shape_cast %reduce_sum3A_11 : vector<1xf32> to vector<1x1x1xf32>
    %reduce_sum3A_13 = vector.extract %reduce_sum3A_12[0, 0, 0] : f32 from vector<1x1x1xf32>
    %reduce_sum3A_14 = vector.shape_cast %get3A_6 : vector<2000x128xf32> to vector<1x2000x128xf32>
    %reduce_sum3A_15 = arith.constant dense<0.000000e+00> : vector<1xf32>
    %reduce_sum3A_16 = vector.multi_reduction <add>, %reduce_sum3A_14, %reduce_sum3A_15 [1, 2] : vector<1x2000x128xf32> to vector<1xf32>
    %reduce_sum3A_17 = vector.shape_cast %reduce_sum3A_16 : vector<1xf32> to vector<1x1x1xf32>
    %reduce_sum3A_18 = vector.extract %reduce_sum3A_17[0, 0, 0] : f32 from vector<1x1x1xf32>
    %add3A = arith.addf %reduce_sum3A_13, %reduce_sum3A_18 : f32
    %reduce_sum3A_19 = vector.shape_cast %get3A_9 : vector<2000x128xf32> to vector<1x2000x128xf32>
    %reduce_sum3A_20 = arith.constant dense<0.000000e+00> : vector<1xf32>
    %reduce_sum3A_21 = vector.multi_reduction <add>, %reduce_sum3A_19, %reduce_sum3A_20 [1, 2] : vector<1x2000x128xf32> to vector<1xf32>
    %reduce_sum3A_22 = vector.shape_cast %reduce_sum3A_21 : vector<1xf32> to vector<1x1x1xf32>
    %reduce_sum3A_23 = vector.extract %reduce_sum3A_22[0, 0, 0] : f32 from vector<1x1x1xf32>
    %add3A_24 = arith.addf %add3A, %reduce_sum3A_23 : f32
    %mul3A = arith.mulf %get3A_3, %get3A_3 : vector<2000x128xf32>
    %reduce_sum3A_25 = vector.shape_cast %mul3A : vector<2000x128xf32> to vector<1x2000x128xf32>
    %reduce_sum3A_26 = arith.constant dense<0.000000e+00> : vector<1xf32>
    %reduce_sum3A_27 = vector.multi_reduction <add>, %reduce_sum3A_25, %reduce_sum3A_26 [1, 2] : vector<1x2000x128xf32> to vector<1xf32>
    %reduce_sum3A_28 = vector.shape_cast %reduce_sum3A_27 : vector<1xf32> to vector<1x1x1xf32>
    %reduce_sum3A_29 = vector.extract %reduce_sum3A_28[0, 0, 0] : f32 from vector<1x1x1xf32>
    %mul3A_30 = arith.mulf %get3A_6, %get3A_6 : vector<2000x128xf32>
    %reduce_sum3A_31 = vector.shape_cast %mul3A_30 : vector<2000x128xf32> to vector<1x2000x128xf32>
    %reduce_sum3A_32 = arith.constant dense<0.000000e+00> : vector<1xf32>
    %reduce_sum3A_33 = vector.multi_reduction <add>, %reduce_sum3A_31, %reduce_sum3A_32 [1, 2] : vector<1x2000x128xf32> to vector<1xf32>
    %reduce_sum3A_34 = vector.shape_cast %reduce_sum3A_33 : vector<1xf32> to vector<1x1x1xf32>
    %reduce_sum3A_35 = vector.extract %reduce_sum3A_34[0, 0, 0] : f32 from vector<1x1x1xf32>
    %add3A_36 = arith.addf %reduce_sum3A_29, %reduce_sum3A_35 : f32
    %mul3A_37 = arith.mulf %get3A_9, %get3A_9 : vector<2000x128xf32>
    %reduce_sum3A_38 = vector.shape_cast %mul3A_37 : vector<2000x128xf32> to vector<1x2000x128xf32>
    %reduce_sum3A_39 = arith.constant dense<0.000000e+00> : vector<1xf32>
    %reduce_sum3A_40 = vector.multi_reduction <add>, %reduce_sum3A_38, %reduce_sum3A_39 [1, 2] : vector<1x2000x128xf32> to vector<1xf32>
    %reduce_sum3A_41 = vector.shape_cast %reduce_sum3A_40 : vector<1xf32> to vector<1x1x1xf32>
    %reduce_sum3A_42 = vector.extract %reduce_sum3A_41[0, 0, 0] : f32 from vector<1x1x1xf32>
    %add3A_43 = arith.addf %add3A_36, %reduce_sum3A_42 : f32
    %get3A_44 = arith.constant 0 : index
    %get3A_45 = arith.constant 0 : index
    %get3A_46 = vector.load %arg1[%get3A_44, %get3A_45] : memref<2000x128xf32, #tpu.memory_space<vmem>>, vector<2000x128xf32>
    %convert_element_type3A_47 = arith.truncf %get3A_46 : vector<2000x128xf32> to vector<2000x128xbf16>
    %get3A_48 = arith.constant 0 : index
    %get3A_49 = arith.constant 0 : index
    %get3A_50 = vector.load %arg2[%get3A_48, %get3A_49] : memref<2000x128xf32, #tpu.memory_space<vmem>>, vector<2000x128xf32>
    %convert_element_type3A_51 = arith.truncf %get3A_50 : vector<2000x128xf32> to vector<2000x128xbf16>
    %get3A_52 = arith.constant 0 : index
    %get3A_53 = arith.constant 0 : index
    %get3A_54 = vector.load %arg3[%get3A_52, %get3A_53] : memref<2000x128xf32, #tpu.memory_space<vmem>>, vector<2000x128xf32>
    %convert_element_type3A_55 = arith.truncf %get3A_54 : vector<2000x128xf32> to vector<2000x128xbf16>
    %get3A_56 = arith.constant 0 : index
    %get3A_57 = arith.constant 0 : index
    %get3A_58 = vector.load %arg4[%get3A_56, %get3A_57] : memref<128x512xbf16, #tpu.memory_space<vmem>>, vector<128x512xbf16>
    %dot_general3A = arith.constant dense<0.000000e+00> : vector<2000x512xf32>
    %dot_general3A_59 = tpu.matmul %convert_element_type3A_47, %get3A_58, %dot_general3A {dimension_numbers = #tpu.dot_dimension_numbers<[1], [0], [0], [1], [0, 0, 1, 1], [], []>, transpose_lhs_hint = false} : vector<2000x128xbf16>, vector<128x512xbf16>, vector<2000x512xf32> -> vector<2000x512xf32>
    %get3A_60 = arith.constant 0 : index
    %get3A_61 = arith.constant 0 : index
    %get3A_62 = vector.load %arg5[%get3A_60, %get3A_61] : memref<128x512xbf16, #tpu.memory_space<vmem>>, vector<128x512xbf16>
    %dot_general3A_63 = arith.constant dense<0.000000e+00> : vector<2000x512xf32>
    %dot_general3A_64 = tpu.matmul %convert_element_type3A_51, %get3A_62, %dot_general3A_63 {dimension_numbers = #tpu.dot_dimension_numbers<[1], [0], [0], [1], [0, 0, 1, 1], [], []>, transpose_lhs_hint = false} : vector<2000x128xbf16>, vector<128x512xbf16>, vector<2000x512xf32> -> vector<2000x512xf32>
    %add3A_65 = arith.addf %dot_general3A_59, %dot_general3A_64 : vector<2000x512xf32>
    %get3A_66 = arith.constant 0 : index
    %get3A_67 = arith.constant 0 : index
    %get3A_68 = vector.load %arg6[%get3A_66, %get3A_67] : memref<128x512xbf16, #tpu.memory_space<vmem>>, vector<128x512xbf16>
    %dot_general3A_69 = arith.constant dense<0.000000e+00> : vector<2000x512xf32>
    %dot_general3A_70 = tpu.matmul %convert_element_type3A_55, %get3A_68, %dot_general3A_69 {dimension_numbers = #tpu.dot_dimension_numbers<[1], [0], [0], [1], [0, 0, 1, 1], [], []>, transpose_lhs_hint = false} : vector<2000x128xbf16>, vector<128x512xbf16>, vector<2000x512xf32> -> vector<2000x512xf32>
    %add3A_71 = arith.addf %add3A_65, %dot_general3A_70 : vector<2000x512xf32>
    %reduce_sum3A_72 = arith.constant dense<0.000000e+00> : vector<512xf32>
    %reduce_sum3A_73 = vector.multi_reduction <add>, %add3A_71, %reduce_sum3A_72 [0] : vector<2000x512xf32> to vector<512xf32>
    %broadcast_in_dim3A = vector.shape_cast %reduce_sum3A_73 : vector<512xf32> to vector<1x512xf32>
    %mul3A_74 = arith.mulf %add3A_71, %add3A_71 : vector<2000x512xf32>
    %reduce_sum3A_75 = arith.constant dense<0.000000e+00> : vector<512xf32>
    %reduce_sum3A_76 = vector.multi_reduction <add>, %mul3A_74, %reduce_sum3A_75 [0] : vector<2000x512xf32> to vector<512xf32>
    %broadcast_in_dim3A_77 = vector.shape_cast %reduce_sum3A_76 : vector<512xf32> to vector<1x512xf32>
    %iota3A = tpu.iota {dimensions = array<i32: 1>} : vector<1x512xi32>
    %jit3A = arith.constant 126 : i32
    %div3A = vector.broadcast %jit3A : i32 to vector<1x512xi32>
    %div3A_78 = arith.divsi %iota3A, %div3A : vector<1x512xi32>
    %sign3A = arith.constant 0 : i32
    %sign3A_79 = vector.broadcast %sign3A : i32 to vector<1x512xi32>
    %sign3A_80 = arith.cmpi sgt, %iota3A, %sign3A_79 : vector<1x512xi32>
    %sign3A_81 = arith.extui %sign3A_80 : vector<1x512xi1> to vector<1x512xi32>
    %sign3A_82 = arith.constant 0 : i32
    %sign3A_83 = vector.broadcast %sign3A_82 : i32 to vector<1x512xi32>
    %sign3A_84 = arith.cmpi slt, %iota3A, %sign3A_83 : vector<1x512xi32>
    %sign3A_85 = arith.extui %sign3A_84 : vector<1x512xi1> to vector<1x512xi32>
    %sign3A_86 = arith.subi %sign3A_81, %sign3A_85 : vector<1x512xi32>
    %sign3A_87 = arith.constant 0 : i32
    %sign3A_88 = arith.cmpi sgt, %jit3A, %sign3A_87 : i32
    %sign3A_89 = arith.extui %sign3A_88 : i1 to i32
    %sign3A_90 = arith.constant 0 : i32
    %sign3A_91 = arith.cmpi slt, %jit3A, %sign3A_90 : i32
    %sign3A_92 = arith.extui %sign3A_91 : i1 to i32
    %sign3A_93 = arith.subi %sign3A_89, %sign3A_92 : i32
    %ne3A = vector.broadcast %sign3A_93 : i32 to vector<1x512xi32>
    %ne3A_94 = arith.cmpi ne, %sign3A_86, %ne3A : vector<1x512xi32>
    %rem3A = vector.broadcast %jit3A : i32 to vector<1x512xi32>
    %rem3A_95 = arith.remsi %iota3A, %rem3A : vector<1x512xi32>
    %ne3A_96 = arith.constant 0 : i32
    %ne3A_97 = vector.broadcast %ne3A_96 : i32 to vector<1x512xi32>
    %ne3A_98 = arith.cmpi ne, %rem3A_95, %ne3A_97 : vector<1x512xi32>
    %and3A = arith.andi %ne3A_94, %ne3A_98 : vector<1x512xi1>
    %sub3A = arith.constant 1 : i32
    %sub3A_99 = vector.broadcast %sub3A : i32 to vector<1x512xi32>
    %sub3A_100 = arith.subi %div3A_78, %sub3A_99 : vector<1x512xi32>
    %select_n3A = arith.select %and3A, %sub3A_100, %div3A_78 : vector<1x512xi1>, vector<1x512xi32>
    %eq3A_101 = arith.constant 0 : i32
    %eq3A_102 = vector.broadcast %eq3A_101 : i32 to vector<1x512xi32>
    %eq3A_103 = arith.cmpi eq, %select_n3A, %eq3A_102 : vector<1x512xi32>
    %jit3A_104 = arith.constant 0.000000e+00 : f32
    %broadcast_in_dim3A_105 = vector.broadcast %jit3A_104 : f32 to vector<1x512xf32>
    %select_n3A_106 = arith.select %eq3A_103, %broadcast_in_dim3A, %broadcast_in_dim3A_105 : vector<1x512xi1>, vector<1x512xf32>
    %reduce_sum3A_107 = vector.shape_cast %select_n3A_106 : vector<1x512xf32> to vector<1x1x512xf32>
    %reduce_sum3A_108 = arith.constant dense<0.000000e+00> : vector<1xf32>
    %reduce_sum3A_109 = vector.multi_reduction <add>, %reduce_sum3A_107, %reduce_sum3A_108 [1, 2] : vector<1x1x512xf32> to vector<1xf32>
    %reduce_sum3A_110 = vector.shape_cast %reduce_sum3A_109 : vector<1xf32> to vector<1x1x1xf32>
    %reduce_sum3A_111 = vector.extract %reduce_sum3A_110[0, 0, 0] : f32 from vector<1x1x1xf32>
    %eq3A_112 = arith.constant 0 : i32
    %eq3A_113 = vector.broadcast %eq3A_112 : i32 to vector<1x512xi32>
    %eq3A_114 = arith.cmpi eq, %select_n3A, %eq3A_113 : vector<1x512xi32>
    %jit3A_115 = arith.constant 0.000000e+00 : f32
    %broadcast_in_dim3A_116 = vector.broadcast %jit3A_115 : f32 to vector<1x512xf32>
    %select_n3A_117 = arith.select %eq3A_114, %broadcast_in_dim3A_77, %broadcast_in_dim3A_116 : vector<1x512xi1>, vector<1x512xf32>
    %reduce_sum3A_118 = vector.shape_cast %select_n3A_117 : vector<1x512xf32> to vector<1x1x512xf32>
    %reduce_sum3A_119 = arith.constant dense<0.000000e+00> : vector<1xf32>
    %reduce_sum3A_120 = vector.multi_reduction <add>, %reduce_sum3A_118, %reduce_sum3A_119 [1, 2] : vector<1x1x512xf32> to vector<1xf32>
    %reduce_sum3A_121 = vector.shape_cast %reduce_sum3A_120 : vector<1xf32> to vector<1x1x1xf32>
    %reduce_sum3A_122 = vector.extract %reduce_sum3A_121[0, 0, 0] : f32 from vector<1x1x1xf32>
    %eq3A_123 = arith.constant 1 : i32
    %eq3A_124 = vector.broadcast %eq3A_123 : i32 to vector<1x512xi32>
    %eq3A_125 = arith.cmpi eq, %select_n3A, %eq3A_124 : vector<1x512xi32>
    %jit3A_126 = arith.constant 0.000000e+00 : f32
    %broadcast_in_dim3A_127 = vector.broadcast %jit3A_126 : f32 to vector<1x512xf32>
    %select_n3A_128 = arith.select %eq3A_125, %broadcast_in_dim3A, %broadcast_in_dim3A_127 : vector<1x512xi1>, vector<1x512xf32>
    %reduce_sum3A_129 = vector.shape_cast %select_n3A_128 : vector<1x512xf32> to vector<1x1x512xf32>
    %reduce_sum3A_130 = arith.constant dense<0.000000e+00> : vector<1xf32>
    %reduce_sum3A_131 = vector.multi_reduction <add>, %reduce_sum3A_129, %reduce_sum3A_130 [1, 2] : vector<1x1x512xf32> to vector<1xf32>
    %reduce_sum3A_132 = vector.shape_cast %reduce_sum3A_131 : vector<1xf32> to vector<1x1x1xf32>
    %reduce_sum3A_133 = vector.extract %reduce_sum3A_132[0, 0, 0] : f32 from vector<1x1x1xf32>
    %eq3A_134 = arith.constant 1 : i32
    %eq3A_135 = vector.broadcast %eq3A_134 : i32 to vector<1x512xi32>
    %eq3A_136 = arith.cmpi eq, %select_n3A, %eq3A_135 : vector<1x512xi32>
    %jit3A_137 = arith.constant 0.000000e+00 : f32
    %broadcast_in_dim3A_138 = vector.broadcast %jit3A_137 : f32 to vector<1x512xf32>
    %select_n3A_139 = arith.select %eq3A_136, %broadcast_in_dim3A_77, %broadcast_in_dim3A_138 : vector<1x512xi1>, vector<1x512xf32>
    %reduce_sum3A_140 = vector.shape_cast %select_n3A_139 : vector<1x512xf32> to vector<1x1x512xf32>
    %reduce_sum3A_141 = arith.constant dense<0.000000e+00> : vector<1xf32>
    %reduce_sum3A_142 = vector.multi_reduction <add>, %reduce_sum3A_140, %reduce_sum3A_141 [1, 2] : vector<1x1x512xf32> to vector<1xf32>
    %reduce_sum3A_143 = vector.shape_cast %reduce_sum3A_142 : vector<1xf32> to vector<1x1x1xf32>
    %reduce_sum3A_144 = vector.extract %reduce_sum3A_143[0, 0, 0] : f32 from vector<1x1x1xf32>
    %eq3A_145 = arith.constant 2 : i32
    %eq3A_146 = vector.broadcast %eq3A_145 : i32 to vector<1x512xi32>
    %eq3A_147 = arith.cmpi eq, %select_n3A, %eq3A_146 : vector<1x512xi32>
    %jit3A_148 = arith.constant 0.000000e+00 : f32
    %broadcast_in_dim3A_149 = vector.broadcast %jit3A_148 : f32 to vector<1x512xf32>
    %select_n3A_150 = arith.select %eq3A_147, %broadcast_in_dim3A, %broadcast_in_dim3A_149 : vector<1x512xi1>, vector<1x512xf32>
    %reduce_sum3A_151 = vector.shape_cast %select_n3A_150 : vector<1x512xf32> to vector<1x1x512xf32>
    %reduce_sum3A_152 = arith.constant dense<0.000000e+00> : vector<1xf32>
    %reduce_sum3A_153 = vector.multi_reduction <add>, %reduce_sum3A_151, %reduce_sum3A_152 [1, 2] : vector<1x1x512xf32> to vector<1xf32>
    %reduce_sum3A_154 = vector.shape_cast %reduce_sum3A_153 : vector<1xf32> to vector<1x1x1xf32>
    %reduce_sum3A_155 = vector.extract %reduce_sum3A_154[0, 0, 0] : f32 from vector<1x1x1xf32>
    %eq3A_156 = arith.constant 2 : i32
    %eq3A_157 = vector.broadcast %eq3A_156 : i32 to vector<1x512xi32>
    %eq3A_158 = arith.cmpi eq, %select_n3A, %eq3A_157 : vector<1x512xi32>
    %jit3A_159 = arith.constant 0.000000e+00 : f32
    %broadcast_in_dim3A_160 = vector.broadcast %jit3A_159 : f32 to vector<1x512xf32>
    %select_n3A_161 = arith.select %eq3A_158, %broadcast_in_dim3A_77, %broadcast_in_dim3A_160 : vector<1x512xi1>, vector<1x512xf32>
    %reduce_sum3A_162 = vector.shape_cast %select_n3A_161 : vector<1x512xf32> to vector<1x1x512xf32>
    %reduce_sum3A_163 = arith.constant dense<0.000000e+00> : vector<1xf32>
    %reduce_sum3A_164 = vector.multi_reduction <add>, %reduce_sum3A_162, %reduce_sum3A_163 [1, 2] : vector<1x1x512xf32> to vector<1xf32>
    %reduce_sum3A_165 = vector.shape_cast %reduce_sum3A_164 : vector<1xf32> to vector<1x1x1xf32>
    %reduce_sum3A_166 = vector.extract %reduce_sum3A_165[0, 0, 0] : f32 from vector<1x1x1xf32>
    %eq3A_167 = arith.constant 3 : i32
    %eq3A_168 = vector.broadcast %eq3A_167 : i32 to vector<1x512xi32>
    %eq3A_169 = arith.cmpi eq, %select_n3A, %eq3A_168 : vector<1x512xi32>
    %jit3A_170 = arith.constant 0.000000e+00 : f32
    %broadcast_in_dim3A_171 = vector.broadcast %jit3A_170 : f32 to vector<1x512xf32>
    %select_n3A_172 = arith.select %eq3A_169, %broadcast_in_dim3A, %broadcast_in_dim3A_171 : vector<1x512xi1>, vector<1x512xf32>
    %reduce_sum3A_173 = vector.shape_cast %select_n3A_172 : vector<1x512xf32> to vector<1x1x512xf32>
    %reduce_sum3A_174 = arith.constant dense<0.000000e+00> : vector<1xf32>
    %reduce_sum3A_175 = vector.multi_reduction <add>, %reduce_sum3A_173, %reduce_sum3A_174 [1, 2] : vector<1x1x512xf32> to vector<1xf32>
    %reduce_sum3A_176 = vector.shape_cast %reduce_sum3A_175 : vector<1xf32> to vector<1x1x1xf32>
    %reduce_sum3A_177 = vector.extract %reduce_sum3A_176[0, 0, 0] : f32 from vector<1x1x1xf32>
    %eq3A_178 = arith.constant 3 : i32
    %eq3A_179 = vector.broadcast %eq3A_178 : i32 to vector<1x512xi32>
    %eq3A_180 = arith.cmpi eq, %select_n3A, %eq3A_179 : vector<1x512xi32>
    %jit3A_181 = arith.constant 0.000000e+00 : f32
    %broadcast_in_dim3A_182 = vector.broadcast %jit3A_181 : f32 to vector<1x512xf32>
    %select_n3A_183 = arith.select %eq3A_180, %broadcast_in_dim3A_77, %broadcast_in_dim3A_182 : vector<1x512xi1>, vector<1x512xf32>
    %reduce_sum3A_184 = vector.shape_cast %select_n3A_183 : vector<1x512xf32> to vector<1x1x512xf32>
    %reduce_sum3A_185 = arith.constant dense<0.000000e+00> : vector<1xf32>
    %reduce_sum3A_186 = vector.multi_reduction <add>, %reduce_sum3A_184, %reduce_sum3A_185 [1, 2] : vector<1x1x512xf32> to vector<1xf32>
    %reduce_sum3A_187 = vector.shape_cast %reduce_sum3A_186 : vector<1xf32> to vector<1x1x1xf32>
    %reduce_sum3A_188 = vector.extract %reduce_sum3A_187[0, 0, 0] : f32 from vector<1x1x1xf32>
    %iota3A_189 = tpu.iota {dimensions = array<i32: 1>} : vector<1x128xi32>
    %broadcast_in_dim3A_190 = arith.constant 0.000000e+00 : f32
    %broadcast_in_dim3A_191 = vector.broadcast %broadcast_in_dim3A_190 : f32 to vector<1x128xf32>
    %eq3A_192 = arith.constant 0 : i32
    %eq3A_193 = vector.broadcast %eq3A_192 : i32 to vector<1x128xi32>
    %eq3A_194 = arith.cmpi eq, %iota3A_189, %eq3A_193 : vector<1x128xi32>
    %jit3A_195 = arith.constant 0.000000e+00 : f32
    %broadcast_in_dim3A_196 = vector.broadcast %add3A_24 : f32 to vector<1x128xf32>
    %broadcast_in_dim3A_197 = vector.broadcast %jit3A_195 : f32 to vector<1x128xf32>
    %select_n3A_198 = arith.select %eq3A_194, %broadcast_in_dim3A_196, %broadcast_in_dim3A_197 : vector<1x128xi1>, vector<1x128xf32>
    %add3A_199 = arith.addf %broadcast_in_dim3A_191, %select_n3A_198 : vector<1x128xf32>
    %eq3A_200 = arith.constant 1 : i32
    %eq3A_201 = vector.broadcast %eq3A_200 : i32 to vector<1x128xi32>
    %eq3A_202 = arith.cmpi eq, %iota3A_189, %eq3A_201 : vector<1x128xi32>
    %jit3A_203 = arith.constant 0.000000e+00 : f32
    %broadcast_in_dim3A_204 = vector.broadcast %add3A_43 : f32 to vector<1x128xf32>
    %broadcast_in_dim3A_205 = vector.broadcast %jit3A_203 : f32 to vector<1x128xf32>
    %select_n3A_206 = arith.select %eq3A_202, %broadcast_in_dim3A_204, %broadcast_in_dim3A_205 : vector<1x128xi1>, vector<1x128xf32>
    %add3A_207 = arith.addf %add3A_199, %select_n3A_206 : vector<1x128xf32>
    %eq3A_208 = arith.constant 2 : i32
    %eq3A_209 = vector.broadcast %eq3A_208 : i32 to vector<1x128xi32>
    %eq3A_210 = arith.cmpi eq, %iota3A_189, %eq3A_209 : vector<1x128xi32>
    %jit3A_211 = arith.constant 0.000000e+00 : f32
    %broadcast_in_dim3A_212 = vector.broadcast %reduce_sum3A_111 : f32 to vector<1x128xf32>
    %broadcast_in_dim3A_213 = vector.broadcast %jit3A_211 : f32 to vector<1x128xf32>
    %select_n3A_214 = arith.select %eq3A_210, %broadcast_in_dim3A_212, %broadcast_in_dim3A_213 : vector<1x128xi1>, vector<1x128xf32>
    %add3A_215 = arith.addf %add3A_207, %select_n3A_214 : vector<1x128xf32>
    %eq3A_216 = arith.constant 3 : i32
    %eq3A_217 = vector.broadcast %eq3A_216 : i32 to vector<1x128xi32>
    %eq3A_218 = arith.cmpi eq, %iota3A_189, %eq3A_217 : vector<1x128xi32>
    %jit3A_219 = arith.constant 0.000000e+00 : f32
    %broadcast_in_dim3A_220 = vector.broadcast %reduce_sum3A_122 : f32 to vector<1x128xf32>
    %broadcast_in_dim3A_221 = vector.broadcast %jit3A_219 : f32 to vector<1x128xf32>
    %select_n3A_222 = arith.select %eq3A_218, %broadcast_in_dim3A_220, %broadcast_in_dim3A_221 : vector<1x128xi1>, vector<1x128xf32>
    %add3A_223 = arith.addf %add3A_215, %select_n3A_222 : vector<1x128xf32>
    %eq3A_224 = arith.constant 4 : i32
    %eq3A_225 = vector.broadcast %eq3A_224 : i32 to vector<1x128xi32>
    %eq3A_226 = arith.cmpi eq, %iota3A_189, %eq3A_225 : vector<1x128xi32>
    %jit3A_227 = arith.constant 0.000000e+00 : f32
    %broadcast_in_dim3A_228 = vector.broadcast %reduce_sum3A_133 : f32 to vector<1x128xf32>
    %broadcast_in_dim3A_229 = vector.broadcast %jit3A_227 : f32 to vector<1x128xf32>
    %select_n3A_230 = arith.select %eq3A_226, %broadcast_in_dim3A_228, %broadcast_in_dim3A_229 : vector<1x128xi1>, vector<1x128xf32>
    %add3A_231 = arith.addf %add3A_223, %select_n3A_230 : vector<1x128xf32>
    %eq3A_232 = arith.constant 5 : i32
    %eq3A_233 = vector.broadcast %eq3A_232 : i32 to vector<1x128xi32>
    %eq3A_234 = arith.cmpi eq, %iota3A_189, %eq3A_233 : vector<1x128xi32>
    %jit3A_235 = arith.constant 0.000000e+00 : f32
    %broadcast_in_dim3A_236 = vector.broadcast %reduce_sum3A_144 : f32 to vector<1x128xf32>
    %broadcast_in_dim3A_237 = vector.broadcast %jit3A_235 : f32 to vector<1x128xf32>
    %select_n3A_238 = arith.select %eq3A_234, %broadcast_in_dim3A_236, %broadcast_in_dim3A_237 : vector<1x128xi1>, vector<1x128xf32>
    %add3A_239 = arith.addf %add3A_231, %select_n3A_238 : vector<1x128xf32>
    %eq3A_240 = arith.constant 6 : i32
    %eq3A_241 = vector.broadcast %eq3A_240 : i32 to vector<1x128xi32>
    %eq3A_242 = arith.cmpi eq, %iota3A_189, %eq3A_241 : vector<1x128xi32>
    %jit3A_243 = arith.constant 0.000000e+00 : f32
    %broadcast_in_dim3A_244 = vector.broadcast %reduce_sum3A_155 : f32 to vector<1x128xf32>
    %broadcast_in_dim3A_245 = vector.broadcast %jit3A_243 : f32 to vector<1x128xf32>
    %select_n3A_246 = arith.select %eq3A_242, %broadcast_in_dim3A_244, %broadcast_in_dim3A_245 : vector<1x128xi1>, vector<1x128xf32>
    %add3A_247 = arith.addf %add3A_239, %select_n3A_246 : vector<1x128xf32>
    %eq3A_248 = arith.constant 7 : i32
    %eq3A_249 = vector.broadcast %eq3A_248 : i32 to vector<1x128xi32>
    %eq3A_250 = arith.cmpi eq, %iota3A_189, %eq3A_249 : vector<1x128xi32>
    %jit3A_251 = arith.constant 0.000000e+00 : f32
    %broadcast_in_dim3A_252 = vector.broadcast %reduce_sum3A_166 : f32 to vector<1x128xf32>
    %broadcast_in_dim3A_253 = vector.broadcast %jit3A_251 : f32 to vector<1x128xf32>
    %select_n3A_254 = arith.select %eq3A_250, %broadcast_in_dim3A_252, %broadcast_in_dim3A_253 : vector<1x128xi1>, vector<1x128xf32>
    %add3A_255 = arith.addf %add3A_247, %select_n3A_254 : vector<1x128xf32>
    %eq3A_256 = arith.constant 8 : i32
    %eq3A_257 = vector.broadcast %eq3A_256 : i32 to vector<1x128xi32>
    %eq3A_258 = arith.cmpi eq, %iota3A_189, %eq3A_257 : vector<1x128xi32>
    %jit3A_259 = arith.constant 0.000000e+00 : f32
    %broadcast_in_dim3A_260 = vector.broadcast %reduce_sum3A_177 : f32 to vector<1x128xf32>
    %broadcast_in_dim3A_261 = vector.broadcast %jit3A_259 : f32 to vector<1x128xf32>
    %select_n3A_262 = arith.select %eq3A_258, %broadcast_in_dim3A_260, %broadcast_in_dim3A_261 : vector<1x128xi1>, vector<1x128xf32>
    %add3A_263 = arith.addf %add3A_255, %select_n3A_262 : vector<1x128xf32>
    %eq3A_264 = arith.constant 9 : i32
    %eq3A_265 = vector.broadcast %eq3A_264 : i32 to vector<1x128xi32>
    %eq3A_266 = arith.cmpi eq, %iota3A_189, %eq3A_265 : vector<1x128xi32>
    %jit3A_267 = arith.constant 0.000000e+00 : f32
    %broadcast_in_dim3A_268 = vector.broadcast %reduce_sum3A_188 : f32 to vector<1x128xf32>
    %broadcast_in_dim3A_269 = vector.broadcast %jit3A_267 : f32 to vector<1x128xf32>
    %select_n3A_270 = arith.select %eq3A_266, %broadcast_in_dim3A_268, %broadcast_in_dim3A_269 : vector<1x128xi1>, vector<1x128xf32>
    %add3A_271 = arith.addf %add3A_263, %select_n3A_270 : vector<1x128xf32>
    %get3A_272 = arith.constant 0 : index
    %get3A_273 = arith.constant 0 : index
    %get3A_274 = vector.load %arg7[%get3A_272, %get3A_273] : memref<1x128xf32, #tpu.memory_space<vmem>>, vector<1x128xf32>
    %add3A_275 = arith.addf %get3A_274, %add3A_271 : vector<1x128xf32>
    %swap3A = arith.constant 0 : index
    %swap3A_276 = arith.constant 0 : index
    %swap3A_277 = vector.load %arg7[%swap3A, %swap3A_276] : memref<1x128xf32, #tpu.memory_space<vmem>>, vector<1x128xf32>
    tpu.vector_store %arg7[%swap3A, %swap3A_276], %add3A_275 {strides = array<i32>} : memref<1x128xf32, #tpu.memory_space<vmem>>, vector<1x128xf32>,
    return
  }
  func.func @transform_0(%arg0: i32) -> (i32, i32) {
    %c0_i32 = arith.constant 0 : i32
    %c0_i32_0 = arith.constant 0 : i32
    return %arg0, %c0_i32 : i32, i32
  }
  func.func @transform_1(%arg0: i32) -> (i32, i32) {
    %c0_i32 = arith.constant 0 : i32
    %c0_i32_0 = arith.constant 0 : i32
    return %arg0, %c0_i32 : i32, i32
  }
  func.func @transform_2(%arg0: i32) -> (i32, i32) {
    %c0_i32 = arith.constant 0 : i32
    %c0_i32_0 = arith.constant 0 : i32
    return %arg0, %c0_i32 : i32, i32
  }
  func.func @transform_3(%arg0: i32) -> (i32, i32) {
    %c0_i32 = arith.constant 0 : i32
    %c0_i32_0 = arith.constant 0 : i32
    %c0_i32_1 = arith.constant 0 : i32
    return %c0_i32, %c0_i32_0 : i32, i32
  }
  func.func @transform_4(%arg0: i32) -> (i32, i32) {
    %c0_i32 = arith.constant 0 : i32
    %c0_i32_0 = arith.constant 0 : i32
    %c0_i32_1 = arith.constant 0 : i32
    return %c0_i32, %c0_i32_0 : i32, i32
  }
  func.func @transform_5(%arg0: i32) -> (i32, i32) {
    %c0_i32 = arith.constant 0 : i32
    %c0_i32_0 = arith.constant 0 : i32
    %c0_i32_1 = arith.constant 0 : i32
    return %c0_i32, %c0_i32_0 : i32, i32
  }
  func.func @transform_6(%arg0: i32) -> (i32, i32) {
    %c0_i32 = arith.constant 0 : i32
    %c0_i32_0 = arith.constant 0 : i32
    %c0_i32_1 = arith.constant 0 : i32
    return %c0_i32, %c0_i32_0 : i32, i32
  }
}

module attributes {stable_mosaic.version = 14 : i64} {
  func.func @body(%arg0: i32, %arg1: memref<2000x128xf32, #tpu.memory_space<vmem>>, %arg2: memref<2000x128xf32, #tpu.memory_space<vmem>>, %arg3: memref<2000x128xf32, #tpu.memory_space<vmem>>, %arg4: memref<128x512xbf16, #tpu.memory_space<vmem>>, %arg5: memref<128x512xbf16, #tpu.memory_space<vmem>>, %arg6: memref<128x512xbf16, #tpu.memory_space<vmem>>, %arg7: memref<8x512xf32, #tpu.memory_space<vmem>>, %arg8: memref<2000x1xf32, #tpu.memory_space<vmem>>) attributes {dimension_semantics = [#tpu.dimension_semantics<arbitrary>], iteration_bounds = array<i64: 80>, scalar_prefetch = 0 : i64, scratch_operands = 0 : i64, tpu.core_type = #tpu.core_type<tc>, window_params = [{transform_indices = @transform_0, window_bounds = array<i64: 2000, 128>}, {transform_indices = @transform_1, window_bounds = array<i64: 2000, 128>}, {transform_indices = @transform_2, window_bounds = array<i64: 2000, 128>}, {pipeline_mode = #tpu.pipeline_mode<synchronous>, transform_indices = @transform_3, window_bounds = array<i64: 128, 512>}, {pipeline_mode = #tpu.pipeline_mode<synchronous>, transform_indices = @transform_4, window_bounds = array<i64: 128, 512>}, {pipeline_mode = #tpu.pipeline_mode<synchronous>, transform_indices = @transform_5, window_bounds = array<i64: 128, 512>}, {pipeline_mode = #tpu.pipeline_mode<synchronous>, transform_indices = @transform_6, window_bounds = array<i64: 8, 512>}, {transform_indices = @transform_7, window_bounds = array<i64: 2000, 1>}]} {
    %get3A = arith.constant 0 : index
    %get3A_0 = arith.constant 0 : index
    %get3A_1 = vector.load %arg1[%get3A, %get3A_0] : memref<2000x128xf32, #tpu.memory_space<vmem>>, vector<2000x128xf32>
    %convert_element_type3A = arith.truncf %get3A_1 : vector<2000x128xf32> to vector<2000x128xbf16>
    %get3A_2 = arith.constant 0 : index
    %get3A_3 = arith.constant 0 : index
    %get3A_4 = vector.load %arg2[%get3A_2, %get3A_3] : memref<2000x128xf32, #tpu.memory_space<vmem>>, vector<2000x128xf32>
    %convert_element_type3A_5 = arith.truncf %get3A_4 : vector<2000x128xf32> to vector<2000x128xbf16>
    %get3A_6 = arith.constant 0 : index
    %get3A_7 = arith.constant 0 : index
    %get3A_8 = vector.load %arg3[%get3A_6, %get3A_7] : memref<2000x128xf32, #tpu.memory_space<vmem>>, vector<2000x128xf32>
    %convert_element_type3A_9 = arith.truncf %get3A_8 : vector<2000x128xf32> to vector<2000x128xbf16>
    %get3A_10 = arith.constant 0 : index
    %get3A_11 = arith.constant 0 : index
    %get3A_12 = vector.load %arg4[%get3A_10, %get3A_11] : memref<128x512xbf16, #tpu.memory_space<vmem>>, vector<128x512xbf16>
    %dot_general3A = arith.constant dense<0.000000e+00> : vector<2000x512xf32>
    %dot_general3A_13 = tpu.matmul %convert_element_type3A, %get3A_12, %dot_general3A {dimension_numbers = #tpu.dot_dimension_numbers<[1], [0], [0], [1], [0, 0, 1, 1], [], []>, transpose_lhs_hint = false} : vector<2000x128xbf16>, vector<128x512xbf16>, vector<2000x512xf32> -> vector<2000x512xf32>
    %get3A_14 = arith.constant 0 : index
    %get3A_15 = arith.constant 0 : index
    %get3A_16 = vector.load %arg5[%get3A_14, %get3A_15] : memref<128x512xbf16, #tpu.memory_space<vmem>>, vector<128x512xbf16>
    %dot_general3A_17 = arith.constant dense<0.000000e+00> : vector<2000x512xf32>
    %dot_general3A_18 = tpu.matmul %convert_element_type3A_5, %get3A_16, %dot_general3A_17 {dimension_numbers = #tpu.dot_dimension_numbers<[1], [0], [0], [1], [0, 0, 1, 1], [], []>, transpose_lhs_hint = false} : vector<2000x128xbf16>, vector<128x512xbf16>, vector<2000x512xf32> -> vector<2000x512xf32>
    %add3A = arith.addf %dot_general3A_13, %dot_general3A_18 : vector<2000x512xf32>
    %get3A_19 = arith.constant 0 : index
    %get3A_20 = arith.constant 0 : index
    %get3A_21 = vector.load %arg6[%get3A_19, %get3A_20] : memref<128x512xbf16, #tpu.memory_space<vmem>>, vector<128x512xbf16>
    %dot_general3A_22 = arith.constant dense<0.000000e+00> : vector<2000x512xf32>
    %dot_general3A_23 = tpu.matmul %convert_element_type3A_9, %get3A_21, %dot_general3A_22 {dimension_numbers = #tpu.dot_dimension_numbers<[1], [0], [0], [1], [0, 0, 1, 1], [], []>, transpose_lhs_hint = false} : vector<2000x128xbf16>, vector<128x512xbf16>, vector<2000x512xf32> -> vector<2000x512xf32>
    %add3A_24 = arith.addf %add3A, %dot_general3A_23 : vector<2000x512xf32>
    %get3A_25 = arith.constant 0 : index
    %get3A_26 = arith.constant 0 : index
    %get3A_27 = vector.load %arg7[%get3A_25, %get3A_26] : memref<8x512xf32, #tpu.memory_space<vmem>>, vector<1x512xf32>
    %mul3A = vector.broadcast %get3A_27 : vector<1x512xf32> to vector<2000x512xf32>
    %mul3A_28 = arith.mulf %add3A_24, %mul3A : vector<2000x512xf32>
    %get3A_29 = arith.constant 1 : index
    %get3A_30 = arith.constant 0 : index
    %get3A_31 = vector.load %arg7[%get3A_29, %get3A_30] : memref<8x512xf32, #tpu.memory_space<vmem>>, vector<1x512xf32>
    %add3A_32 = vector.broadcast %get3A_31 : vector<1x512xf32> to vector<2000x512xf32>
    %add3A_33 = arith.addf %mul3A_28, %add3A_32 : vector<2000x512xf32>
    %max3A = arith.constant 0.000000e+00 : f32
    %max3A_34 = vector.broadcast %max3A : f32 to vector<2000x512xf32>
    %max3A_35 = arith.maximumf %add3A_33, %max3A_34 : vector<2000x512xf32>
    %get3A_36 = arith.constant 2 : index
    %get3A_37 = arith.constant 0 : index
    %get3A_38 = vector.load %arg7[%get3A_36, %get3A_37] : memref<8x512xf32, #tpu.memory_space<vmem>>, vector<1x512xf32>
    %mul3A_39 = vector.broadcast %get3A_38 : vector<1x512xf32> to vector<2000x512xf32>
    %mul3A_40 = arith.mulf %max3A_35, %mul3A_39 : vector<2000x512xf32>
    %reduce_sum3A = arith.constant dense<0.000000e+00> : vector<2000xf32>
    %reduce_sum3A_41 = vector.multi_reduction <add>, %mul3A_40, %reduce_sum3A [1] : vector<2000x512xf32> to vector<2000xf32>
    %broadcast_in_dim3A = vector.shape_cast %reduce_sum3A_41 : vector<2000xf32> to vector<2000x1xf32>
    %ge3A = arith.constant 0.000000e+00 : f32
    %ge3A_42 = vector.broadcast %ge3A : f32 to vector<2000x1xf32>
    %ge3A_43 = arith.cmpf oge, %broadcast_in_dim3A, %ge3A_42 : vector<2000x1xf32>
    %mul3A_44 = arith.constant 0.00999999977 : f32
    %mul3A_45 = vector.broadcast %mul3A_44 : f32 to vector<2000x1xf32>
    %mul3A_46 = arith.mulf %mul3A_45, %broadcast_in_dim3A : vector<2000x1xf32>
    %select_n3A = arith.select %ge3A_43, %broadcast_in_dim3A, %mul3A_46 : vector<2000x1xi1>, vector<2000x1xf32>
    %exp3A = math.exp %select_n3A : vector<2000x1xf32>
    %swap3A = arith.constant 0 : index
    %swap3A_47 = arith.constant 0 : index
    %swap3A_48 = vector.load %arg8[%swap3A, %swap3A_47] : memref<2000x1xf32, #tpu.memory_space<vmem>>, vector<2000x1xf32>
    tpu.vector_store %arg8[%swap3A, %swap3A_47], %exp3A {strides = array<i32>} : memref<2000x1xf32, #tpu.memory_space<vmem>>, vector<2000x1xf32>,
    return
  }
  func.func @transform_0(%arg0: i32) -> (i32, i32) {
    %c0_i32 = arith.constant 0 : i32
    %c0_i32_0 = arith.constant 0 : i32
    return %arg0, %c0_i32 : i32, i32
  }
  func.func @transform_1(%arg0: i32) -> (i32, i32) {
    %c0_i32 = arith.constant 0 : i32
    %c0_i32_0 = arith.constant 0 : i32
    return %arg0, %c0_i32 : i32, i32
  }
  func.func @transform_2(%arg0: i32) -> (i32, i32) {
    %c0_i32 = arith.constant 0 : i32
    %c0_i32_0 = arith.constant 0 : i32
    return %arg0, %c0_i32 : i32, i32
  }
  func.func @transform_3(%arg0: i32) -> (i32, i32) {
    %c0_i32 = arith.constant 0 : i32
    %c0_i32_0 = arith.constant 0 : i32
    %c0_i32_1 = arith.constant 0 : i32
    return %c0_i32, %c0_i32_0 : i32, i32
  }
  func.func @transform_4(%arg0: i32) -> (i32, i32) {
    %c0_i32 = arith.constant 0 : i32
    %c0_i32_0 = arith.constant 0 : i32
    %c0_i32_1 = arith.constant 0 : i32
    return %c0_i32, %c0_i32_0 : i32, i32
  }
  func.func @transform_5(%arg0: i32) -> (i32, i32) {
    %c0_i32 = arith.constant 0 : i32
    %c0_i32_0 = arith.constant 0 : i32
    %c0_i32_1 = arith.constant 0 : i32
    return %c0_i32, %c0_i32_0 : i32, i32
  }
  func.func @transform_6(%arg0: i32) -> (i32, i32) {
    %c0_i32 = arith.constant 0 : i32
    %c0_i32_0 = arith.constant 0 : i32
    %c0_i32_1 = arith.constant 0 : i32
    return %c0_i32, %c0_i32_0 : i32, i32
  }
  func.func @transform_7(%arg0: i32) -> (i32, i32) {
    %c0_i32 = arith.constant 0 : i32
    %c0_i32_0 = arith.constant 0 : i32
    return %arg0, %c0_i32 : i32, i32
  }
}

module attributes {stable_mosaic.version = 14 : i64} {
  func.func @body(%arg0: i32, %arg1: memref<2000x128xf32, #tpu.memory_space<vmem>>, %arg2: memref<2x2000x128xf32, #tpu.memory_space<vmem>>, %arg3: memref<2x2000x1xf32, #tpu.memory_space<vmem>>, %arg4: memref<2000x128xf32, #tpu.memory_space<vmem>>) attributes {dimension_semantics = [#tpu.dimension_semantics<arbitrary>], iteration_bounds = array<i64: 5>, scalar_prefetch = 0 : i64, scratch_operands = 0 : i64, tpu.core_type = #tpu.core_type<tc>, window_params = [{transform_indices = @transform_0, window_bounds = array<i64: 2000, 128>}, {transform_indices = @transform_1, window_bounds = array<i64: 2, 2000, 128>}, {transform_indices = @transform_2, window_bounds = array<i64: 2, 2000, 1>}, {transform_indices = @transform_3, window_bounds = array<i64: 2000, 128>}]} {
    %get3A = arith.constant 0 : index
    %get3A_0 = arith.constant 0 : index
    %get3A_1 = arith.constant 0 : index
    %get3A_2 = vector.load %arg2[%get3A, %get3A_0, %get3A_1] : memref<2x2000x128xf32, #tpu.memory_space<vmem>>, vector<1x2000x128xf32>
    %get3A_3 = vector.shape_cast %get3A_2 : vector<1x2000x128xf32> to vector<2000x128xf32>
    %get3A_4 = arith.constant 1 : index
    %get3A_5 = arith.constant 0 : index
    %get3A_6 = arith.constant 0 : index
    %get3A_7 = vector.load %arg2[%get3A_4, %get3A_5, %get3A_6] : memref<2x2000x128xf32, #tpu.memory_space<vmem>>, vector<1x2000x128xf32>
    %get3A_8 = vector.shape_cast %get3A_7 : vector<1x2000x128xf32> to vector<2000x128xf32>
    %add3A = arith.addf %get3A_3, %get3A_8 : vector<2000x128xf32>
    %get3A_9 = arith.constant 0 : index
    %get3A_10 = arith.constant 0 : index
    %get3A_11 = arith.constant 0 : index
    %get3A_12 = vector.load %arg3[%get3A_9, %get3A_10, %get3A_11] : memref<2x2000x1xf32, #tpu.memory_space<vmem>>, vector<1x2000x1xf32>
    %get3A_13 = vector.shape_cast %get3A_12 : vector<1x2000x1xf32> to vector<2000x1xf32>
    %get3A_14 = arith.constant 1 : index
    %get3A_15 = arith.constant 0 : index
    %get3A_16 = arith.constant 0 : index
    %get3A_17 = vector.load %arg3[%get3A_14, %get3A_15, %get3A_16] : memref<2x2000x1xf32, #tpu.memory_space<vmem>>, vector<1x2000x1xf32>
    %get3A_18 = vector.shape_cast %get3A_17 : vector<1x2000x1xf32> to vector<2000x1xf32>
    %add3A_19 = arith.addf %get3A_13, %get3A_18 : vector<2000x1xf32>
    %gt3A = arith.constant 0.000000e+00 : f32
    %gt3A_20 = vector.broadcast %gt3A : f32 to vector<2000x1xf32>
    %gt3A_21 = arith.cmpf ogt, %add3A_19, %gt3A_20 : vector<2000x1xf32>
    %div3A = vector.broadcast %add3A_19 : vector<2000x1xf32> to vector<2000x128xf32>
    %div3A_22 = arith.divf %add3A, %div3A : vector<2000x128xf32>
    %jit3A = arith.constant 0.000000e+00 : f32
    %broadcast_in_dim3A = vector.shape_cast %gt3A_21 : vector<2000x1xi1> to vector<2000x1xi1>
    %broadcast_in_dim3A_23 = vector.broadcast %broadcast_in_dim3A : vector<2000x1xi1> to vector<2000x128xi1>
    %broadcast_in_dim3A_24 = vector.broadcast %jit3A : f32 to vector<2000x128xf32>
    %select_n3A = arith.select %broadcast_in_dim3A_23, %div3A_22, %broadcast_in_dim3A_24 : vector<2000x128xi1>, vector<2000x128xf32>
    %get3A_25 = arith.constant 0 : index
    %get3A_26 = arith.constant 0 : index
    %get3A_27 = vector.load %arg1[%get3A_25, %get3A_26] : memref<2000x128xf32, #tpu.memory_space<vmem>>, vector<2000x128xf32>
    %add3A_28 = arith.addf %get3A_27, %select_n3A : vector<2000x128xf32>
    %gt3A_29 = arith.constant 0.000000e+00 : f32
    %gt3A_30 = vector.broadcast %gt3A_29 : f32 to vector<2000x128xf32>
    %gt3A_31 = arith.cmpf ogt, %add3A_28, %gt3A_30 : vector<2000x128xf32>
    %exp3A = math.exp %add3A_28 : vector<2000x128xf32>
    %sub3A = arith.constant 1.000000e+00 : f32
    %sub3A_32 = vector.broadcast %sub3A : f32 to vector<2000x128xf32>
    %sub3A_33 = arith.subf %exp3A, %sub3A_32 : vector<2000x128xf32>
    %select_n3A_34 = arith.select %gt3A_31, %add3A_28, %sub3A_33 : vector<2000x128xi1>, vector<2000x128xf32>
    %swap3A = arith.constant 0 : index
    %swap3A_35 = arith.constant 0 : index
    %swap3A_36 = vector.load %arg4[%swap3A, %swap3A_35] : memref<2000x128xf32, #tpu.memory_space<vmem>>, vector<2000x128xf32>
    tpu.vector_store %arg4[%swap3A, %swap3A_35], %select_n3A_34 {strides = array<i32>} : memref<2000x128xf32, #tpu.memory_space<vmem>>, vector<2000x128xf32>,
    return
  }
  func.func @transform_0(%arg0: i32) -> (i32, i32) {
    %c0_i32 = arith.constant 0 : i32
    %c0_i32_0 = arith.constant 0 : i32
    return %arg0, %c0_i32 : i32, i32
  }
  func.func @transform_1(%arg0: i32) -> (i32, i32, i32) {
    %c0_i32 = arith.constant 0 : i32
    %c0_i32_0 = arith.constant 0 : i32
    %c0_i32_1 = arith.constant 0 : i32
    return %c0_i32, %arg0, %c0_i32_0 : i32, i32, i32
  }
  func.func @transform_2(%arg0: i32) -> (i32, i32, i32) {
    %c0_i32 = arith.constant 0 : i32
    %c0_i32_0 = arith.constant 0 : i32
    %c0_i32_1 = arith.constant 0 : i32
    return %c0_i32, %arg0, %c0_i32_0 : i32, i32, i32
  }
  func.func @transform_3(%arg0: i32) -> (i32, i32) {
    %c0_i32 = arith.constant 0 : i32
    %c0_i32_0 = arith.constant 0 : i32
    return %arg0, %c0_i32 : i32, i32
  }
}

</mosaic_0001>

<sc_bundles>
// kernel: kernel.11.cloned.1.call-start
scs
__scs_entry_jumppad:
0x0: {  	(pc) =	sbr.rel $0x88, $3  }
0x1: {  	(tag) =	ssettag $0x0;
	lr =	simm.s32 $0x1  }
0x2: {  	[smem:$0x3F98] =	sst lr;
	_ =	strace $0xD0000000  }
0x3: {  	_ = 	snop  }
0x4: {  	_ = 	snop  }
0x5: {  	_ = 	snop  }
0x6: {  	_ = 	snop  }
0x7: {  	_ = 	snop  }
__scs_overlays_trampoline_lowered:
0x8: {  	[smem:$0x3FA7] =	sst s0  }
0x9: {  	[smem:$0x3FA8] =	sst s1  }
0xa: {  	[smem:$0x3FA9] =	sst s2  }
0xb: {  	[smem:$0x3FAA] =	sst s3  }
0xc: {  	[smem:$0x3FAB] =	sst s4  }
0xd: {  	[smem:$0x3FAC] =	sst s5  }
0xe: {  	[smem:$0x3FAD] =	sst s6  }
0xf: {  	[smem:$0x3FAE] =	sst s7  }
0x10: {  	[smem:$0x3FAF] =	sst s8  }
0x11: {  	[smem:$0x3FB0] =	sst s9;
	s0 =	simm.s32 @!p0 $0x0  }
0x12: {  	s1 =	sld [smem:$0x3F96];
	s0 =	simm.s32 @p0 $0x1  }
0x13: {  	[smem:$0x3FB1] =	sst s0;
	s0 =	simm.s32 @!p1 $0x0  }
0x14: {  	s2 =	sld [smem:$0x3F95];
	s0 =	simm.s32 @p1 $0x1  }
0x15: {  	[smem:$0x3FB2] =	sst s0;
	s0 =	simm.s32 @!p2 $0x0  }
0x16: {  	s3 =	sld [smem:$0x3FDB];
	s0 =	simm.s32 @p2 $0x1  }
0x17: {  	s4 =	simm.s32 $0x1BF5;
	[smem:$0x3FB4] =	sst s0  }
0x18: {  	s0 =	sld [smem:$0x3F97];
	_ =	swait.ge [sflag:s4], $0x0  }
0x19: {  	s7 =	sld [smem:$0x3F98]  }
0x1a: {  	s8 =	sadd.s32 $0xFFFFE003, lr  }
0x1b: {  	s9 =	sadd.s32 $0xFFFFFEF7, lr;
	s5 =	simm.s32 $0xFFFFFFFF;
	p2 =	slt.u32 s8, $0xFFFFF086  }
0x1c: {  	p1 =	slt.u32 s9, $0xF7A;
	s5 =	simm.s32 @!p2 $0x0  }
0x1d: {  	s5 =	simm.s32 @p1 $0x1;
	p0 =	seq.s32 s7, s2  }
0x1e: {  	s7 =	smul.u32 @!p0 $0xF7A, s2;
	p2 =	seq.s32 @!p0 s5, $0x0  }
0x1f: {  	s9 =	smul.u32 $0xF7A, s1;
	s8 =	simm.s32 @!p0 $0x1BF5;
	p2 =	por !p2, p0  }
0x20: {  	[sflag:s8] =	ssyncset.s32 @!p0 $0xFFFFF086;
	s6 =	sadd.s32 @!p0 s3, s7;
	s7 =	simm.s32 @!p0 $0x108  }
0x21: {  	s3 =	sadd.s32 s3, s9;
	s6 =	sadd.s32 @!p0 $0x88, s6;
	s7 =	simm.s32 @p2 $0x1082  }
0x22: {  	[simem:s7], [sflag:s8] =	dma.local @!p0 [hbm:s6], $0xF7A  }
0x23: {  	s9 =	sor.u32 $0xD0000000, s2;
	s6 =	simm.s32 $0x108;
	_ =	swait.ge @!p0 [sflag:s8], $0x0  }
0x24: {  	s3 =	sadd.s32 $0x88, s3;
	s6 =	simm.s32 @!p1 $0x1082;
	[sflag:s4] =	ssyncset.s32 $0xFFFFF086  }
0x25: {  	[simem:s6], [sflag:s4] =	dma.local [hbm:s3], $0xF7A  }
0x26: {  	[smem:$0x3F98] =	sst s1;
	(tag) =	ssettag s2;
	_ =	strace s9  }
0x27: {  	s1 =	sld [smem:$0x3FA8]  }
0x28: {  	s2 =	sld [smem:$0x3FA9]  }
0x29: {  	s4 =	sld [smem:$0x3FAB]  }
0x2a: {  	p0 =	seq.s32 s5, $0x0;
	s5 =	sld [smem:$0x3FAC]  }
0x2b: {  	s6 =	sld [smem:$0x3FAD]  }
0x2c: {  	s7 =	sld [smem:$0x3FAE]  }
0x2d: {  	s3 =	simm.s32 $0x108;
	s8 =	sld [smem:$0x3FAF]  }
0x2e: {  	s3 =	simm.s32 @!p0 $0x1082;
	s9 =	sld [smem:$0x3FB0]  }
0x2f: {  	lr =	sadd.s32 s0, s3;
	s0 =	sld [smem:$0x3FA7]  }
0x30: {  	s3 =	sld [smem:$0x3FAA]  }
0x31: {  	[smem:$0x3FB3] =	sst s10  }
0x32: {  	s10 =	sld [smem:$0x3FB1];
	_ =	sdelay $0x3  }
0x33: {  	p0 =	seq.s32 s10, $0x1;
	s10 =	sld [smem:$0x3FB3];
	_ =	sdelay $0x3  }
0x34: {  	[smem:$0x3FB3] =	sst s10  }
0x35: {  	s10 =	sld [smem:$0x3FB2];
	_ =	sdelay $0x3  }
0x36: {  	p1 =	seq.s32 s10, $0x1;
	s10 =	sld [smem:$0x3FB3];
	_ =	sdelay $0x3  }
0x37: {  	[smem:$0x3FB3] =	sst s10  }
0x38: {  	s10 =	sld [smem:$0x3FB4]  }
0x39: {  	_ = 	snop;
	(pc) =	sbr.ind lr, $3  }
0x3a: {  	_ = 	snop  }
0x3b: {  	_ = 	snop  }
0x3c: {  	p2 =	seq.s32 s10, $0x1;
	s10 =	sld [smem:$0x3FB3]  }
0x3d: {  	_ =	shalt  }
0x3e: {  	_ =	shalt  }
0x3f: {  	_ =	shalt  }
0x40: {  	_ =	shalt  }
0x41: {  	_ =	shalt  }
0x42: {  	_ =	shalt  }
0x43: {  	_ =	shalt  }
0x44: {  	_ =	shalt  }
0x45: {  	_ =	shalt  }
0x46: {  	_ =	shalt  }
0x47: {  	_ =	shalt  }
0x48: {  	_ =	shalt  }
0x49: {  	_ =	shalt  }
0x4a: {  	_ =	shalt  }
0x4b: {  	_ =	shalt  }
0x4c: {  	_ =	shalt  }
0x4d: {  	_ =	shalt  }
0x4e: {  	_ =	shalt  }
0x4f: {  	_ =	shalt  }
0x50: {  	_ =	shalt  }
0x51: {  	_ =	shalt  }
0x52: {  	_ =	shalt  }
0x53: {  	_ =	shalt  }
0x54: {  	_ =	shalt  }
0x55: {  	_ =	shalt  }
0x56: {  	_ =	shalt  }
0x57: {  	_ =	shalt  }
0x58: {  	_ =	shalt  }
0x59: {  	_ =	shalt  }
0x5a: {  	_ =	shalt  }
0x5b: {  	_ =	shalt  }
0x5c: {  	_ =	shalt  }
0x5d: {  	_ =	shalt  }
0x5e: {  	_ =	shalt  }
0x5f: {  	_ =	shalt  }
0x60: {  	_ =	shalt  }
0x61: {  	_ =	shalt  }
0x62: {  	_ =	shalt  }
0x63: {  	_ =	shalt  }
0x64: {  	_ =	shalt  }
0x65: {  	_ =	shalt  }
0x66: {  	_ =	shalt  }
0x67: {  	_ =	shalt  }
0x68: {  	_ =	shalt  }
0x69: {  	_ =	shalt  }
0x6a: {  	_ =	shalt  }
0x6b: {  	_ =	shalt  }
0x6c: {  	_ =	shalt  }
0x6d: {  	_ =	shalt  }
0x6e: {  	_ =	shalt  }
0x6f: {  	_ =	shalt  }
0x70: {  	_ =	shalt  }
0x71: {  	_ =	shalt  }
0x72: {  	_ =	shalt  }
0x73: {  	_ =	shalt  }
0x74: {  	_ =	shalt  }
0x75: {  	_ =	shalt  }
0x76: {  	_ =	shalt  }
0x77: {  	_ =	shalt  }
0x78: {  	_ =	shalt  }
0x79: {  	_ =	shalt  }
0x7a: {  	_ =	shalt  }
0x7b: {  	_ =	shalt  }
0x7c: {  	_ =	shalt  }
0x7d: {  	_ =	shalt  }
0x7e: {  	_ =	shalt  }
0x7f: {  	_ =	shalt  }
0x80: {  	_ =	shalt  }
0x81: {  	_ =	shalt  }
0x82: {  	_ =	shalt  }
0x83: {  	_ =	shalt  }
0x84: {  	_ =	shalt  }
0x85: {  	_ =	shalt  }
0x86: {  	_ =	shalt  }
0x87: {  	_ =	shalt  }
.Lfunc_end0:
.L_simem_size_0:
called_computation.1_lowered:
.L_overlay_start_0:
0x88: {  	s2 =	sld [smem:$0x3FD9]  }
0x89: {  	s3 =	sld [smem:$0x3FFE];
	_ =	sdelay $0x1  }
0x8a: {  	s1 =	srdreg.scid  }
0x8b: {  	s0 =	sand.u32 $0x1, s1  }
0x8c: {  	s17 =	sshll.u32 s0, $0xA;
	s2 =	sadd.s32 s3, s2  }
0x8d: {  	s2 =	sadd.s32 s2, s17  }
0x8e: {  	[smem:$0x3FBF] =	sst s2  }
0x8f: {  	_ = 	snop  }
0x90: {  	s2 =	sld [smem:$0x3FD0];
	(tm) =	ssettm $0x1  }
0x91: {  	s18 =	sld [smem:$0x3FFB];
	_ =	sdelay $0x3  }
0x92: {  	_ =	strace s18  }
0x93: {  	s3 =	sld [smem:$0x3FFC];
	_ =	sdelay $0x3  }
0x94: {  	_ =	strace s3  }
0x95: {  	s3 =	sld [smem:$0x3FFD];
	_ =	sdelay $0x3  }
0x96: {  	_ =	strace s3  }
0x97: {  	_ =	strace $0x8FFFFFFF  }
0x98: {  	s19 =	sld [smem:$0x3FDB];
	_ =	sdelay $0x1  }
0x99: {  	s4 =	simm.s32 $_scs_section_size  }
0x9a: {  	s5 =	simm.s32 $_size__tile_overlayer_lowered;
	s6 =	simm.s32 $_tile_overlayer_lowered  }
0x9b: {  	s22 =	simm.s32 $0x1BFF;
	s21 =	sshll.u32 s6, $0x1;
	s3 =	sadd.s32 s4, s19  }
0x9c: {  	s7 =	simm.s32 $0x0;
	s20 =	sshll.u32 s5, $0x1;
	s5 =	sadd.s32 s21, s3  }
0x9d: {  	[timem:s7], [sflag:s22] =	dma.local [hbm:s5], s20  }
0x9e: {  	_ =	swait.ge [sflag:s22], s20  }
0x9f: {  	s4 =	ssub.s32 $0x0, s20;
	[sflag:s22] =	ssyncset.done $0x0  }
0xa0: {  	[sflag:s22] =	ssyncadd.s32 s4;
	_ =	sdelay $0x1  }
0xa1: {  	s23 =	simm.s32 $0x1B8B  }
0xa2: {  	_ =	swait.ge [sflag:s23], $0x1  }
0xa3: {  	[sflag:s23] =	ssyncset.done $0x0  }
0xa4: {  	s25 =	simm.s32 $0x1B8E;
	s24 =	sld [smem:$0x3FFE];
	[sflag:s23] =	ssyncadd.s32 $0xFFFFFFFF  }
0xa5: {  	s26 =	simm.s32 $execute0_lowered;
	[smem:$0x3FD2] =	sst s25  }
0xa6: {  	s5 =	sshll.u32 s26, $0x1;
	_ =	strace $0x80000049;
	[dreg:$0x1] =	wrdreg $0xFFFFFFFF  }
0xa7: {  	s28 =	simm.s32 $_size_execute0_lowered;
	s3 =	sadd.s32 s3, s5;
	[dreg:$0x0] =	wrdreg $0x0  }
0xa8: {  	s5 =	sshll.u32 s28, $0x1;
	[dreg:$0x2] =	wrdreg s3  }
0xa9: {  	[dreg:$0x3] =	wrdreg s5  }
0xaa: {  	[dreg:$0x4] =	wrdreg $0xC0  }
0xab: {  	_ =	task [dreg:s7], $0x5FFFF  }
0xac: {  	[dreg:$0x1] =	wrdreg $0xFFFFFFFF  }
0xad: {  	[dreg:$0x0] =	wrdreg $0x60  }
0xae: {  	[dreg:$0x2] =	wrdreg s24  }
0xaf: {  	[dreg:$0x3] =	wrdreg s2  }
0xb0: {  	[dreg:$0x4] =	wrdreg $0xBF000  }
0xb1: {  	[dreg:$0x5] =	wrdreg $0x1F7800  }
0xb2: {  	[dreg:$0x6] =	wrdreg $0x9  }
0xb3: {  	_ =	task.clear_ibuf [dreg:s7], $0x7FFFF;
	_ =	strace $0x90000049  }
0xb4: {  	s29 =	simm.s32 $0x9;
	_ =	strace $0x8000004B  }
0xb5: {  	_ =	swait.ge [sflag:s29], $0x1  }
0xb6: {  	[sflag:s29] =	ssyncadd.s32 $0xFFFFFFFF  }
0xb7: {  	_ =	strace $0x9000004B  }
0xb8: {  	_ =	sfence  }
0xb9: {  	s30 =	sld [smem:$0x0];
	_ =	sdelay $0x2  }
0xba: {  	s31 =	sshll.u32 s1, $0xD;
	s1 =	sshrl.u32 s1, $0x2  }
0xbb: {  	s3 =	sand.u32 $0x4000, s31;
	s1 =	sadd.s32 s1, s30  }
0xbc: {  	s0 =	sor.u32 s3, s0;
	s1 =	sshll.u32 s1, $0x11  }
0xbd: {  	s0 =	sor.u32 s1, s0  }
0xbe: {  	s0 =	sadd.s32 $0x8F2B, s0  }
0xbf: {  	[sflag:s0] =	ssyncadd.remote.s32 $0x1  }
0xc0: {  	_ =	sfence.sel $0xFFFF  }
0xc1: {  	[dreg:$0x0] =	wrdreg $0xFFFFFFFF;
	(pc) =	sbr.abs _section_cstart, $3  }
0xc2: {  	[dreg:$0x1] =	wrdreg $0xFFFFFFFF  }
0xc3: {  	_ =	task.clear_ibuf [dreg:s7], $0x2FFFF;
	_ =	strace $0x9FFFFFFF  }
0xc4: {  	(tm) =	ssettm $0x7FFFFFFF  }
0xc5: {  	_ =	shalt  }
tec
execute0_lowered:
.L_overlay_start_1:
0x0: {  	(tag) =	ssettag $0x1  }
0x1: {  	s2 =	rddreg [dreg:$0x0]  }
0x2: {  	s0 =	rddreg [dreg:$0x1]  }
0x3: {  	s1 =	rddreg [dreg:$0x2]  }
0x4: {  	s3 =	srdreg.scid;
	s4 =	rddreg [dreg:$0x3];
	s5 =	simm.s32 $0x0  }
0x5: {  	s14 =	simm.s32 $0x4;
	s17 =	simm.s32 $0x40;
	s28 =	simm.s32 $0x2  }
0x6: {  	s29 =	simm.s32 $0x3;
	s30 =	simm.s32 $0x3C80;
	s6 =	sand.u32 $0x1, s3  }
0x7: {  	s31 =	simm.s32 $0x3D80;
	s3 =	stileid.u32;
	s7 =	smul.u32 $0x138800, s6  }
0x8: {  	s15 =	simm.s32 $0x0;
	s18 =	simm.s32 $0x0;
	s8 =	smul.u32 $0x1400, s3  }
0x9: {  	[smem:$0x7FF] =	sst s5;
	s25 =	sadd.s32 $0xB00, s4;
	s21 =	smul.u32 $0x580, s6  }
0xa: {  	s9 =	sshll.u32 s3, $0x1;
	_ =	strace $0x8000004A;
	s22 =	smul.u32 $0x5000, s3  }
0xb: {  	[dreg:$0x8] =	wrdreg s25;
	p0 =	sne.s32 s3, $0x0;
	s25 =	simm.s32 $0x3E00  }
0xc: {  	s20 =	sor.u32 s6, s9;
	s6 =	ssub.s32 $0x2, s6;
	s7 =	sadd.s32 s8, s7  }
0xd: {  	s8 =	smul.u32 $0x280, s20;
	s10 =	sshrl.u32 s6, $0x1;
	s7 =	sshrl.u32 s7, $0x3  }
0xe: {  	s20 =	simm.s32 $0x5F00;
	s6 =	ssub.s32 s6, s10;
	s7 =	sadd.s32 s7, s2  }
0xf: {  	s11 =	sadd.s32 s2, s8;
	s2 =	sadd.s32 s21, s2;
	s8 =	sshrl.u32 s22, $0x2  }
0x10: {  	s26 =	smax.u32 s6, $0x1;
	s21 =	simm.s32 $0x1;
	[dreg:$0x5] =	wrdreg s11  }
0x11: {  	s22 =	simm.s32 $0x3C00;
	s23 =	sadd.s32 $0x14000, s11;
	[dreg:$0xa] =	wrdreg s26  }
0x12: {  	v0 =	vlaneseq.u32;
	s24 =	sadd.s32 $0xF000, s11;
	s2 =	sadd.s32 $0x5000, s2;
	[dreg:$0x6] =	wrdreg s23  }
0x13: {  	v1 =	vimm.f32 $0.0e+00;
	v2 =	vor.u32 $0x10, v0;
	s12 =	sadd.s32 s8, s1;
	s13 =	sadd.s32 $0x19000, s7;
	[dreg:$0x7] =	wrdreg s24  }
0x14: {  	v3 =	vor.u32 $0x20, v0;
	v4 =	vor.u32 $0x30, v0;
	v5 =	vor.u32 $0x40, v0;
	s11 =	simm.s32 $0x2800;
	s26 =	simm.s32 $0x9F00;
	[dreg:$0x9] =	wrdreg s2  }
0x15: {  	v6 =	vor.u32 $0x50, v0;
	v7 =	vor.u32 $0x60, v0;
	v8 =	vor.u32 $0x70, v0;
	s23 =	simm.s32 $0x3D00;
	s24 =	simm.s32 $0x7F00;
	s2 =	simm.s32 $0x3E80  }
.LBB2_1:
0x16: {  	s6 =	rddreg [dreg:$0x5]  }
0x17: {  	[tilespmem:s5], [sflag:$0x4] =	stream.linear.gather [hbm4b:s6+s5], $0x1400, $0x38;
	[tilespmem:$0x1FA30] =	vst v63  }
0x18: {  	_ =	swait.ge [sflag:s14], $0x1400  }
0x19: {  	[sflag:s14] =	ssyncset.done $0x0  }
0x1a: {  	s7 =	simm.s32 $0x1400;
	s16 =	rddreg [dreg:$0x6];
	[sflag:s14] =	ssyncadd.s32 $0xFFFFEC00  }
0x1b: {  	[tilespmem:s7], [sflag:$0x4] =	stream.linear.gather [hbm4b:s16+s5], $0x1400, $0x38;
	[tilespmem:$0x1FA30] =	vst v63  }
0x1c: {  	_ =	swait.ge [sflag:s14], $0x1400  }
0x1d: {  	[sflag:s14] =	ssyncset.done $0x0  }
0x1e: {  	s19 =	rddreg [dreg:$0x7];
	[sflag:s14] =	ssyncadd.s32 $0xFFFFEC00  }
0x1f: {  	[tilespmem:s11], [sflag:$0x4] =	stream.linear.gather [hbm4b:s19+s5], $0x1400, $0x38;
	[tilespmem:$0x1FA30] =	vst v63  }
0x20: {  	_ =	swait.ge [sflag:s14], $0x1400  }
0x21: {  	[sflag:s14] =	ssyncset.done $0x0  }
0x22: {  	s8 =	simm.s32 $0x200;
	s7 =	simm.s32 $0x0;
	[sflag:s14] =	ssyncadd.s32 $0xFFFFEC00  }
.LBB2_2:
0x23: {  	p1 =	sne.s32 s8, $0x7E00;
	[tilespmem:s7+$0x9F70] =	vst v1  }
0x24: {  	[tilespmem:s7+$0x9F00] =	vst v1  }
0x25: {  	[tilespmem:s7+$0x9F10] =	vst v1  }
.Ltmp0:
0x26: {  	[tilespmem:s7+$0x9F20] =	vst v1;
	(pc) =	sbr.rel @p1 .LBB2_2-.Ltmp0, $4  }
0x27: {  	[tilespmem:s7+$0x9F30] =	vst v1  }
0x28: {  	[tilespmem:s7+$0x9F40] =	vst v1  }
0x29: {  	[tilespmem:s7+$0x9F50] =	vst v1  }
0x2a: {  	[tilespmem:s7+$0x9F60] =	vst v1;
	s7 =	sshra.s32 s8, $0x2;
	s8 =	sadd.s32 $0x200, s8  }
0x2b: {  	[tilespmem:s7+$0x9F70] =	vst v1  }
0x2c: {  	[tilespmem:s7+$0x9F00] =	vst v1  }
0x2d: {  	[tilespmem:s7+$0x9F10] =	vst v1  }
0x2e: {  	[tilespmem:s7+$0x9F20] =	vst v1  }
0x2f: {  	[tilespmem:s7+$0x9F30] =	vst v1  }
0x30: {  	[tilespmem:s7+$0x9F40] =	vst v1;
	s6 =	sadd.s32 $0x0, s3  }
0x31: {  	[tilespmem:s7+$0x9F50] =	vst v1;
	p1 =	sgt.u32 s6, $0xF9  }
0x32: {  	[tilespmem:s7+$0x9F60] =	vst v1;
	s6 =	simm.s32 @!p1 $0x9F00;
	s10 =	simm.s32 @!p1 $0x4  }
0x33: {  	[spmem:s12] =	stream.linear.scatter @!p1 [tilespmem:s6], [sflag:$0x4], $0x1400, $0x38;
	[tilespmem:$0x1FA30] =	vst v63  }
0x34: {  	s8 =	simm.s32 $0x10;
	_ =	swait.ge @!p1 [sflag:s10], $0x1400  }
0x35: {  	s9 =	simm.s32 $0x20;
	s7 =	sadd.s32 $0x14000, s12;
	[sflag:s10] =	ssyncset.done @!p1 $0x0  }
.LBB2_4:
0x36: {  	s6 =	sadd.s32 s8, s3;
	s8 =	smov.u32 s9;
	s9 =	sadd.s32 $0x10, s9  }
0x37: {  	[sflag:s10] =	ssyncadd.s32 @!p1 $0xFFFFEC00;
	p2 =	sne.s32 s9, $0x100  }
.Ltmp1:
0x38: {  	p1 =	sgt.u32 s6, $0xF9;
	(pc) =	sbr.rel @p2 .LBB2_4-.Ltmp1, $4  }
0x39: {  	s6 =	simm.s32 @!p1 $0x9F00;
	s10 =	simm.s32 @!p1 $0x4  }
0x3a: {  	[spmem:s7] =	stream.linear.scatter @!p1 [tilespmem:s6], [sflag:$0x4], $0x1400, $0x38;
	[tilespmem:$0x1FA30] =	vst v63  }
0x3b: {  	_ =	swait.ge @!p1 [sflag:s10], $0x1400  }
0x3c: {  	s7 =	sadd.s32 $0x14000, s7;
	[sflag:s10] =	ssyncset.done @!p1 $0x0  }
0x3d: {  	s6 =	sadd.s32 s8, s3  }
0x3e: {  	p2 =	sgt.u32 s6, $0xF9  }
0x3f: {  	[sflag:s10] =	ssyncadd.s32 @!p1 $0xFFFFEC00;
	s6 =	simm.s32 @!p2 $0x9F00;
	s8 =	simm.s32 @!p2 $0x4  }
0x40: {  	[spmem:s7] =	stream.linear.scatter @!p2 [tilespmem:s6], [sflag:$0x4], $0x1400, $0x38;
	[tilespmem:$0x1FA30] =	vst v63  }
0x41: {  	_ =	swait.ge @!p2 [sflag:s8], $0x1400  }
0x42: {  	[sflag:s8] =	ssyncset.done @!p2 $0x0  }
0x43: {  	s6 =	simm.s32 @!p0 $0x9F00;
	s7 =	simm.s32 @!p0 $0x4;
	[sflag:s8] =	ssyncadd.s32 @!p2 $0xFFFFEC00  }
0x44: {  	[spmem:s4] =	stream.linear.scatter @!p0 [tilespmem:s6], [sflag:$0x4], $0xB00, $0x38;
	[tilespmem:$0x1FA30] =	vst v63  }
0x45: {  	_ =	swait.ge @!p0 [sflag:s7], $0xB00  }
0x46: {  	[sflag:s7] =	ssyncset.done @!p0 $0x0  }
0x47: {  	s8 =	rddreg [dreg:$0x8];
	[sflag:s7] =	ssyncadd.s32 @!p0 $0xFFFFF500  }
0x48: {  	[spmem:s8] =	stream.linear.scatter @!p0 [tilespmem:s6], [sflag:$0x4], $0x2000, $0x38;
	[tilespmem:$0x1FA30] =	vst v63  }
0x49: {  	_ =	swait.ge @!p0 [sflag:s7], $0x2000  }
0x4a: {  	[sflag:s7] =	ssyncset.done @!p0 $0x0  }
0x4b: {  	[sflag:s7] =	ssyncadd.s32 @!p0 $0xFFFFE000  }
0x4c: {  	s16 =	simm.s32 $0x3F00;
	[bflag:$0x0] =	sbarrier.arrive $0xFFFF  }
0x4d: {  	[tilespmem:s16], [sflag:$0x1] =	stream.indirect.gather [hbm4b:s0+s17], $0x80, s11, s17, $0xb8;
	[tilespmem:$0x1FA30] =	vst v63  }
0x4e: {  	s19 =	simm.s32 $0x2840  }
0x4f: {  	[tilespmem:s20], [sflag:$0x2] =	stream.indirect.gather [hbm4b:s0+s17], $0x80, s19, s17, $0xb8;
	[tilespmem:$0x1FA30] =	vst v63  }
0x50: {  	s19 =	simm.s32 $0x0  }
.LBB2_6:
0x51: {  	_ =	swait.ge [sflag:s21], $0x2000  }
0x52: {  	[sflag:s21] =	ssyncset.done $0x0  }
0x53: {  	s16 =	sshll.u32 s19, $0x7;
	[sflag:s21] =	ssyncadd.s32 $0xFFFFE000  }
0x54: {  	v9 =	vld [tilespmem:s16+$0x1400];
	_ =	sdelay $0x4  }
0x55: {  	[tilespmem:$0x3D00] =	vst v9;
	v9 =	vshrl.u32 v9, $0x7  }
0x56: {  	[tilespmem:$0x3E00] =	vst v9  }
0x57: {  	v9 =	vld [tilespmem:s16+$0x0];
	_ =	sdelay $0x4  }
0x58: {  	[tilespmem:$0x3C00] =	vst v9  }
0x59: {  	v9 =	vld [tilespmem:s16+$0x1410];
	_ =	sdelay $0x4  }
0x5a: {  	[tilespmem:$0x3D10] =	vst v9;
	v9 =	vshrl.u32 v9, $0x7  }
0x5b: {  	[tilespmem:$0x3E10] =	vst v9  }
0x5c: {  	v9 =	vld [tilespmem:s16+$0x10];
	_ =	sdelay $0x4  }
0x5d: {  	[tilespmem:$0x3C10] =	vst v9  }
0x5e: {  	v9 =	vld [tilespmem:s16+$0x1420];
	_ =	sdelay $0x4  }
0x5f: {  	[tilespmem:$0x3D20] =	vst v9;
	v9 =	vshrl.u32 v9, $0x7  }
0x60: {  	[tilespmem:$0x3E20] =	vst v9  }
0x61: {  	v9 =	vld [tilespmem:s16+$0x20];
	_ =	sdelay $0x4  }
0x62: {  	[tilespmem:$0x3C20] =	vst v9  }
0x63: {  	v9 =	vld [tilespmem:s16+$0x1430];
	_ =	sdelay $0x4  }
0x64: {  	[tilespmem:$0x3D30] =	vst v9;
	v9 =	vshrl.u32 v9, $0x7  }
0x65: {  	[tilespmem:$0x3E30] =	vst v9  }
0x66: {  	v9 =	vld [tilespmem:s16+$0x30];
	_ =	sdelay $0x3  }
0x67: {  	p1 =	seq.s32 s19, $0x0  }
0x68: {  	s6 =	simm.s32 @!p1 $0x3;
	[tilespmem:$0x3C30] =	vst v9  }
0x69: {  	_ =	swait.ge @!p1 [sflag:s6], $0x2000  }
0x6a: {  	v9 =	vmov s18;
	[sflag:s6] =	ssyncset.done @!p1 $0x0  }
0x6b: {  	[sflag:s6] =	ssyncadd.s32 @!p1 $0xFFFFE000  }
0x6c: {  	_ =	swait.ge @!p1 [sflag:s6], $0x2000  }
0x6d: {  	[sflag:s6] =	ssyncset.done @!p1 $0x0  }
0x6e: {  	[sflag:s6] =	ssyncadd.s32 @!p1 $0xFFFFE000  }
0x6f: {  	v10 =	vld.idx.msk [tilespmem:v9+s23+$0x0], $0xffff;
	_ =	sdelay $0x2  }
0x70: {  	s10 =	simm.s32 $0x3F40;
	v9 =	vld.idx.msk [tilespmem:v9+s22+$0x0], $0xffff  }
0x71: {  	v11 =	vld [tilespmem:s10+$0xFFFFFFC0]  }
0x72: {  	v12 =	vshra.s32 v10, $0x1F  }
0x73: {  	v12 =	vshrl.u32 v12, $0x19  }
0x74: {  	v12 =	vadd.s32 v12, v10  }
0x75: {  	v12 =	vand.u32 $0xFFFFFF80, v12  }
0x76: {  	v11 =	vmul.f32 v11, v9;
	v10 =	vsub.s32 v10, v12  }
0x77: {  	s8 =	simm.s32 $0x7F40;
	vm0 =	veq.s32 v10, v0  }
0x78: {  	s7 =	simm.s32 $0x9F40;
	[tilespmem:s8+$0xFFFFFFC0] =	vst v11;
	v11 =	vnsel vm0, $0x0, v9  }
0x79: {  	[tilespmem:s7+$0xFFFFFFC0] =	vst v11  }
0x7a: {  	v11 =	vld [tilespmem:s10+$0xFFFFFFD0];
	_ =	sdelay $0x4  }
0x7b: {  	v11 =	vmul.f32 v11, v9  }
0x7c: {  	vm9 =	veq.s32 v10, v2  }
0x7d: {  	v58 =	vnsel vm9, $0x0, v9;
	[tilespmem:s8+$0xFFFFFFD0] =	vst v11  }
0x7e: {  	[tilespmem:s7+$0xFFFFFFD0] =	vst v58  }
0x7f: {  	v11 =	vld [tilespmem:s10+$0xFFFFFFE0];
	_ =	sdelay $0x4  }
0x80: {  	v11 =	vmul.f32 v11, v9  }
0x81: {  	vm10 =	veq.s32 v10, v3  }
0x82: {  	v59 =	vnsel vm10, $0x0, v9;
	[tilespmem:s8+$0xFFFFFFE0] =	vst v11  }
0x83: {  	[tilespmem:s7+$0xFFFFFFE0] =	vst v59  }
0x84: {  	v11 =	vld [tilespmem:s10+$0xFFFFFFF0];
	_ =	sdelay $0x4  }
0x85: {  	v11 =	vmul.f32 v11, v9  }
0x86: {  	vm11 =	veq.s32 v10, v4  }
0x87: {  	v60 =	vnsel vm11, $0x0, v9;
	[tilespmem:s8+$0xFFFFFFF0] =	vst v11  }
0x88: {  	[tilespmem:s7+$0xFFFFFFF0] =	vst v60  }
0x89: {  	v11 =	vld [tilespmem:s10+$0x0];
	_ =	sdelay $0x4  }
0x8a: {  	v11 =	vmul.f32 v11, v9  }
0x8b: {  	vm12 =	veq.s32 v10, v5  }
0x8c: {  	v61 =	vnsel vm12, $0x0, v9;
	[tilespmem:s8+$0x0] =	vst v11  }
0x8d: {  	[tilespmem:s7+$0x0] =	vst v61  }
0x8e: {  	v11 =	vld [tilespmem:s10+$0x10];
	_ =	sdelay $0x4  }
0x8f: {  	v11 =	vmul.f32 v11, v9  }
0x90: {  	vm13 =	veq.s32 v10, v6  }
0x91: {  	v62 =	vnsel vm13, $0x0, v9;
	[tilespmem:s8+$0x10] =	vst v11  }
0x92: {  	[tilespmem:s7+$0x10] =	vst v62  }
0x93: {  	v11 =	vld [tilespmem:s10+$0x20];
	_ =	sdelay $0x4  }
0x94: {  	v11 =	vmul.f32 v11, v9  }
0x95: {  	vm14 =	veq.s32 v10, v7  }
0x96: {  	v63 =	vnsel vm14, $0x0, v9;
	[tilespmem:s8+$0x20] =	vst v11  }
0x97: {  	[tilespmem:s7+$0x20] =	vst v63  }
0x98: {  	v11 =	vld [tilespmem:s10+$0x30];
	_ =	sdelay $0x3  }
0x99: {  	s11 =	simm.s32 $0x1  }
0x9a: {  	vm15 =	veq.s32 v10, v8;
	v10 =	vmov s11;
	v11 =	vmul.f32 v11, v9;
	_ =	sdelay $0x1  }
0x9b: {  	s9 =	simm.s32 $0x3FC0;
	s10 =	simm.s32 $0x2;
	v9 =	vnsel vm15, $0x0, v9;
	[tilespmem:s8+$0x30] =	vst v11  }
.LBB2_7:
0x9c: {  	s8 =	sadd.s32 $0x80, s8  }
0x9d: {  	[tilespmem:s7+$0x30] =	vst v9;
	s7 =	sadd.s32 $0x80, s7;
	s11 =	smov.u32 s10;
	s6 =	sadd.s32 $0x1, s10  }
0x9e: {  	p1 =	sne.s32 s10, $0x3F;
	v9 =	vld.idx.msk [tilespmem:v10+s23+$0x0], $0xffff;
	_ =	sdelay $0x3  }
0x9f: {  	v11 =	vld.idx.msk [tilespmem:v10+s22+$0x0], $0xffff  }
0xa0: {  	v10 =	vld [tilespmem:s9+$0xFFFFFFC0]  }
0xa1: {  	v12 =	vshra.s32 v9, $0x1F  }
0xa2: {  	v12 =	vshrl.u32 v12, $0x19  }
0xa3: {  	v12 =	vadd.s32 v12, v9  }
0xa4: {  	v12 =	vand.u32 $0xFFFFFF80, v12  }
0xa5: {  	v9 =	vsub.s32 v9, v12;
	v10 =	vmul.f32 v10, v11  }
0xa6: {  	vm0 =	veq.s32 v9, v0;
	vm1 =	veq.s32 v9, v2;
	vm2 =	veq.s32 v9, v3  }
0xa7: {  	v12 =	vnsel vm1, $0x0, v11;
	v13 =	vnsel vm2, $0x0, v11;
	[tilespmem:s8+$0xFFFFFFC0] =	vst v10;
	v10 =	vnsel vm0, $0x0, v11  }
0xa8: {  	vm1 =	veq.s32 v9, v5;
	vm2 =	veq.s32 v9, v6;
	vm0 =	veq.s32 v9, v4;
	[tilespmem:s7+$0xFFFFFFC0] =	vst v10  }
0xa9: {  	v15 =	vnsel vm1, $0x0, v11;
	v16 =	vnsel vm2, $0x0, v11;
	v14 =	vnsel vm0, $0x0, v11;
	v10 =	vld [tilespmem:s9+$0xFFFFFFD0]  }
0xaa: {  	vm1 =	veq.s32 v9, v8;
	vm0 =	veq.s32 v9, v7  }
0xab: {  	v9 =	vnsel vm1, $0x0, v11;
	v17 =	vnsel vm0, $0x0, v11;
	_ =	sdelay $0x2  }
0xac: {  	v10 =	vmul.f32 v10, v11;
	_ =	sdelay $0x1  }
0xad: {  	[tilespmem:s8+$0xFFFFFFD0] =	vst v10  }
0xae: {  	[tilespmem:s7+$0xFFFFFFD0] =	vst v12  }
0xaf: {  	v10 =	vld [tilespmem:s9+$0xFFFFFFE0];
	_ =	sdelay $0x4  }
0xb0: {  	v10 =	vmul.f32 v10, v11;
	_ =	sdelay $0x1  }
0xb1: {  	[tilespmem:s8+$0xFFFFFFE0] =	vst v10  }
0xb2: {  	[tilespmem:s7+$0xFFFFFFE0] =	vst v13  }
0xb3: {  	v10 =	vld [tilespmem:s9+$0xFFFFFFF0];
	_ =	sdelay $0x4  }
0xb4: {  	v10 =	vmul.f32 v10, v11;
	_ =	sdelay $0x1  }
0xb5: {  	[tilespmem:s8+$0xFFFFFFF0] =	vst v10  }
0xb6: {  	[tilespmem:s7+$0xFFFFFFF0] =	vst v14  }
0xb7: {  	v10 =	vld [tilespmem:s9+$0x0];
	_ =	sdelay $0x4  }
0xb8: {  	v10 =	vmul.f32 v10, v11;
	_ =	sdelay $0x1  }
0xb9: {  	[tilespmem:s8+$0x0] =	vst v10  }
0xba: {  	[tilespmem:s7+$0x0] =	vst v15  }
0xbb: {  	v10 =	vld [tilespmem:s9+$0x10];
	_ =	sdelay $0x4  }
0xbc: {  	v10 =	vmul.f32 v10, v11;
	_ =	sdelay $0x1  }
0xbd: {  	[tilespmem:s8+$0x10] =	vst v10  }
0xbe: {  	[tilespmem:s7+$0x10] =	vst v16  }
0xbf: {  	v10 =	vld [tilespmem:s9+$0x20];
	_ =	sdelay $0x4  }
0xc0: {  	v10 =	vmul.f32 v10, v11;
	_ =	sdelay $0x1  }
0xc1: {  	[tilespmem:s8+$0x20] =	vst v10  }
0xc2: {  	[tilespmem:s7+$0x20] =	vst v17  }
0xc3: {  	v12 =	vld [tilespmem:s9+$0x30];
	_ =	sdelay $0x2  }
.Ltmp2:
0xc4: {  	(pc) =	sbr.rel @p1 .LBB2_7-.Ltmp2, $3  }
0xc5: {  	v10 =	vmov s11  }
0xc6: {  	v11 =	vmul.f32 v12, v11;
	_ =	sdelay $0x1  }
0xc7: {  	s10 =	smov.u32 s6;
	s9 =	sadd.s32 $0x80, s9;
	[tilespmem:s8+$0x30] =	vst v11  }
0xc8: {  	_ =	sdelay $0x2  }
0xc9: {  	[tilespmem:s7+$0x30] =	vst v9  }
0xca: {  	v9 =	vld.idx.msk [tilespmem:v10+s23+$0x0], $0xffff;
	_ =	sdelay $0x2  }
0xcb: {  	v10 =	vld.idx.msk [tilespmem:v10+s22+$0x0], $0xffff  }
0xcc: {  	v11 =	vld [tilespmem:s9+$0xFFFFFFC0]  }
0xcd: {  	v12 =	vshra.s32 v9, $0x1F  }
0xce: {  	v12 =	vshrl.u32 v12, $0x19  }
0xcf: {  	v12 =	vadd.s32 v12, v9  }
0xd0: {  	v12 =	vand.u32 $0xFFFFFF80, v12  }
0xd1: {  	v11 =	vmul.f32 v11, v10;
	v9 =	vsub.s32 v9, v12  }
0xd2: {  	s6 =	sadd.s32 $0x80, s8;
	vm0 =	veq.s32 v9, v0  }
0xd3: {  	s8 =	sadd.s32 $0x80, s7;
	[tilespmem:s6+$0xFFFFFFC0] =	vst v11;
	v11 =	vnsel vm0, $0x0, v10  }
0xd4: {  	[tilespmem:s8+$0xFFFFFFC0] =	vst v11  }
0xd5: {  	v11 =	vld [tilespmem:s9+$0xFFFFFFD0];
	_ =	sdelay $0x4  }
0xd6: {  	v11 =	vmul.f32 v11, v10  }
0xd7: {  	vm13 =	veq.s32 v9, v2  }
0xd8: {  	v51 =	vnsel vm13, $0x0, v10;
	[tilespmem:s6+$0xFFFFFFD0] =	vst v11  }
0xd9: {  	[tilespmem:s8+$0xFFFFFFD0] =	vst v51  }
0xda: {  	v11 =	vld [tilespmem:s9+$0xFFFFFFE0];
	_ =	sdelay $0x4  }
0xdb: {  	v11 =	vmul.f32 v11, v10  }
0xdc: {  	vm14 =	veq.s32 v9, v3  }
0xdd: {  	v52 =	vnsel vm14, $0x0, v10;
	[tilespmem:s6+$0xFFFFFFE0] =	vst v11  }
0xde: {  	[tilespmem:s8+$0xFFFFFFE0] =	vst v52  }
0xdf: {  	v11 =	vld [tilespmem:s9+$0xFFFFFFF0];
	_ =	sdelay $0x4  }
0xe0: {  	v11 =	vmul.f32 v11, v10  }
0xe1: {  	vm15 =	veq.s32 v9, v4  }
0xe2: {  	v53 =	vnsel vm15, $0x0, v10;
	[tilespmem:s6+$0xFFFFFFF0] =	vst v11  }
0xe3: {  	[tilespmem:s8+$0xFFFFFFF0] =	vst v53  }
0xe4: {  	v11 =	vld [tilespmem:s9+$0x0];
	_ =	sdelay $0x4  }
0xe5: {  	v11 =	vmul.f32 v11, v10  }
0xe6: {  	vm4 =	veq.s32 v9, v5  }
0xe7: {  	v54 =	vnsel vm4, $0x0, v10;
	[tilespmem:s6+$0x0] =	vst v11  }
0xe8: {  	[tilespmem:s8+$0x0] =	vst v54  }
0xe9: {  	v11 =	vld [tilespmem:s9+$0x10];
	_ =	sdelay $0x4  }
0xea: {  	v11 =	vmul.f32 v11, v10  }
0xeb: {  	vm5 =	veq.s32 v9, v6  }
0xec: {  	v55 =	vnsel vm5, $0x0, v10;
	[tilespmem:s6+$0x10] =	vst v11  }
0xed: {  	[tilespmem:s8+$0x10] =	vst v55  }
0xee: {  	v11 =	vld [tilespmem:s9+$0x20];
	_ =	sdelay $0x4  }
0xef: {  	v11 =	vmul.f32 v11, v10  }
0xf0: {  	vm6 =	veq.s32 v9, v7  }
0xf1: {  	v56 =	vnsel vm6, $0x0, v10;
	[tilespmem:s6+$0x20] =	vst v11  }
0xf2: {  	[tilespmem:s8+$0x20] =	vst v56  }
0xf3: {  	v11 =	vld [tilespmem:s9+$0x30];
	_ =	sdelay $0x4  }
0xf4: {  	v11 =	vmul.f32 v11, v10  }
0xf5: {  	vm7 =	veq.s32 v9, v8  }
0xf6: {  	p1 =	seq.s32 s19, $0x27;
	v9 =	vnsel vm7, $0x0, v10;
	[tilespmem:s6+$0x30] =	vst v11  }
0xf7: {  	s6 =	sshll.u32 @!p1 s19, $0x7;
	[tilespmem:s8+$0x30] =	vst v9  }
0xf8: {  	[spmem:s1] =	stream.indirect.scatter.add.f32 [tilespmem:s24], [sflag:$0x3], $0x80, s23, s17, $0xb8;
	[tilespmem:$0x1FA30] =	vst v63  }
0xf9: {  	s6 =	sand.u32 @!p1 $0x3FFFFF80, s6  }
0xfa: {  	[spmem:s4] =	stream.indirect.scatter.add.f32 [tilespmem:s26], [sflag:$0x3], $0x80, s25, s17, $0xb8;
	[tilespmem:$0x1FA30] =	vst v63  }
0xfb: {  	s7 =	simm.s32 @!p1 $0x40;
	s8 =	simm.s32 @!p1 $0x3F00;
	s6 =	sadd.s32 @!p1 $0x2880, s6  }
0xfc: {  	[tilespmem:s8], [sflag:$0x1] =	stream.indirect.gather @!p1 [hbm4b:s0+s7], $0x80, s6, s7, $0xb8;
	[tilespmem:$0x1FA30] =	vst v63  }
0xfd: {  	_ =	swait.ge [sflag:s28], $0x2000  }
0xfe: {  	[sflag:s28] =	ssyncset.done $0x0  }
0xff: {  	[sflag:s28] =	ssyncadd.s32 $0xFFFFE000  }
0x100: {  	v9 =	vld [tilespmem:s16+$0x1440];
	_ =	sdelay $0x4  }
0x101: {  	[tilespmem:$0x3D80] =	vst v9;
	v9 =	vshrl.u32 v9, $0x7  }
0x102: {  	s10 =	sor.u32 $0x40, s16;
	[tilespmem:$0x3E80] =	vst v9  }
0x103: {  	v9 =	vld [tilespmem:s10+$0x0];
	_ =	sdelay $0x4  }
0x104: {  	[tilespmem:$0x3C80] =	vst v9  }
0x105: {  	v9 =	vld [tilespmem:s16+$0x1450];
	_ =	sdelay $0x4  }
0x106: {  	[tilespmem:$0x3D90] =	vst v9;
	v9 =	vshrl.u32 v9, $0x7  }
0x107: {  	s11 =	sor.u32 $0x50, s16;
	[tilespmem:$0x3E90] =	vst v9  }
0x108: {  	v9 =	vld [tilespmem:s11+$0x0];
	_ =	sdelay $0x4  }
0x109: {  	[tilespmem:$0x3C90] =	vst v9  }
0x10a: {  	v9 =	vld [tilespmem:s16+$0x1460];
	_ =	sdelay $0x4  }
0x10b: {  	[tilespmem:$0x3DA0] =	vst v9;
	v9 =	vshrl.u32 v9, $0x7  }
0x10c: {  	s7 =	sor.u32 $0x60, s16;
	[tilespmem:$0x3EA0] =	vst v9  }
0x10d: {  	v9 =	vld [tilespmem:s7+$0x0];
	_ =	sdelay $0x4  }
0x10e: {  	[tilespmem:$0x3CA0] =	vst v9  }
0x10f: {  	v9 =	vld [tilespmem:s16+$0x1470];
	_ =	sdelay $0x4  }
0x110: {  	[tilespmem:$0x3DB0] =	vst v9;
	v9 =	vshrl.u32 v9, $0x7  }
0x111: {  	s8 =	sor.u32 $0x70, s16;
	[tilespmem:$0x3EB0] =	vst v9  }
0x112: {  	v9 =	vld [tilespmem:s8+$0x0];
	_ =	sdelay $0x4  }
0x113: {  	[tilespmem:$0x3CB0] =	vst v9  }
0x114: {  	s9 =	simm.s32 $0x0;
	_ =	swait.ge [sflag:s29], $0x2000  }
0x115: {  	v9 =	vmov s9;
	[sflag:s29] =	ssyncset.done $0x0  }
0x116: {  	[sflag:s29] =	ssyncadd.s32 $0xFFFFE000  }
0x117: {  	_ =	swait.ge [sflag:s29], $0x2000  }
0x118: {  	[sflag:s29] =	ssyncset.done $0x0  }
0x119: {  	[sflag:s29] =	ssyncadd.s32 $0xFFFFE000  }
0x11a: {  	v10 =	vld.idx.msk [tilespmem:v9+s31+$0x0], $0xffff;
	_ =	sdelay $0x2  }
0x11b: {  	s10 =	simm.s32 $0x5F40;
	v9 =	vld.idx.msk [tilespmem:v9+s30+$0x0], $0xffff  }
0x11c: {  	v11 =	vld [tilespmem:s10+$0xFFFFFFC0]  }
0x11d: {  	v57 =	vshra.s32 v10, $0x1F  }
0x11e: {  	v12 =	vshrl.u32 v57, $0x19  }
0x11f: {  	v12 =	vadd.s32 v12, v10  }
0x120: {  	v12 =	vand.u32 $0xFFFFFF80, v12  }
0x121: {  	v11 =	vmul.f32 v11, v9;
	v10 =	vsub.s32 v10, v12  }
0x122: {  	s8 =	simm.s32 $0x7F40;
	vm8 =	veq.s32 v10, v0  }
0x123: {  	s7 =	simm.s32 $0x9F40;
	[tilespmem:s8+$0xFFFFFFC0] =	vst v11;
	v11 =	vnsel vm8, $0x0, v9  }
0x124: {  	[tilespmem:s7+$0xFFFFFFC0] =	vst v11  }
0x125: {  	v11 =	vld [tilespmem:s10+$0xFFFFFFD0];
	_ =	sdelay $0x4  }
0x126: {  	v11 =	vmul.f32 v11, v9  }
0x127: {  	vm9 =	veq.s32 v10, v2  }
0x128: {  	v58 =	vnsel vm9, $0x0, v9;
	[tilespmem:s8+$0xFFFFFFD0] =	vst v11  }
0x129: {  	[tilespmem:s7+$0xFFFFFFD0] =	vst v58  }
0x12a: {  	v11 =	vld [tilespmem:s10+$0xFFFFFFE0];
	_ =	sdelay $0x4  }
0x12b: {  	v11 =	vmul.f32 v11, v9  }
0x12c: {  	vm10 =	veq.s32 v10, v3  }
0x12d: {  	v59 =	vnsel vm10, $0x0, v9;
	[tilespmem:s8+$0xFFFFFFE0] =	vst v11  }
0x12e: {  	[tilespmem:s7+$0xFFFFFFE0] =	vst v59  }
0x12f: {  	v11 =	vld [tilespmem:s10+$0xFFFFFFF0];
	_ =	sdelay $0x4  }
0x130: {  	v11 =	vmul.f32 v11, v9  }
0x131: {  	vm11 =	veq.s32 v10, v4  }
0x132: {  	v60 =	vnsel vm11, $0x0, v9;
	[tilespmem:s8+$0xFFFFFFF0] =	vst v11  }
0x133: {  	[tilespmem:s7+$0xFFFFFFF0] =	vst v60  }
0x134: {  	v11 =	vld [tilespmem:s10+$0x0];
	_ =	sdelay $0x4  }
0x135: {  	v11 =	vmul.f32 v11, v9  }
0x136: {  	vm12 =	veq.s32 v10, v5  }
0x137: {  	v61 =	vnsel vm12, $0x0, v9;
	[tilespmem:s8+$0x0] =	vst v11  }
0x138: {  	[tilespmem:s7+$0x0] =	vst v61  }
0x139: {  	v11 =	vld [tilespmem:s10+$0x10];
	_ =	sdelay $0x4  }
0x13a: {  	v11 =	vmul.f32 v11, v9  }
0x13b: {  	vm13 =	veq.s32 v10, v6  }
0x13c: {  	v62 =	vnsel vm13, $0x0, v9;
	[tilespmem:s8+$0x10] =	vst v11  }
0x13d: {  	[tilespmem:s7+$0x10] =	vst v62  }
0x13e: {  	v11 =	vld [tilespmem:s10+$0x20];
	_ =	sdelay $0x4  }
0x13f: {  	v11 =	vmul.f32 v11, v9  }
0x140: {  	vm14 =	veq.s32 v10, v7  }
0x141: {  	v63 =	vnsel vm14, $0x0, v9;
	[tilespmem:s8+$0x20] =	vst v11  }
0x142: {  	[tilespmem:s7+$0x20] =	vst v63  }
0x143: {  	v11 =	vld [tilespmem:s10+$0x30];
	_ =	sdelay $0x3  }
0x144: {  	s11 =	simm.s32 $0x1  }
0x145: {  	vm15 =	veq.s32 v10, v8;
	v10 =	vmov s11;
	v11 =	vmul.f32 v11, v9;
	_ =	sdelay $0x1  }
0x146: {  	s6 =	simm.s32 $0x2;
	s9 =	simm.s32 $0x5FC0;
	v9 =	vnsel vm15, $0x0, v9;
	[tilespmem:s8+$0x30] =	vst v11  }
.LBB2_9:
0x147: {  	s8 =	sadd.s32 $0x80, s8  }
0x148: {  	[tilespmem:s7+$0x30] =	vst v9;
	s7 =	sadd.s32 $0x80, s7;
	s11 =	smov.u32 s6;
	s10 =	sadd.s32 $0x1, s6  }
0x149: {  	p2 =	sne.s32 s6, $0x3F;
	v9 =	vld.idx.msk [tilespmem:v10+s31+$0x0], $0xffff;
	_ =	sdelay $0x3  }
0x14a: {  	v11 =	vld.idx.msk [tilespmem:v10+s30+$0x0], $0xffff  }
0x14b: {  	v10 =	vld [tilespmem:s9+$0xFFFFFFC0]  }
0x14c: {  	v12 =	vshra.s32 v9, $0x1F  }
0x14d: {  	v12 =	vshrl.u32 v12, $0x19  }
0x14e: {  	v12 =	vadd.s32 v12, v9  }
0x14f: {  	v12 =	vand.u32 $0xFFFFFF80, v12  }
0x150: {  	v9 =	vsub.s32 v9, v12;
	v10 =	vmul.f32 v10, v11  }
0x151: {  	vm0 =	veq.s32 v9, v0;
	vm1 =	veq.s32 v9, v2;
	vm2 =	veq.s32 v9, v3  }
0x152: {  	v12 =	vnsel vm1, $0x0, v11;
	v13 =	vnsel vm2, $0x0, v11;
	[tilespmem:s8+$0xFFFFFFC0] =	vst v10;
	v10 =	vnsel vm0, $0x0, v11  }
0x153: {  	vm1 =	veq.s32 v9, v5;
	vm2 =	veq.s32 v9, v6;
	vm0 =	veq.s32 v9, v4;
	[tilespmem:s7+$0xFFFFFFC0] =	vst v10  }
0x154: {  	v15 =	vnsel vm1, $0x0, v11;
	v16 =	vnsel vm2, $0x0, v11;
	v14 =	vnsel vm0, $0x0, v11;
	v10 =	vld [tilespmem:s9+$0xFFFFFFD0]  }
0x155: {  	vm1 =	veq.s32 v9, v8;
	vm0 =	veq.s32 v9, v7  }
0x156: {  	v9 =	vnsel vm1, $0x0, v11;
	v17 =	vnsel vm0, $0x0, v11;
	_ =	sdelay $0x2  }
0x157: {  	v10 =	vmul.f32 v10, v11;
	_ =	sdelay $0x1  }
0x158: {  	[tilespmem:s8+$0xFFFFFFD0] =	vst v10  }
0x159: {  	[tilespmem:s7+$0xFFFFFFD0] =	vst v12  }
0x15a: {  	v10 =	vld [tilespmem:s9+$0xFFFFFFE0];
	_ =	sdelay $0x4  }
0x15b: {  	v10 =	vmul.f32 v10, v11;
	_ =	sdelay $0x1  }
0x15c: {  	[tilespmem:s8+$0xFFFFFFE0] =	vst v10  }
0x15d: {  	[tilespmem:s7+$0xFFFFFFE0] =	vst v13  }
0x15e: {  	v10 =	vld [tilespmem:s9+$0xFFFFFFF0];
	_ =	sdelay $0x4  }
0x15f: {  	v10 =	vmul.f32 v10, v11;
	_ =	sdelay $0x1  }
0x160: {  	[tilespmem:s8+$0xFFFFFFF0] =	vst v10  }
0x161: {  	[tilespmem:s7+$0xFFFFFFF0] =	vst v14  }
0x162: {  	v10 =	vld [tilespmem:s9+$0x0];
	_ =	sdelay $0x4  }
0x163: {  	v10 =	vmul.f32 v10, v11;
	_ =	sdelay $0x1  }
0x164: {  	[tilespmem:s8+$0x0] =	vst v10  }
0x165: {  	[tilespmem:s7+$0x0] =	vst v15  }
0x166: {  	v10 =	vld [tilespmem:s9+$0x10];
	_ =	sdelay $0x4  }
0x167: {  	v10 =	vmul.f32 v10, v11;
	_ =	sdelay $0x1  }
0x168: {  	[tilespmem:s8+$0x10] =	vst v10  }
0x169: {  	[tilespmem:s7+$0x10] =	vst v16  }
0x16a: {  	v10 =	vld [tilespmem:s9+$0x20];
	_ =	sdelay $0x4  }
0x16b: {  	v10 =	vmul.f32 v10, v11;
	_ =	sdelay $0x1  }
0x16c: {  	[tilespmem:s8+$0x20] =	vst v10  }
0x16d: {  	[tilespmem:s7+$0x20] =	vst v17  }
0x16e: {  	v12 =	vld [tilespmem:s9+$0x30];
	_ =	sdelay $0x2  }
.Ltmp3:
0x16f: {  	(pc) =	sbr.rel @p2 .LBB2_9-.Ltmp3, $3  }
0x170: {  	v10 =	vmov s11  }
0x171: {  	v11 =	vmul.f32 v12, v11;
	_ =	sdelay $0x1  }
0x172: {  	s6 =	smov.u32 s10;
	s9 =	sadd.s32 $0x80, s9;
	[tilespmem:s8+$0x30] =	vst v11  }
0x173: {  	_ =	sdelay $0x2  }
0x174: {  	[tilespmem:s7+$0x30] =	vst v9  }
0x175: {  	v9 =	vld.idx.msk [tilespmem:v10+s31+$0x0], $0xffff;
	_ =	sdelay $0x2  }
0x176: {  	v10 =	vld.idx.msk [tilespmem:v10+s30+$0x0], $0xffff  }
0x177: {  	v11 =	vld [tilespmem:s9+$0xFFFFFFC0]  }
0x178: {  	v12 =	vshra.s32 v9, $0x1F  }
0x179: {  	v12 =	vshrl.u32 v12, $0x19  }
0x17a: {  	v12 =	vadd.s32 v12, v9  }
0x17b: {  	v12 =	vand.u32 $0xFFFFFF80, v12  }
0x17c: {  	v11 =	vmul.f32 v11, v10;
	v9 =	vsub.s32 v9, v12  }
0x17d: {  	s6 =	sadd.s32 $0x80, s8;
	vm0 =	veq.s32 v9, v0  }
0x17e: {  	s11 =	sadd.s32 $0x80, s7;
	[tilespmem:s6+$0xFFFFFFC0] =	vst v11;
	v11 =	vnsel vm0, $0x0, v10  }
0x17f: {  	[tilespmem:s11+$0xFFFFFFC0] =	vst v11  }
0x180: {  	v11 =	vld [tilespmem:s9+$0xFFFFFFD0];
	_ =	sdelay $0x4  }
0x181: {  	v11 =	vmul.f32 v11, v10  }
0x182: {  	vm9 =	veq.s32 v9, v2  }
0x183: {  	v58 =	vnsel vm9, $0x0, v10;
	[tilespmem:s6+$0xFFFFFFD0] =	vst v11  }
0x184: {  	[tilespmem:s11+$0xFFFFFFD0] =	vst v58  }
0x185: {  	v11 =	vld [tilespmem:s9+$0xFFFFFFE0];
	_ =	sdelay $0x4  }
0x186: {  	v11 =	vmul.f32 v11, v10  }
0x187: {  	vm10 =	veq.s32 v9, v3  }
0x188: {  	v59 =	vnsel vm10, $0x0, v10;
	[tilespmem:s6+$0xFFFFFFE0] =	vst v11  }
0x189: {  	[tilespmem:s11+$0xFFFFFFE0] =	vst v59  }
0x18a: {  	v11 =	vld [tilespmem:s9+$0xFFFFFFF0];
	_ =	sdelay $0x4  }
0x18b: {  	v11 =	vmul.f32 v11, v10  }
0x18c: {  	vm11 =	veq.s32 v9, v4  }
0x18d: {  	v60 =	vnsel vm11, $0x0, v10;
	[tilespmem:s6+$0xFFFFFFF0] =	vst v11  }
0x18e: {  	[tilespmem:s11+$0xFFFFFFF0] =	vst v60  }
0x18f: {  	v11 =	vld [tilespmem:s9+$0x0];
	_ =	sdelay $0x4  }
0x190: {  	v11 =	vmul.f32 v11, v10  }
0x191: {  	vm12 =	veq.s32 v9, v5  }
0x192: {  	v61 =	vnsel vm12, $0x0, v10;
	[tilespmem:s6+$0x0] =	vst v11  }
0x193: {  	[tilespmem:s11+$0x0] =	vst v61  }
0x194: {  	v11 =	vld [tilespmem:s9+$0x10];
	_ =	sdelay $0x4  }
0x195: {  	v11 =	vmul.f32 v11, v10  }
0x196: {  	vm13 =	veq.s32 v9, v6  }
0x197: {  	v62 =	vnsel vm13, $0x0, v10;
	[tilespmem:s6+$0x10] =	vst v11  }
0x198: {  	[tilespmem:s11+$0x10] =	vst v62  }
0x199: {  	v11 =	vld [tilespmem:s9+$0x20];
	_ =	sdelay $0x4  }
0x19a: {  	v11 =	vmul.f32 v11, v10  }
0x19b: {  	vm14 =	veq.s32 v9, v7  }
0x19c: {  	v63 =	vnsel vm14, $0x0, v10;
	[tilespmem:s6+$0x20] =	vst v11  }
0x19d: {  	[tilespmem:s11+$0x20] =	vst v63  }
0x19e: {  	v11 =	vld [tilespmem:s9+$0x30];
	_ =	sdelay $0x4  }
0x19f: {  	v11 =	vmul.f32 v11, v10  }
0x1a0: {  	vm15 =	veq.s32 v9, v8  }
.Ltmp4:
0x1a1: {  	v9 =	vnsel vm15, $0x0, v10;
	[tilespmem:s6+$0x30] =	vst v11;
	(pc) =	sbr.rel @p1 .LBB2_12-.Ltmp4, $4  }
0x1a2: {  	[tilespmem:s11+$0x30] =	vst v9  }
0x1a3: {  	[spmem:s1] =	stream.indirect.scatter.add.f32 [tilespmem:s24], [sflag:$0x3], $0x80, s31, s17, $0xb8;
	[tilespmem:$0x1FA30] =	vst v63  }
0x1a4: {  	_ = 	snop  }
0x1a5: {  	[spmem:s4] =	stream.indirect.scatter.add.f32 [tilespmem:s26], [sflag:$0x3], $0x80, s2, s17, $0xb8;
	[tilespmem:$0x1FA30] =	vst v63  }
.Ltmp5:
0x1a6: {  	(pc) =	sbr.rel .LBB2_6-.Ltmp5, $4  }
0x1a7: {  	_ = 	snop  }
0x1a8: {  	s6 =	sand.u32 $0x3FFFFF80, s16  }
0x1a9: {  	s19 =	sadd.s32 $0x1, s19;
	s6 =	sadd.s32 $0x28C0, s6  }
0x1aa: {  	[tilespmem:s20], [sflag:$0x2] =	stream.indirect.gather [hbm4b:s0+s17], $0x80, s6, s17, $0xb8;
	[tilespmem:$0x1FA30] =	vst v63  }
.LBB2_12:
0x1ab: {  	_ =	swait.ge [sflag:s29], $0x2000  }
0x1ac: {  	[sflag:s29] =	ssyncset.done $0x0  }
0x1ad: {  	[sflag:s29] =	ssyncadd.s32 $0xFFFFE000  }
0x1ae: {  	s6 =	sadd.s32 $0x0, s3;
	_ =	swait.ge [sflag:s29], $0x2000  }
0x1af: {  	p1 =	sgt.u32 s6, $0xF9;
	[sflag:s29] =	ssyncset.done $0x0  }
0x1b0: {  	s6 =	sshll.u32 @!p1 s3, $0x6;
	s7 =	sshrl.u32 @!p1 s12, $0x3;
	[sflag:s29] =	ssyncadd.s32 $0xFFFFE000  }
0x1b1: {  	s10 =	simm.s32 @!p1 $0x4;
	s6 =	sor.u32 @!p1 $0x1C04, s6;
	[bflag:$0x0] =	sbarrier.arrive $0xFFFF  }
0x1b2: {  	[hbm:s13], [sflag:s6] =	dma.local @!p1 [spmem:s7], $0x280  }
0x1b3: {  	s9 =	simm.s32 $0x20;
	s8 =	sadd.s32 $0x2800, s13;
	_ =	swait.ge @!p1 [sflag:s10], $0x280  }
0x1b4: {  	s7 =	sadd.s32 $0x14000, s12;
	s6 =	sadd.s32 $0x10, s3;
	[sflag:s10] =	ssyncset.done @!p1 $0x0  }
.LBB2_13:
0x1b5: {  	[sflag:s10] =	ssyncadd.s32 @!p1 $0xFFFFFD80  }
0x1b6: {  	p1 =	sgt.u32 s6, $0xF9;
	s6 =	smov.u32 s9;
	s9 =	sadd.s32 $0x10, s9  }
0x1b7: {  	p2 =	sne.s32 s9, $0x100  }
.Ltmp6:
0x1b8: {  	s10 =	sshll.u32 @!p1 s3, $0x6;
	s11 =	sshrl.u32 @!p1 s7, $0x3;
	(pc) =	sbr.rel @p2 .LBB2_13-.Ltmp6, $4  }
0x1b9: {  	s16 =	sor.u32 @!p1 $0x1C04, s10;
	s10 =	simm.s32 @!p1 $0x4  }
0x1ba: {  	[hbm:s8], [sflag:s16] =	dma.local @!p1 [spmem:s11], $0x280  }
0x1bb: {  	s7 =	sadd.s32 $0x14000, s7;
	_ =	swait.ge @!p1 [sflag:s10], $0x280  }
0x1bc: {  	s6 =	sadd.s32 s6, s3;
	s8 =	sadd.s32 $0x2800, s8;
	[sflag:s10] =	ssyncset.done @!p1 $0x0  }
0x1bd: {  	p2 =	sgt.u32 s6, $0xF9  }
0x1be: {  	[sflag:s10] =	ssyncadd.s32 @!p1 $0xFFFFFD80;
	s6 =	sshll.u32 @!p2 s3, $0x6  }
0x1bf: {  	s7 =	sshrl.u32 @!p2 s7, $0x3;
	s9 =	simm.s32 @!p2 $0x4;
	s6 =	sor.u32 @!p2 $0x1C04, s6  }
0x1c0: {  	[hbm:s8], [sflag:s6] =	dma.local @!p2 [spmem:s7], $0x280  }
0x1c1: {  	_ =	swait.ge @!p2 [sflag:s9], $0x280  }
0x1c2: {  	s6 =	sshrl.u32 @!p0 s4, $0x3;
	[sflag:s9] =	ssyncset.done @!p2 $0x0  }
0x1c3: {  	s7 =	simm.s32 @!p0 $0x1C04;
	s8 =	rddreg [dreg:$0x9];
	[sflag:s9] =	ssyncadd.s32 @!p2 $0xFFFFFD80  }
0x1c4: {  	[hbm:s8], [sflag:s7] =	dma.local @!p0 [spmem:s6], $0x560  }
0x1c5: {  	s6 =	simm.s32 @!p0 $0x4  }
0x1c6: {  	_ =	swait.ge @!p0 [sflag:s6], $0x560  }
0x1c7: {  	s15 =	sadd.s32 $0x1, s15;
	s19 =	rddreg [dreg:$0xa]  }
0x1c8: {  	p1 =	sne.s32 s15, s19  }
.Ltmp7:
0x1c9: {  	_ = 	snop;
	(pc) =	sbr.rel @p1 .LBB2_1-.Ltmp7, $3  }
0x1ca: {  	_ =	sdelay $0x1  }
0x1cb: {  	[sflag:s6] =	ssyncset.done @!p0 $0x0  }
0x1cc: {  	s11 =	simm.s32 $0x2800;
	[sflag:s6] =	ssyncadd.s32 @!p0 $0xFFFFFAA0  }
0x1cd: {  	_ =	sfence.sel $0x180000  }
0x1ce: {  	[bflag:$0x0] =	sbarrier.arrive $0xFFFF  }
0x1cf: {  	_ =	strace $0x9000004A  }
0x1d0: {  	[bflag:$0x2] =	sbarrier.arrive $0xFFFF  }
0x1d1: {  	s0 =	rddreg [dreg:$0x4]  }
0x1d2: {  	s0 =	sadd.s32 @!p0 $0x100000, s0  }
0x1d3: {  	[sflag:s0] =	ssyncadd.tile.s32 @!p0 $0x1;
	_ =	shalt  }
.Lfunc_end2:
_tile_overlayer_lowered:
.L_overlay_start_2:
0x1d4: {  	(tag) =	ssettag $0x2  }
0x1d5: {  	s0 =	rddreg [dreg:$0x0];
	s2 =	stileid.u32  }
0x1d6: {  	s1 =	rddreg [dreg:$0x1];
	p0 =	sne.s32 s2, $0x0  }
0x1d7: {  	s3 =	rddreg [dreg:$0x2];
	[bflag:$0x3] =	sbarrier.arrive $0xFFFF;
	s2 =	simm.s32 @!p0 $0x1C04  }
0x1d8: {  	[timem:s3], [sflag:s2] =	dma.local @!p0 [hbm:s0], s1  }
0x1d9: {  	s0 =	simm.s32 @!p0 $0x4  }
0x1da: {  	_ =	swait.ge @!p0 [sflag:s0], s1  }
0x1db: {  	s1 =	ssub.s32 @!p0 $0x0, s1;
	[sflag:s0] =	ssyncset.done @!p0 $0x0  }
0x1dc: {  	[sflag:s0] =	ssyncadd.s32 @!p0 s1  }
0x1dd: {  	[bflag:$0x3] =	sbarrier.arrive $0xFFFF  }
0x1de: {  	_ =	shalt  }

// kernel: kernel.8.cloned.1.call-start
scs
__scs_entry_jumppad:
0x0: {  	(pc) =	sbr.rel $0x88, $3  }
0x1: {  	(tag) =	ssettag $0x0;
	lr =	simm.s32 $0x1  }
0x2: {  	[smem:$0x3F98] =	sst lr;
	_ =	strace $0xD0000000  }
0x3: {  	_ = 	snop  }
0x4: {  	_ = 	snop  }
0x5: {  	_ = 	snop  }
0x6: {  	_ = 	snop  }
0x7: {  	_ = 	snop  }
__scs_overlays_trampoline_lowered:
0x8: {  	[smem:$0x3FA7] =	sst s0  }
0x9: {  	[smem:$0x3FA8] =	sst s1  }
0xa: {  	[smem:$0x3FA9] =	sst s2  }
0xb: {  	[smem:$0x3FAA] =	sst s3  }
0xc: {  	[smem:$0x3FAB] =	sst s4  }
0xd: {  	[smem:$0x3FAC] =	sst s5  }
0xe: {  	[smem:$0x3FAD] =	sst s6  }
0xf: {  	[smem:$0x3FAE] =	sst s7  }
0x10: {  	[smem:$0x3FAF] =	sst s8  }
0x11: {  	[smem:$0x3FB0] =	sst s9;
	s0 =	simm.s32 @!p0 $0x0  }
0x12: {  	s1 =	sld [smem:$0x3F96];
	s0 =	simm.s32 @p0 $0x1  }
0x13: {  	[smem:$0x3FB1] =	sst s0;
	s0 =	simm.s32 @!p1 $0x0  }
0x14: {  	s2 =	sld [smem:$0x3F95];
	s0 =	simm.s32 @p1 $0x1  }
0x15: {  	[smem:$0x3FB2] =	sst s0;
	s0 =	simm.s32 @!p2 $0x0  }
0x16: {  	s3 =	sld [smem:$0x3FDB];
	s0 =	simm.s32 @p2 $0x1  }
0x17: {  	s4 =	simm.s32 $0x1BF5;
	[smem:$0x3FB4] =	sst s0  }
0x18: {  	s0 =	sld [smem:$0x3F97];
	_ =	swait.ge [sflag:s4], $0x0  }
0x19: {  	s7 =	sld [smem:$0x3F98]  }
0x1a: {  	s8 =	sadd.s32 $0xFFFFE003, lr  }
0x1b: {  	s9 =	sadd.s32 $0xFFFFFEF7, lr;
	s5 =	simm.s32 $0xFFFFFFFF;
	p2 =	slt.u32 s8, $0xFFFFF086  }
0x1c: {  	p1 =	slt.u32 s9, $0xF7A;
	s5 =	simm.s32 @!p2 $0x0  }
0x1d: {  	s5 =	simm.s32 @p1 $0x1;
	p0 =	seq.s32 s7, s2  }
0x1e: {  	s7 =	smul.u32 @!p0 $0xF7A, s2;
	p2 =	seq.s32 @!p0 s5, $0x0  }
0x1f: {  	s9 =	smul.u32 $0xF7A, s1;
	s8 =	simm.s32 @!p0 $0x1BF5;
	p2 =	por !p2, p0  }
0x20: {  	[sflag:s8] =	ssyncset.s32 @!p0 $0xFFFFF086;
	s6 =	sadd.s32 @!p0 s3, s7;
	s7 =	simm.s32 @!p0 $0x108  }
0x21: {  	s3 =	sadd.s32 s3, s9;
	s6 =	sadd.s32 @!p0 $0x88, s6;
	s7 =	simm.s32 @p2 $0x1082  }
0x22: {  	[simem:s7], [sflag:s8] =	dma.local @!p0 [hbm:s6], $0xF7A  }
0x23: {  	s9 =	sor.u32 $0xD0000000, s2;
	s6 =	simm.s32 $0x108;
	_ =	swait.ge @!p0 [sflag:s8], $0x0  }
0x24: {  	s3 =	sadd.s32 $0x88, s3;
	s6 =	simm.s32 @!p1 $0x1082;
	[sflag:s4] =	ssyncset.s32 $0xFFFFF086  }
0x25: {  	[simem:s6], [sflag:s4] =	dma.local [hbm:s3], $0xF7A  }
0x26: {  	[smem:$0x3F98] =	sst s1;
	(tag) =	ssettag s2;
	_ =	strace s9  }
0x27: {  	s1 =	sld [smem:$0x3FA8]  }
0x28: {  	s2 =	sld [smem:$0x3FA9]  }
0x29: {  	s4 =	sld [smem:$0x3FAB]  }
0x2a: {  	p0 =	seq.s32 s5, $0x0;
	s5 =	sld [smem:$0x3FAC]  }
0x2b: {  	s6 =	sld [smem:$0x3FAD]  }
0x2c: {  	s7 =	sld [smem:$0x3FAE]  }
0x2d: {  	s3 =	simm.s32 $0x108;
	s8 =	sld [smem:$0x3FAF]  }
0x2e: {  	s3 =	simm.s32 @!p0 $0x1082;
	s9 =	sld [smem:$0x3FB0]  }
0x2f: {  	lr =	sadd.s32 s0, s3;
	s0 =	sld [smem:$0x3FA7]  }
0x30: {  	s3 =	sld [smem:$0x3FAA]  }
0x31: {  	[smem:$0x3FB3] =	sst s10  }
0x32: {  	s10 =	sld [smem:$0x3FB1];
	_ =	sdelay $0x3  }
0x33: {  	p0 =	seq.s32 s10, $0x1;
	s10 =	sld [smem:$0x3FB3];
	_ =	sdelay $0x3  }
0x34: {  	[smem:$0x3FB3] =	sst s10  }
0x35: {  	s10 =	sld [smem:$0x3FB2];
	_ =	sdelay $0x3  }
0x36: {  	p1 =	seq.s32 s10, $0x1;
	s10 =	sld [smem:$0x3FB3];
	_ =	sdelay $0x3  }
0x37: {  	[smem:$0x3FB3] =	sst s10  }
0x38: {  	s10 =	sld [smem:$0x3FB4]  }
0x39: {  	_ = 	snop;
	(pc) =	sbr.ind lr, $3  }
0x3a: {  	_ = 	snop  }
0x3b: {  	_ = 	snop  }
0x3c: {  	p2 =	seq.s32 s10, $0x1;
	s10 =	sld [smem:$0x3FB3]  }
0x3d: {  	_ =	shalt  }
0x3e: {  	_ =	shalt  }
0x3f: {  	_ =	shalt  }
0x40: {  	_ =	shalt  }
0x41: {  	_ =	shalt  }
0x42: {  	_ =	shalt  }
0x43: {  	_ =	shalt  }
0x44: {  	_ =	shalt  }
0x45: {  	_ =	shalt  }
0x46: {  	_ =	shalt  }
0x47: {  	_ =	shalt  }
0x48: {  	_ =	shalt  }
0x49: {  	_ =	shalt  }
0x4a: {  	_ =	shalt  }
0x4b: {  	_ =	shalt  }
0x4c: {  	_ =	shalt  }
0x4d: {  	_ =	shalt  }
0x4e: {  	_ =	shalt  }
0x4f: {  	_ =	shalt  }
0x50: {  	_ =	shalt  }
0x51: {  	_ =	shalt  }
0x52: {  	_ =	shalt  }
0x53: {  	_ =	shalt  }
0x54: {  	_ =	shalt  }
0x55: {  	_ =	shalt  }
0x56: {  	_ =	shalt  }
0x57: {  	_ =	shalt  }
0x58: {  	_ =	shalt  }
0x59: {  	_ =	shalt  }
0x5a: {  	_ =	shalt  }
0x5b: {  	_ =	shalt  }
0x5c: {  	_ =	shalt  }
0x5d: {  	_ =	shalt  }
0x5e: {  	_ =	shalt  }
0x5f: {  	_ =	shalt  }
0x60: {  	_ =	shalt  }
0x61: {  	_ =	shalt  }
0x62: {  	_ =	shalt  }
0x63: {  	_ =	shalt  }
0x64: {  	_ =	shalt  }
0x65: {  	_ =	shalt  }
0x66: {  	_ =	shalt  }
0x67: {  	_ =	shalt  }
0x68: {  	_ =	shalt  }
0x69: {  	_ =	shalt  }
0x6a: {  	_ =	shalt  }
0x6b: {  	_ =	shalt  }
0x6c: {  	_ =	shalt  }
0x6d: {  	_ =	shalt  }
0x6e: {  	_ =	shalt  }
0x6f: {  	_ =	shalt  }
0x70: {  	_ =	shalt  }
0x71: {  	_ =	shalt  }
0x72: {  	_ =	shalt  }
0x73: {  	_ =	shalt  }
0x74: {  	_ =	shalt  }
0x75: {  	_ =	shalt  }
0x76: {  	_ =	shalt  }
0x77: {  	_ =	shalt  }
0x78: {  	_ =	shalt  }
0x79: {  	_ =	shalt  }
0x7a: {  	_ =	shalt  }
0x7b: {  	_ =	shalt  }
0x7c: {  	_ =	shalt  }
0x7d: {  	_ =	shalt  }
0x7e: {  	_ =	shalt  }
0x7f: {  	_ =	shalt  }
0x80: {  	_ =	shalt  }
0x81: {  	_ =	shalt  }
0x82: {  	_ =	shalt  }
0x83: {  	_ =	shalt  }
0x84: {  	_ =	shalt  }
0x85: {  	_ =	shalt  }
0x86: {  	_ =	shalt  }
0x87: {  	_ =	shalt  }
.Lfunc_end0:
.L_simem_size_0:
called_computation_lowered:
.L_overlay_start_0:
0x88: {  	s2 =	sld [smem:$0x3FD9]  }
0x89: {  	s3 =	sld [smem:$0x3FFE];
	_ =	sdelay $0x1  }
0x8a: {  	s1 =	srdreg.scid  }
0x8b: {  	s0 =	sand.u32 $0x1, s1  }
0x8c: {  	s17 =	sshll.u32 s0, $0xA;
	s2 =	sadd.s32 s3, s2  }
0x8d: {  	s2 =	sadd.s32 s2, s17  }
0x8e: {  	[smem:$0x3FBF] =	sst s2  }
0x8f: {  	_ = 	snop  }
0x90: {  	s2 =	sld [smem:$0x3FC7]  }
0x91: {  	s18 =	sld [smem:$0x3FD0];
	(tm) =	ssettm $0x1  }
0x92: {  	s4 =	sld [smem:$0x3FFB];
	_ =	sdelay $0x3  }
0x93: {  	_ =	strace s4  }
0x94: {  	s4 =	sld [smem:$0x3FFC];
	_ =	sdelay $0x3  }
0x95: {  	_ =	strace s4  }
0x96: {  	s4 =	sld [smem:$0x3FFD];
	_ =	sdelay $0x3  }
0x97: {  	_ =	strace s4  }
0x98: {  	_ =	strace $0x8FFFFFFF  }
0x99: {  	s19 =	sld [smem:$0x3FDB];
	_ =	sdelay $0x1  }
0x9a: {  	s5 =	simm.s32 $_scs_section_size  }
0x9b: {  	s6 =	simm.s32 $_size__tile_overlayer_lowered;
	s7 =	simm.s32 $_tile_overlayer_lowered  }
0x9c: {  	s22 =	simm.s32 $0x1BFF;
	s21 =	sshll.u32 s7, $0x1;
	s4 =	sadd.s32 s5, s19  }
0x9d: {  	s8 =	simm.s32 $0x0;
	s20 =	sshll.u32 s6, $0x1;
	s6 =	sadd.s32 s21, s4  }
0x9e: {  	[timem:s8], [sflag:s22] =	dma.local [hbm:s6], s20  }
0x9f: {  	_ =	swait.ge [sflag:s22], s20  }
0xa0: {  	s5 =	ssub.s32 $0x0, s20;
	[sflag:s22] =	ssyncset.done $0x0  }
0xa1: {  	[sflag:s22] =	ssyncadd.s32 s5;
	_ =	sdelay $0x1  }
0xa2: {  	s23 =	simm.s32 $0x1B8B  }
0xa3: {  	_ =	swait.ge [sflag:s23], $0x1  }
0xa4: {  	[sflag:s23] =	ssyncset.done $0x0  }
0xa5: {  	s25 =	simm.s32 $0x1B8E;
	s24 =	sld [smem:$0x3FFE];
	[sflag:s23] =	ssyncadd.s32 $0xFFFFFFFF  }
0xa6: {  	s26 =	simm.s32 $execute0_lowered;
	[smem:$0x3FD2] =	sst s25  }
0xa7: {  	s6 =	sshll.u32 s26, $0x1;
	_ =	strace $0x80000046;
	[dreg:$0x1] =	wrdreg $0xFFFFFFFF  }
0xa8: {  	s28 =	simm.s32 $_size_execute0_lowered;
	s4 =	sadd.s32 s4, s6;
	[dreg:$0x0] =	wrdreg $0x0  }
0xa9: {  	s6 =	sshll.u32 s28, $0x1;
	[dreg:$0x2] =	wrdreg s4  }
0xaa: {  	[dreg:$0x3] =	wrdreg s6  }
0xab: {  	[dreg:$0x4] =	wrdreg $0xC0  }
0xac: {  	_ =	task [dreg:s8], $0x5FFFF  }
0xad: {  	[dreg:$0x1] =	wrdreg $0xFFFFFFFF  }
0xae: {  	[dreg:$0x0] =	wrdreg $0x60  }
0xaf: {  	[dreg:$0x2] =	wrdreg s18  }
0xb0: {  	[dreg:$0x3] =	wrdreg s2  }
0xb1: {  	[dreg:$0x4] =	wrdreg s24  }
0xb2: {  	[dreg:$0x5] =	wrdreg $0x9  }
0xb3: {  	_ =	task.clear_ibuf [dreg:s8], $0x6FFFF;
	_ =	strace $0x90000046  }
0xb4: {  	s29 =	simm.s32 $0x9;
	_ =	strace $0x80000048  }
0xb5: {  	_ =	swait.ge [sflag:s29], $0x1  }
0xb6: {  	[sflag:s29] =	ssyncadd.s32 $0xFFFFFFFF  }
0xb7: {  	_ =	strace $0x90000048  }
0xb8: {  	_ =	sfence  }
0xb9: {  	s30 =	sld [smem:$0x0];
	_ =	sdelay $0x2  }
0xba: {  	s31 =	sshll.u32 s1, $0xD;
	s1 =	sshrl.u32 s1, $0x2  }
0xbb: {  	s3 =	sand.u32 $0x4000, s31;
	s1 =	sadd.s32 s1, s30  }
0xbc: {  	s0 =	sor.u32 s3, s0;
	s1 =	sshll.u32 s1, $0x11  }
0xbd: {  	s0 =	sor.u32 s1, s0  }
0xbe: {  	s0 =	sadd.s32 $0x8F2B, s0  }
0xbf: {  	[sflag:s0] =	ssyncadd.remote.s32 $0x1  }
0xc0: {  	_ =	sfence.sel $0xFFFF  }
0xc1: {  	[dreg:$0x0] =	wrdreg $0xFFFFFFFF;
	(pc) =	sbr.abs _section_cstart, $3  }
0xc2: {  	[dreg:$0x1] =	wrdreg $0xFFFFFFFF  }
0xc3: {  	_ =	task.clear_ibuf [dreg:s8], $0x2FFFF;
	_ =	strace $0x9FFFFFFF  }
0xc4: {  	(tm) =	ssettm $0x7FFFFFFF  }
0xc5: {  	_ =	shalt  }
tec
execute0_lowered:
.L_overlay_start_1:
0x0: {  	(tag) =	ssettag $0x1  }
0x1: {  	s1 =	rddreg [dreg:$0x0]  }
0x2: {  	s2 =	rddreg [dreg:$0x1]  }
0x3: {  	s6 =	rddreg [dreg:$0x2]  }
0x4: {  	s0 =	rddreg [dreg:$0x3];
	s4 =	simm.s32 $0x0  }
0x5: {  	s3 =	stileid.u32;
	s5 =	srdreg.scid;
	s12 =	simm.s32 $0x4  }
0x6: {  	s13 =	simm.s32 $0x80;
	s14 =	simm.s32 $0x100;
	s15 =	simm.s32 $0x180  }
0x7: {  	s16 =	simm.s32 $0x4180;
	s17 =	simm.s32 $0x8180;
	s18 =	simm.s32 $0x1  }
0x8: {  	s19 =	simm.s32 $0x2;
	s20 =	simm.s32 $0x3;
	s21 =	simm.s32 $0x0  }
0x9: {  	[smem:$0x7FF] =	sst s4;
	s7 =	sshll.u32 s3, $0xC;
	s5 =	sand.u32 $0x1, s5  }
0xa: {  	s9 =	sshll.u32 s3, $0x8;
	_ =	strace $0x80000047;
	s8 =	ssub.s32 $0x2, s5  }
0xb: {  	s10 =	sshll.u32 s5, $0x7;
	s7 =	sadd.s32 s7, s6;
	s30 =	sshll.u32 s5, $0xB  }
0xc: {  	s11 =	sshrl.u32 s8, $0x1;
	s9 =	sor.u32 s10, s9;
	s31 =	sadd.s32 s30, s7  }
0xd: {  	s8 =	ssub.s32 s8, s11;
	s9 =	sshrl.u32 s9, $0x3;
	s10 =	sadd.s32 $0x299000, s31  }
0xe: {  	s11 =	sadd.s32 $0x519000, s31;
	s5 =	smax.u32 s8, $0x1;
	s6 =	sadd.s32 s9, s6  }
0xf: {  	s9 =	sadd.s32 $0x19000, s31;
	s7 =	sadd.s32 $0x5000, s6;
	s8 =	sadd.s32 $0xA000, s6  }
.LBB2_1:
0x10: {  	s22 =	sadd.s32 $0x0, s8  }
0x11: {  	[tilespmem:s4], [sflag:$0x4] =	stream.linear.gather [hbm4b:s22+s4], $0x80, $0x38;
	[tilespmem:$0xC180] =	vst v63  }
0x12: {  	_ =	swait.ge [sflag:s12], $0x80  }
0x13: {  	[sflag:s12] =	ssyncset.done $0x0  }
0x14: {  	s30 =	sadd.s32 $0x0, s6;
	[sflag:s12] =	ssyncadd.s32 $0xFFFFFF80  }
0x15: {  	[tilespmem:s13], [sflag:$0x4] =	stream.linear.gather [hbm4b:s30+s4], $0x80, $0x38;
	[tilespmem:$0xC180] =	vst v63  }
0x16: {  	_ =	swait.ge [sflag:s12], $0x80  }
0x17: {  	[sflag:s12] =	ssyncset.done $0x0  }
0x18: {  	s31 =	sadd.s32 $0x0, s7;
	[sflag:s12] =	ssyncadd.s32 $0xFFFFFF80  }
0x19: {  	[tilespmem:s14], [sflag:$0x4] =	stream.linear.gather [hbm4b:s31+s4], $0x80, $0x38;
	[tilespmem:$0xC180] =	vst v63  }
0x1a: {  	_ =	swait.ge [sflag:s12], $0x80  }
0x1b: {  	[sflag:s12] =	ssyncset.done $0x0  }
0x1c: {  	[sflag:s12] =	ssyncadd.s32 $0xFFFFFF80  }
0x1d: {  	[tilespmem:s15], [sflag:$0x1] =	stream.indirect.gather [hbm4b:s1+s13], $0x80, s4, s13, $0xb8;
	[tilespmem:$0xC180] =	vst v63  }
0x1e: {  	_ = 	snop  }
0x1f: {  	[tilespmem:s16], [sflag:$0x2] =	stream.indirect.gather [hbm4b:s2+s13], $0x80, s13, s13, $0xb8;
	[tilespmem:$0xC180] =	vst v63  }
0x20: {  	_ = 	snop  }
0x21: {  	[tilespmem:s17], [sflag:$0x3] =	stream.indirect.gather [hbm4b:s1+s13], $0x80, s14, s13, $0xb8;
	[tilespmem:$0xC180] =	vst v63  }
0x22: {  	_ =	swait.ge [sflag:s18], $0x4000  }
0x23: {  	[sflag:s18] =	ssyncset.done $0x0  }
0x24: {  	[sflag:s18] =	ssyncadd.s32 $0xFFFFC000  }
0x25: {  	_ =	swait.ge [sflag:s19], $0x4000  }
0x26: {  	[sflag:s19] =	ssyncset.done $0x0  }
0x27: {  	[sflag:s19] =	ssyncadd.s32 $0xFFFFC000  }
0x28: {  	_ =	swait.ge [sflag:s20], $0x4000  }
0x29: {  	[sflag:s20] =	ssyncset.done $0x0  }
0x2a: {  	[sflag:s20] =	ssyncadd.s32 $0xFFFFC000  }
0x2b: {  	[hbm4b:s9+s4] =	stream.linear.scatter [tilespmem:s15], [sflag:$0x4], $0x4000, $0x38;
	[tilespmem:$0xC180] =	vst v63  }
0x2c: {  	_ =	swait.ge [sflag:s12], $0x4000  }
0x2d: {  	[sflag:s12] =	ssyncset.done $0x0  }
0x2e: {  	[sflag:s12] =	ssyncadd.s32 $0xFFFFC000  }
0x2f: {  	[hbm4b:s10+s4] =	stream.linear.scatter [tilespmem:s16], [sflag:$0x4], $0x4000, $0x38;
	[tilespmem:$0xC180] =	vst v63  }
0x30: {  	_ =	swait.ge [sflag:s12], $0x4000  }
0x31: {  	[sflag:s12] =	ssyncset.done $0x0  }
0x32: {  	s25 =	simm.s32 $0x200;
	[sflag:s12] =	ssyncadd.s32 $0xFFFFC000  }
0x33: {  	[hbm4b:s11+s4] =	stream.linear.scatter [tilespmem:s17], [sflag:$0x4], $0x4000, $0x38;
	[tilespmem:$0xC180] =	vst v63  }
0x34: {  	s28 =	simm.s32 $0x400;
	s24 =	sadd.s32 $0x10000, s9;
	_ =	swait.ge [sflag:s12], $0x4000  }
0x35: {  	s23 =	sadd.s32 $0x10000, s10;
	s22 =	sadd.s32 $0x10000, s11;
	[sflag:s12] =	ssyncset.done $0x0  }
.LBB2_2:
0x36: {  	s29 =	sadd.s32 s25, s8  }
0x37: {  	[sflag:s12] =	ssyncadd.s32 $0xFFFFC000;
	s30 =	smov.u32 s28;
	s26 =	sadd.s32 $0x200, s28  }
0x38: {  	[tilespmem:s4], [sflag:$0x4] =	stream.linear.gather [hbm4b:s29+s4], $0x80, $0x38;
	[tilespmem:$0xC180] =	vst v63  }
0x39: {  	p0 =	sne.s32 s28, $0x4E00;
	_ =	swait.ge [sflag:s12], $0x80  }
0x3a: {  	[sflag:s12] =	ssyncset.done $0x0  }
0x3b: {  	s28 =	sadd.s32 s25, s6;
	[sflag:s12] =	ssyncadd.s32 $0xFFFFFF80  }
0x3c: {  	[tilespmem:s13], [sflag:$0x4] =	stream.linear.gather [hbm4b:s28+s4], $0x80, $0x38;
	[tilespmem:$0xC180] =	vst v63  }
0x3d: {  	_ =	swait.ge [sflag:s12], $0x80  }
0x3e: {  	[sflag:s12] =	ssyncset.done $0x0  }
0x3f: {  	s28 =	sadd.s32 s25, s7;
	s25 =	smov.u32 s30;
	[sflag:s12] =	ssyncadd.s32 $0xFFFFFF80  }
0x40: {  	[tilespmem:s14], [sflag:$0x4] =	stream.linear.gather [hbm4b:s28+s4], $0x80, $0x38;
	[tilespmem:$0xC180] =	vst v63  }
0x41: {  	_ =	swait.ge [sflag:s12], $0x80  }
0x42: {  	[sflag:s12] =	ssyncset.done $0x0  }
0x43: {  	[sflag:s12] =	ssyncadd.s32 $0xFFFFFF80  }
0x44: {  	[tilespmem:s15], [sflag:$0x1] =	stream.indirect.gather [hbm4b:s1+s13], $0x80, s4, s13, $0xb8;
	[tilespmem:$0xC180] =	vst v63  }
0x45: {  	_ = 	snop  }
0x46: {  	[tilespmem:s16], [sflag:$0x2] =	stream.indirect.gather [hbm4b:s2+s13], $0x80, s13, s13, $0xb8;
	[tilespmem:$0xC180] =	vst v63  }
0x47: {  	_ = 	snop  }
0x48: {  	[tilespmem:s17], [sflag:$0x3] =	stream.indirect.gather [hbm4b:s1+s13], $0x80, s14, s13, $0xb8;
	[tilespmem:$0xC180] =	vst v63  }
0x49: {  	_ =	swait.ge [sflag:s18], $0x4000  }
0x4a: {  	[sflag:s18] =	ssyncset.done $0x0  }
0x4b: {  	[sflag:s18] =	ssyncadd.s32 $0xFFFFC000  }
0x4c: {  	_ =	swait.ge [sflag:s19], $0x4000  }
0x4d: {  	[sflag:s19] =	ssyncset.done $0x0  }
0x4e: {  	[sflag:s19] =	ssyncadd.s32 $0xFFFFC000  }
0x4f: {  	_ =	swait.ge [sflag:s20], $0x4000  }
0x50: {  	[sflag:s20] =	ssyncset.done $0x0  }
0x51: {  	[sflag:s20] =	ssyncadd.s32 $0xFFFFC000  }
0x52: {  	[hbm4b:s24+s4] =	stream.linear.scatter [tilespmem:s15], [sflag:$0x4], $0x4000, $0x38;
	[tilespmem:$0xC180] =	vst v63  }
0x53: {  	_ =	swait.ge [sflag:s12], $0x4000  }
0x54: {  	[sflag:s12] =	ssyncset.done $0x0  }
0x55: {  	[sflag:s12] =	ssyncadd.s32 $0xFFFFC000  }
0x56: {  	[hbm4b:s23+s4] =	stream.linear.scatter [tilespmem:s16], [sflag:$0x4], $0x4000, $0x38;
	[tilespmem:$0xC180] =	vst v63  }
0x57: {  	_ =	swait.ge [sflag:s12], $0x4000  }
.Ltmp0:
0x58: {  	[sflag:s12] =	ssyncset.done $0x0;
	(pc) =	sbr.rel @p0 .LBB2_2-.Ltmp0, $4  }
0x59: {  	[sflag:s12] =	ssyncadd.s32 $0xFFFFC000  }
0x5a: {  	[hbm4b:s22+s4] =	stream.linear.scatter [tilespmem:s17], [sflag:$0x4], $0x4000, $0x38;
	[tilespmem:$0xC180] =	vst v63  }
0x5b: {  	s28 =	smov.u32 s26;
	s22 =	sadd.s32 $0x10000, s22;
	_ =	swait.ge [sflag:s12], $0x4000  }
0x5c: {  	s24 =	sadd.s32 $0x10000, s24;
	s23 =	sadd.s32 $0x10000, s23;
	[sflag:s12] =	ssyncset.done $0x0  }
0x5d: {  	s26 =	sadd.s32 s25, s8;
	[sflag:s12] =	ssyncadd.s32 $0xFFFFC000  }
0x5e: {  	[tilespmem:s4], [sflag:$0x4] =	stream.linear.gather [hbm4b:s26+s4], $0x80, $0x38;
	[tilespmem:$0xC180] =	vst v63  }
0x5f: {  	_ =	swait.ge [sflag:s12], $0x80  }
0x60: {  	[sflag:s12] =	ssyncset.done $0x0  }
0x61: {  	s30 =	sadd.s32 s25, s6;
	[sflag:s12] =	ssyncadd.s32 $0xFFFFFF80  }
0x62: {  	[tilespmem:s13], [sflag:$0x4] =	stream.linear.gather [hbm4b:s30+s4], $0x80, $0x38;
	[tilespmem:$0xC180] =	vst v63  }
0x63: {  	_ =	swait.ge [sflag:s12], $0x80  }
0x64: {  	[sflag:s12] =	ssyncset.done $0x0  }
0x65: {  	s31 =	sadd.s32 s25, s7;
	[sflag:s12] =	ssyncadd.s32 $0xFFFFFF80  }
0x66: {  	[tilespmem:s14], [sflag:$0x4] =	stream.linear.gather [hbm4b:s31+s4], $0x80, $0x38;
	[tilespmem:$0xC180] =	vst v63  }
0x67: {  	_ =	swait.ge [sflag:s12], $0x80  }
0x68: {  	[sflag:s12] =	ssyncset.done $0x0  }
0x69: {  	[sflag:s12] =	ssyncadd.s32 $0xFFFFFF80  }
0x6a: {  	[tilespmem:s15], [sflag:$0x1] =	stream.indirect.gather [hbm4b:s1+s13], $0x80, s4, s13, $0xb8;
	[tilespmem:$0xC180] =	vst v63  }
0x6b: {  	_ = 	snop  }
0x6c: {  	[tilespmem:s16], [sflag:$0x2] =	stream.indirect.gather [hbm4b:s2+s13], $0x80, s13, s13, $0xb8;
	[tilespmem:$0xC180] =	vst v63  }
0x6d: {  	_ = 	snop  }
0x6e: {  	[tilespmem:s17], [sflag:$0x3] =	stream.indirect.gather [hbm4b:s1+s13], $0x80, s14, s13, $0xb8;
	[tilespmem:$0xC180] =	vst v63  }
0x6f: {  	_ =	swait.ge [sflag:s18], $0x4000  }
0x70: {  	[sflag:s18] =	ssyncset.done $0x0  }
0x71: {  	[sflag:s18] =	ssyncadd.s32 $0xFFFFC000  }
0x72: {  	_ =	swait.ge [sflag:s19], $0x4000  }
0x73: {  	[sflag:s19] =	ssyncset.done $0x0  }
0x74: {  	[sflag:s19] =	ssyncadd.s32 $0xFFFFC000  }
0x75: {  	_ =	swait.ge [sflag:s20], $0x4000  }
0x76: {  	[sflag:s20] =	ssyncset.done $0x0  }
0x77: {  	[sflag:s20] =	ssyncadd.s32 $0xFFFFC000  }
0x78: {  	[hbm4b:s24+s4] =	stream.linear.scatter [tilespmem:s15], [sflag:$0x4], $0x4000, $0x38;
	[tilespmem:$0xC180] =	vst v63  }
0x79: {  	_ =	swait.ge [sflag:s12], $0x4000  }
0x7a: {  	[sflag:s12] =	ssyncset.done $0x0  }
0x7b: {  	[sflag:s12] =	ssyncadd.s32 $0xFFFFC000  }
0x7c: {  	[hbm4b:s23+s4] =	stream.linear.scatter [tilespmem:s16], [sflag:$0x4], $0x4000, $0x38;
	[tilespmem:$0xC180] =	vst v63  }
0x7d: {  	s21 =	sadd.s32 $0x1, s21;
	_ =	swait.ge [sflag:s12], $0x4000  }
0x7e: {  	p0 =	sne.s32 s21, s5;
	[sflag:s12] =	ssyncset.done $0x0  }
.Ltmp1:
0x7f: {  	[sflag:s12] =	ssyncadd.s32 $0xFFFFC000;
	(pc) =	sbr.rel @p0 .LBB2_1-.Ltmp1, $4  }
0x80: {  	[hbm4b:s22+s4] =	stream.linear.scatter [tilespmem:s17], [sflag:$0x4], $0x4000, $0x38;
	[tilespmem:$0xC180] =	vst v63  }
0x81: {  	_ =	swait.ge [sflag:s12], $0x4000  }
0x82: {  	[sflag:s12] =	ssyncset.done $0x0  }
0x83: {  	[sflag:s12] =	ssyncadd.s32 $0xFFFFC000  }
0x84: {  	_ =	sfence.sel $0x180000  }
0x85: {  	[bflag:$0x0] =	sbarrier.arrive $0xFFFF  }
0x86: {  	p0 =	sne.s32 s3, $0x0;
	_ =	strace $0x90000047  }
0x87: {  	s0 =	sadd.s32 @!p0 $0x100000, s0;
	[bflag:$0x2] =	sbarrier.arrive $0xFFFF  }
0x88: {  	[sflag:s0] =	ssyncadd.tile.s32 @!p0 $0x1;
	_ =	shalt  }
.Lfunc_end2:
_tile_overlayer_lowered:
.L_overlay_start_2:
0x89: {  	(tag) =	ssettag $0x2  }
0x8a: {  	s0 =	rddreg [dreg:$0x0];
	s2 =	stileid.u32  }
0x8b: {  	s1 =	rddreg [dreg:$0x1];
	p0 =	sne.s32 s2, $0x0  }
0x8c: {  	s3 =	rddreg [dreg:$0x2];
	[bflag:$0x3] =	sbarrier.arrive $0xFFFF;
	s2 =	simm.s32 @!p0 $0x1C04  }
0x8d: {  	[timem:s3], [sflag:s2] =	dma.local @!p0 [hbm:s0], s1  }
0x8e: {  	s0 =	simm.s32 @!p0 $0x4  }
0x8f: {  	_ =	swait.ge @!p0 [sflag:s0], s1  }
0x90: {  	s1 =	ssub.s32 @!p0 $0x0, s1;
	[sflag:s0] =	ssyncset.done @!p0 $0x0  }
0x91: {  	[sflag:s0] =	ssyncadd.s32 @!p0 s1  }
0x92: {  	[bflag:$0x3] =	sbarrier.arrive $0xFFFF  }
0x93: {  	_ =	shalt  }

</sc_bundles>
